<compile_context>
chip_gen: v7x
topology: tpu7x:2x2x1
jax: 0.10.2.dev20260603
libtpu: 0.0.44.dev20260713+nightly
codegen_flags: <defaults>
</compile_context>

<pallas_src>
import jax
import jax.numpy as jnp
from jax import lax
from jax.experimental import pallas as pl
from jax.experimental.pallas import tpu as pltpu
from jax.experimental.pallas import tpu_sc as plsc
from jax._src.pallas import mpmd

B, S, C, T = 16, 4, 2, 131072
P = B * S
NW = 32
CHB = 32768
NCH = T // CHB
NB = 3
RPW = 3
TEC_ROWS = NW * RPW
SCS_PAIRS = (C * P - TEC_ROWS) // C // 2


def _tec_body(y_hbm, left_hbm, out_hbm, bufa, bufb):
    def inner(left_v, b0, b1, b2, rs0, rs1, rs2, ws0, ws1, ws2, fsem):
        bufs = [b0, b1, b2]
        rsems = [rs0, rs1, rs2]
        wsems = [ws0, ws1, ws2]

        cid = lax.axis_index("c")
        sid = lax.axis_index("s")
        w = sid * 2 + cid
        r0 = RPW * w

        rows = [r0, r0 + 1, r0 + 2]
        prs = [r // C for r in rows]
        pcs = [r % C for r in rows]
        xfers = [
            (prs[k] // S, prs[k] % S, pcs[k], j * CHB, k)
            for k in range(RPW)
            for j in range(NCH)
        ]
        n = len(xfers)

        def read(i):
            bb, ss, sc, col, _ = xfers[i]
            return pltpu.async_copy(
                y_hbm.at[bb, ss, sc, pl.ds(col, CHB)],
                bufs[i % NB], rsems[i % NB],
            )

        fdesc = pltpu.async_copy(left_hbm, left_v.at[pl.ds(0, P)], fsem)
        rdesc = [None] * NB
        wdesc = [None] * NB
        for t in range(NB - 1):
            rdesc[t] = read(t)
        fdesc.wait()
        p_lo = prs[0]
        lv = left_v[pl.ds(p_lo, 16)]
        f0 = lv[0]
        f1 = lv[1]
        dch = []
        for k in range(RPW):
            o = prs[k] - p_lo
            fk = f0 * (1 - o) + f1 * o
            dch.append(pcs[k] + fk - 2 * pcs[k] * fk)

        for t in range(n):
            rdesc[t % NB].wait()
            bb, ss, _, col, k = xfers[t]
            wdesc[t % NB] = pltpu.async_copy(
                bufs[t % NB], out_hbm.at[bb, ss, dch[k], pl.ds(col, CHB)],
                wsems[t % NB],
            )
            nxt = t + NB - 1
            if nxt < n:
                if t >= 1:
                    wdesc[(t - 1) % NB].wait()
                rdesc[nxt % NB] = read(nxt)
        for j in range(n - NB, n):
            wdesc[j % NB].wait()

    pl.run_scoped(
        inner,
        pltpu.VMEM((P + 16,), jnp.int32),
        *[pltpu.VMEM((CHB,), jnp.float32) for _ in range(NB)],
        *[pltpu.SemaphoreType.DMA for _ in range(2 * NB + 1)],
    )


def _scs_body(y_hbm, left_hbm, out_hbm, bufa, bufb):
    def inner(flags, sa, sb, wa, wb):
        cid = lax.axis_index("c")
        p0 = TEC_ROWS // C + cid * SCS_PAIRS

        pltpu.sync_copy(left_hbm, flags)

        for k in range(SCS_PAIRS):
            p = p0 + k
            bb = p // S
            ss = p % S
            l = flags[p]
            ra = pltpu.async_copy(y_hbm.at[bb, ss, 0], bufa, sa)
            rb = pltpu.async_copy(y_hbm.at[bb, ss, 1], bufb, sb)
            ra.wait()
            wda = pltpu.async_copy(bufa, out_hbm.at[bb, ss, l], wa)
            rb.wait()
            wdb = pltpu.async_copy(bufb, out_hbm.at[bb, ss, 1 - l], wb)
            wda.wait()
            wdb.wait()

    pl.run_scoped(
        inner,
        pltpu.SMEM((P,), jnp.int32),
        *[pltpu.SemaphoreType.DMA for _ in range(4)],
    )


@jax.jit
def _flip(y, lf):
    scalar_mesh = plsc.ScalarSubcoreMesh(axis_name="c", num_cores=2)
    vector_mesh = plsc.VectorSubcoreMesh(
        core_axis_name="c", subcore_axis_name="s"
    )
    return mpmd.mpmd_map(
        [(vector_mesh, _tec_body), (scalar_mesh, _scs_body)],
        out_types=jax.ShapeDtypeStruct((B, S, C, T), jnp.float32),
        scratch_types=[
            pltpu.VMEM_SHARED((T,), jnp.float32),
            pltpu.VMEM_SHARED((T,), jnp.float32),
        ],
    )(y, lf)


def kernel(y, left):
    lf = left.reshape(P).astype(jnp.int32)
    return _flip(y, lf)

# --- scband reference (transcript-rebuilt; emitter-appended) ---
"""Pipeline reference for scband-flip-channels-72464688218451 (READ-ONLY COPY).

The authoritative reference and input builder live on the scoring server;
editing this copy changes nothing except your own understanding.
"""

import jax, jax.numpy as jnp
import numpy as np

B, S, C, T = 16, 4, 2, 131072

def setup_inputs(seed: int = 0) -> dict:
    key = jax.random.key(seed)
    k1, k2 = jax.random.split(key)
    y = jax.random.normal(k1, (B, S, C, T), dtype=jnp.float32)
    # torch module draws torch.randint(2, (B,S,1,1)) internally during training;
    # we materialize it as an explicit input for determinism.
    left = jax.random.randint(k2, (B, S, 1, 1), 0, 2, dtype=jnp.int64)
    return {"y": y, "left": left}

def reference(y, left):
    b, s, c, t = y.shape
    # training path with C == 2: randomly swap the two channels per (B, S)
    left_e = jnp.broadcast_to(left, (b, s, 1, t))
    right_e = 1 - left_e
    ch0 = jnp.take_along_axis(y, left_e, axis=2)
    ch1 = jnp.take_along_axis(y, right_e, axis=2)
    return jnp.concatenate([ch0, ch1], axis=2)

if __name__ == "__main__":
    import jax
    _d = setup_inputs()
    print(jax.jit(kernel)(*tuple(_d.values())))

</pallas_src>

<mosaic_0001>
#map = affine_map<(d0, d1) -> (0, 0, 0, 0)>
#map1 = affine_map<(d0, d1) -> (0)>
#map2 = affine_map<(d0) -> (0, 0, 0, 0)>
#map3 = affine_map<(d0) -> (0)>
module attributes {stable_mosaic.version = 14 : i64} {
  func.func @_tec_body(%arg0: i32, %arg1: i32, %arg2: memref<16x4x2x131072xf32, #tpu.memory_space<hbm>>, %arg3: memref<64xi32, #tpu.memory_space<hbm>>, %arg4: memref<16x4x2x131072xf32, #tpu.memory_space<hbm>>, %arg5: memref<131072xf32, #tpu.memory_space<vmem_shared>>, %arg6: memref<131072xf32, #tpu.memory_space<vmem_shared>>) attributes {dimension_semantics = [#tpu.dimension_semantics<core_parallel>, #tpu.dimension_semantics<subcore_parallel>], iteration_bounds = array<i64: 2, 16>, scalar_prefetch = 0 : i64, scratch_operands = 2 : i64, tpu.core_type = #tpu.core_type<sc_vector_subcore>, window_params = [{transform_indices = #map}, {transform_indices = #map1}, {transform_indices = #map}]} {
    "tpu.region"() ({
      %run_scoped3A = memref.alloca() : memref<80xi32, #tpu.memory_space<vmem>>
      %run_scoped3A_0 = memref.alloca() : memref<32768xf32, #tpu.memory_space<vmem>>
      %run_scoped3A_1 = memref.alloca() : memref<32768xf32, #tpu.memory_space<vmem>>
      %run_scoped3A_2 = memref.alloca() : memref<32768xf32, #tpu.memory_space<vmem>>
      %run_scoped3A_3 = tpu.sem_alloc : memref<!tpu.dma_semaphore, #tpu.memory_space<semaphore_mem>>
      %run_scoped3A_4 = tpu.sem_alloc : memref<!tpu.dma_semaphore, #tpu.memory_space<semaphore_mem>>
      %run_scoped3A_5 = tpu.sem_alloc : memref<!tpu.dma_semaphore, #tpu.memory_space<semaphore_mem>>
      %run_scoped3A_6 = tpu.sem_alloc : memref<!tpu.dma_semaphore, #tpu.memory_space<semaphore_mem>>
      %run_scoped3A_7 = tpu.sem_alloc : memref<!tpu.dma_semaphore, #tpu.memory_space<semaphore_mem>>
      %run_scoped3A_8 = tpu.sem_alloc : memref<!tpu.dma_semaphore, #tpu.memory_space<semaphore_mem>>
      %run_scoped3A_9 = tpu.sem_alloc : memref<!tpu.dma_semaphore, #tpu.memory_space<semaphore_mem>>
      %mul3A = arith.constant 2 : i32
      %mul3A_10 = arith.muli %arg1, %mul3A : i32
      %add3A = arith.addi %mul3A_10, %arg0 : i32
      %mul3A_11 = arith.constant 3 : i32
      %mul3A_12 = arith.muli %mul3A_11, %add3A : i32
      %add3A_13 = arith.constant 1 : i32
      %add3A_14 = arith.addi %mul3A_12, %add3A_13 : i32
      %add3A_15 = arith.constant 2 : i32
      %add3A_16 = arith.addi %mul3A_12, %add3A_15 : i32
      %jit3A = arith.constant 2 : i32
      %div3A = arith.divsi %mul3A_12, %jit3A : i32
      %sign3A = arith.constant 0 : i32
      %sign3A_17 = arith.cmpi sgt, %mul3A_12, %sign3A : i32
      %sign3A_18 = arith.extui %sign3A_17 : i1 to i32
      %sign3A_19 = arith.constant 0 : i32
      %sign3A_20 = arith.cmpi slt, %mul3A_12, %sign3A_19 : i32
      %sign3A_21 = arith.extui %sign3A_20 : i1 to i32
      %sign3A_22 = arith.subi %sign3A_18, %sign3A_21 : i32
      %sign3A_23 = arith.constant 0 : i32
      %sign3A_24 = arith.cmpi sgt, %jit3A, %sign3A_23 : i32
      %sign3A_25 = arith.extui %sign3A_24 : i1 to i32
      %sign3A_26 = arith.constant 0 : i32
      %sign3A_27 = arith.cmpi slt, %jit3A, %sign3A_26 : i32
      %sign3A_28 = arith.extui %sign3A_27 : i1 to i32
      %sign3A_29 = arith.subi %sign3A_25, %sign3A_28 : i32
      %ne3A = arith.cmpi ne, %sign3A_22, %sign3A_29 : i32
      %rem3A = arith.remsi %mul3A_12, %jit3A : i32
      %ne3A_30 = arith.constant 0 : i32
      %ne3A_31 = arith.cmpi ne, %rem3A, %ne3A_30 : i32
      %and3A = arith.andi %ne3A, %ne3A_31 : i1
      %sub3A = arith.constant 1 : i32
      %sub3A_32 = arith.subi %div3A, %sub3A : i32
      %select_n3A = arith.select %and3A, %sub3A_32, %div3A : i32
      %jit3A_33 = arith.constant 2 : i32
      %div3A_34 = arith.divsi %add3A_14, %jit3A_33 : i32
      %sign3A_35 = arith.constant 0 : i32
      %sign3A_36 = arith.cmpi sgt, %add3A_14, %sign3A_35 : i32
      %sign3A_37 = arith.extui %sign3A_36 : i1 to i32
      %sign3A_38 = arith.constant 0 : i32
      %sign3A_39 = arith.cmpi slt, %add3A_14, %sign3A_38 : i32
      %sign3A_40 = arith.extui %sign3A_39 : i1 to i32
      %sign3A_41 = arith.subi %sign3A_37, %sign3A_40 : i32
      %sign3A_42 = arith.constant 0 : i32
      %sign3A_43 = arith.cmpi sgt, %jit3A_33, %sign3A_42 : i32
      %sign3A_44 = arith.extui %sign3A_43 : i1 to i32
      %sign3A_45 = arith.constant 0 : i32
      %sign3A_46 = arith.cmpi slt, %jit3A_33, %sign3A_45 : i32
      %sign3A_47 = arith.extui %sign3A_46 : i1 to i32
      %sign3A_48 = arith.subi %sign3A_44, %sign3A_47 : i32
      %ne3A_49 = arith.cmpi ne, %sign3A_41, %sign3A_48 : i32
      %rem3A_50 = arith.remsi %add3A_14, %jit3A_33 : i32
      %ne3A_51 = arith.constant 0 : i32
      %ne3A_52 = arith.cmpi ne, %rem3A_50, %ne3A_51 : i32
      %and3A_53 = arith.andi %ne3A_49, %ne3A_52 : i1
      %sub3A_54 = arith.constant 1 : i32
      %sub3A_55 = arith.subi %div3A_34, %sub3A_54 : i32
      %select_n3A_56 = arith.select %and3A_53, %sub3A_55, %div3A_34 : i32
      %jit3A_57 = arith.constant 2 : i32
      %div3A_58 = arith.divsi %add3A_16, %jit3A_57 : i32
      %sign3A_59 = arith.constant 0 : i32
      %sign3A_60 = arith.cmpi sgt, %add3A_16, %sign3A_59 : i32
      %sign3A_61 = arith.extui %sign3A_60 : i1 to i32
      %sign3A_62 = arith.constant 0 : i32
      %sign3A_63 = arith.cmpi slt, %add3A_16, %sign3A_62 : i32
      %sign3A_64 = arith.extui %sign3A_63 : i1 to i32
      %sign3A_65 = arith.subi %sign3A_61, %sign3A_64 : i32
      %sign3A_66 = arith.constant 0 : i32
      %sign3A_67 = arith.cmpi sgt, %jit3A_57, %sign3A_66 : i32
      %sign3A_68 = arith.extui %sign3A_67 : i1 to i32
      %sign3A_69 = arith.constant 0 : i32
      %sign3A_70 = arith.cmpi slt, %jit3A_57, %sign3A_69 : i32
      %sign3A_71 = arith.extui %sign3A_70 : i1 to i32
      %sign3A_72 = arith.subi %sign3A_68, %sign3A_71 : i32
      %ne3A_73 = arith.cmpi ne, %sign3A_65, %sign3A_72 : i32
      %rem3A_74 = arith.remsi %add3A_16, %jit3A_57 : i32
      %ne3A_75 = arith.constant 0 : i32
      %ne3A_76 = arith.cmpi ne, %rem3A_74, %ne3A_75 : i32
      %and3A_77 = arith.andi %ne3A_73, %ne3A_76 : i1
      %sub3A_78 = arith.constant 1 : i32
      %sub3A_79 = arith.subi %div3A_58, %sub3A_78 : i32
      %select_n3A_80 = arith.select %and3A_77, %sub3A_79, %div3A_58 : i32
      %jit3A_81 = arith.constant 2 : i32
      %eq3A = arith.constant 0 : i32
      %eq3A_82 = arith.cmpi eq, %jit3A_81, %eq3A : i32
      %jit3A_83 = arith.constant 1 : i32
      %select_n3A_84 = arith.select %eq3A_82, %jit3A_83, %jit3A_81 : i32
      %rem3A_85 = arith.remsi %mul3A_12, %select_n3A_84 : i32
      %ne3A_86 = arith.constant 0 : i32
      %ne3A_87 = arith.cmpi ne, %rem3A_85, %ne3A_86 : i32
      %lt3A = arith.constant 0 : i32
      %lt3A_88 = arith.cmpi slt, %rem3A_85, %lt3A : i32
      %lt3A_89 = arith.constant 0 : i32
      %lt3A_90 = arith.cmpi slt, %select_n3A_84, %lt3A_89 : i32
      %ne3A_91 = arith.xori %lt3A_88, %lt3A_90 : i1
      %and3A_92 = arith.andi %ne3A_91, %ne3A_87 : i1
      %add3A_93 = arith.addi %rem3A_85, %select_n3A_84 : i32
      %select_n3A_94 = arith.select %and3A_92, %add3A_93, %rem3A_85 : i32
      %jit3A_95 = arith.constant 2 : i32
      %eq3A_96 = arith.constant 0 : i32
      %eq3A_97 = arith.cmpi eq, %jit3A_95, %eq3A_96 : i32
      %jit3A_98 = arith.constant 1 : i32
      %select_n3A_99 = arith.select %eq3A_97, %jit3A_98, %jit3A_95 : i32
      %rem3A_100 = arith.remsi %add3A_14, %select_n3A_99 : i32
      %ne3A_101 = arith.constant 0 : i32
      %ne3A_102 = arith.cmpi ne, %rem3A_100, %ne3A_101 : i32
      %lt3A_103 = arith.constant 0 : i32
      %lt3A_104 = arith.cmpi slt, %rem3A_100, %lt3A_103 : i32
      %lt3A_105 = arith.constant 0 : i32
      %lt3A_106 = arith.cmpi slt, %select_n3A_99, %lt3A_105 : i32
      %ne3A_107 = arith.xori %lt3A_104, %lt3A_106 : i1
      %and3A_108 = arith.andi %ne3A_107, %ne3A_102 : i1
      %add3A_109 = arith.addi %rem3A_100, %select_n3A_99 : i32
      %select_n3A_110 = arith.select %and3A_108, %add3A_109, %rem3A_100 : i32
      %jit3A_111 = arith.constant 2 : i32
      %eq3A_112 = arith.constant 0 : i32
      %eq3A_113 = arith.cmpi eq, %jit3A_111, %eq3A_112 : i32
      %jit3A_114 = arith.constant 1 : i32
      %select_n3A_115 = arith.select %eq3A_113, %jit3A_114, %jit3A_111 : i32
      %rem3A_116 = arith.remsi %add3A_16, %select_n3A_115 : i32
      %ne3A_117 = arith.constant 0 : i32
      %ne3A_118 = arith.cmpi ne, %rem3A_116, %ne3A_117 : i32
      %lt3A_119 = arith.constant 0 : i32
      %lt3A_120 = arith.cmpi slt, %rem3A_116, %lt3A_119 : i32
      %lt3A_121 = arith.constant 0 : i32
      %lt3A_122 = arith.cmpi slt, %select_n3A_115, %lt3A_121 : i32
      %ne3A_123 = arith.xori %lt3A_120, %lt3A_122 : i1
      %and3A_124 = arith.andi %ne3A_123, %ne3A_118 : i1
      %add3A_125 = arith.addi %rem3A_116, %select_n3A_115 : i32
      %select_n3A_126 = arith.select %and3A_124, %add3A_125, %rem3A_116 : i32
      %jit3A_127 = arith.constant 4 : i32
      %div3A_128 = arith.divsi %select_n3A, %jit3A_127 : i32
      %sign3A_129 = arith.constant 0 : i32
      %sign3A_130 = arith.cmpi sgt, %select_n3A, %sign3A_129 : i32
      %sign3A_131 = arith.extui %sign3A_130 : i1 to i32
      %sign3A_132 = arith.constant 0 : i32
      %sign3A_133 = arith.cmpi slt, %select_n3A, %sign3A_132 : i32
      %sign3A_134 = arith.extui %sign3A_133 : i1 to i32
      %sign3A_135 = arith.subi %sign3A_131, %sign3A_134 : i32
      %sign3A_136 = arith.constant 0 : i32
      %sign3A_137 = arith.cmpi sgt, %jit3A_127, %sign3A_136 : i32
      %sign3A_138 = arith.extui %sign3A_137 : i1 to i32
      %sign3A_139 = arith.constant 0 : i32
      %sign3A_140 = arith.cmpi slt, %jit3A_127, %sign3A_139 : i32
      %sign3A_141 = arith.extui %sign3A_140 : i1 to i32
      %sign3A_142 = arith.subi %sign3A_138, %sign3A_141 : i32
      %ne3A_143 = arith.cmpi ne, %sign3A_135, %sign3A_142 : i32
      %rem3A_144 = arith.remsi %select_n3A, %jit3A_127 : i32
      %ne3A_145 = arith.constant 0 : i32
      %ne3A_146 = arith.cmpi ne, %rem3A_144, %ne3A_145 : i32
      %and3A_147 = arith.andi %ne3A_143, %ne3A_146 : i1
      %sub3A_148 = arith.constant 1 : i32
      %sub3A_149 = arith.subi %div3A_128, %sub3A_148 : i32
      %select_n3A_150 = arith.select %and3A_147, %sub3A_149, %div3A_128 : i32
      %jit3A_151 = arith.constant 4 : i32
      %eq3A_152 = arith.constant 0 : i32
      %eq3A_153 = arith.cmpi eq, %jit3A_151, %eq3A_152 : i32
      %jit3A_154 = arith.constant 1 : i32
      %select_n3A_155 = arith.select %eq3A_153, %jit3A_154, %jit3A_151 : i32
      %rem3A_156 = arith.remsi %select_n3A, %select_n3A_155 : i32
      %ne3A_157 = arith.constant 0 : i32
      %ne3A_158 = arith.cmpi ne, %rem3A_156, %ne3A_157 : i32
      %lt3A_159 = arith.constant 0 : i32
      %lt3A_160 = arith.cmpi slt, %rem3A_156, %lt3A_159 : i32
      %lt3A_161 = arith.constant 0 : i32
      %lt3A_162 = arith.cmpi slt, %select_n3A_155, %lt3A_161 : i32
      %ne3A_163 = arith.xori %lt3A_160, %lt3A_162 : i1
      %and3A_164 = arith.andi %ne3A_163, %ne3A_158 : i1
      %add3A_165 = arith.addi %rem3A_156, %select_n3A_155 : i32
      %select_n3A_166 = arith.select %and3A_164, %add3A_165, %rem3A_156 : i32
      %jit3A_167 = arith.constant 4 : i32
      %div3A_168 = arith.divsi %select_n3A, %jit3A_167 : i32
      %sign3A_169 = arith.constant 0 : i32
      %sign3A_170 = arith.cmpi sgt, %select_n3A, %sign3A_169 : i32
      %sign3A_171 = arith.extui %sign3A_170 : i1 to i32
      %sign3A_172 = arith.constant 0 : i32
      %sign3A_173 = arith.cmpi slt, %select_n3A, %sign3A_172 : i32
      %sign3A_174 = arith.extui %sign3A_173 : i1 to i32
      %sign3A_175 = arith.subi %sign3A_171, %sign3A_174 : i32
      %sign3A_176 = arith.constant 0 : i32
      %sign3A_177 = arith.cmpi sgt, %jit3A_167, %sign3A_176 : i32
      %sign3A_178 = arith.extui %sign3A_177 : i1 to i32
      %sign3A_179 = arith.constant 0 : i32
      %sign3A_180 = arith.cmpi slt, %jit3A_167, %sign3A_179 : i32
      %sign3A_181 = arith.extui %sign3A_180 : i1 to i32
      %sign3A_182 = arith.subi %sign3A_178, %sign3A_181 : i32
      %ne3A_183 = arith.cmpi ne, %sign3A_175, %sign3A_182 : i32
      %rem3A_184 = arith.remsi %select_n3A, %jit3A_167 : i32
      %ne3A_185 = arith.constant 0 : i32
      %ne3A_186 = arith.cmpi ne, %rem3A_184, %ne3A_185 : i32
      %and3A_187 = arith.andi %ne3A_183, %ne3A_186 : i1
      %sub3A_188 = arith.constant 1 : i32
      %sub3A_189 = arith.subi %div3A_168, %sub3A_188 : i32
      %select_n3A_190 = arith.select %and3A_187, %sub3A_189, %div3A_168 : i32
      %jit3A_191 = arith.constant 4 : i32
      %eq3A_192 = arith.constant 0 : i32
      %eq3A_193 = arith.cmpi eq, %jit3A_191, %eq3A_192 : i32
      %jit3A_194 = arith.constant 1 : i32
      %select_n3A_195 = arith.select %eq3A_193, %jit3A_194, %jit3A_191 : i32
      %rem3A_196 = arith.remsi %select_n3A, %select_n3A_195 : i32
      %ne3A_197 = arith.constant 0 : i32
      %ne3A_198 = arith.cmpi ne, %rem3A_196, %ne3A_197 : i32
      %lt3A_199 = arith.constant 0 : i32
      %lt3A_200 = arith.cmpi slt, %rem3A_196, %lt3A_199 : i32
      %lt3A_201 = arith.constant 0 : i32
      %lt3A_202 = arith.cmpi slt, %select_n3A_195, %lt3A_201 : i32
      %ne3A_203 = arith.xori %lt3A_200, %lt3A_202 : i1
      %and3A_204 = arith.andi %ne3A_203, %ne3A_198 : i1
      %add3A_205 = arith.addi %rem3A_196, %select_n3A_195 : i32
      %select_n3A_206 = arith.select %and3A_204, %add3A_205, %rem3A_196 : i32
      %jit3A_207 = arith.constant 4 : i32
      %div3A_208 = arith.divsi %select_n3A, %jit3A_207 : i32
      %sign3A_209 = arith.constant 0 : i32
      %sign3A_210 = arith.cmpi sgt, %select_n3A, %sign3A_209 : i32
      %sign3A_211 = arith.extui %sign3A_210 : i1 to i32
      %sign3A_212 = arith.constant 0 : i32
      %sign3A_213 = arith.cmpi slt, %select_n3A, %sign3A_212 : i32
      %sign3A_214 = arith.extui %sign3A_213 : i1 to i32
      %sign3A_215 = arith.subi %sign3A_211, %sign3A_214 : i32
      %sign3A_216 = arith.constant 0 : i32
      %sign3A_217 = arith.cmpi sgt, %jit3A_207, %sign3A_216 : i32
      %sign3A_218 = arith.extui %sign3A_217 : i1 to i32
      %sign3A_219 = arith.constant 0 : i32
      %sign3A_220 = arith.cmpi slt, %jit3A_207, %sign3A_219 : i32
      %sign3A_221 = arith.extui %sign3A_220 : i1 to i32
      %sign3A_222 = arith.subi %sign3A_218, %sign3A_221 : i32
      %ne3A_223 = arith.cmpi ne, %sign3A_215, %sign3A_222 : i32
      %rem3A_224 = arith.remsi %select_n3A, %jit3A_207 : i32
      %ne3A_225 = arith.constant 0 : i32
      %ne3A_226 = arith.cmpi ne, %rem3A_224, %ne3A_225 : i32
      %and3A_227 = arith.andi %ne3A_223, %ne3A_226 : i1
      %sub3A_228 = arith.constant 1 : i32
      %sub3A_229 = arith.subi %div3A_208, %sub3A_228 : i32
      %select_n3A_230 = arith.select %and3A_227, %sub3A_229, %div3A_208 : i32
      %jit3A_231 = arith.constant 4 : i32
      %eq3A_232 = arith.constant 0 : i32
      %eq3A_233 = arith.cmpi eq, %jit3A_231, %eq3A_232 : i32
      %jit3A_234 = arith.constant 1 : i32
      %select_n3A_235 = arith.select %eq3A_233, %jit3A_234, %jit3A_231 : i32
      %rem3A_236 = arith.remsi %select_n3A, %select_n3A_235 : i32
      %ne3A_237 = arith.constant 0 : i32
      %ne3A_238 = arith.cmpi ne, %rem3A_236, %ne3A_237 : i32
      %lt3A_239 = arith.constant 0 : i32
      %lt3A_240 = arith.cmpi slt, %rem3A_236, %lt3A_239 : i32
      %lt3A_241 = arith.constant 0 : i32
      %lt3A_242 = arith.cmpi slt, %select_n3A_235, %lt3A_241 : i32
      %ne3A_243 = arith.xori %lt3A_240, %lt3A_242 : i1
      %and3A_244 = arith.andi %ne3A_243, %ne3A_238 : i1
      %add3A_245 = arith.addi %rem3A_236, %select_n3A_235 : i32
      %select_n3A_246 = arith.select %and3A_244, %add3A_245, %rem3A_236 : i32
      %jit3A_247 = arith.constant 4 : i32
      %div3A_248 = arith.divsi %select_n3A, %jit3A_247 : i32
      %sign3A_249 = arith.constant 0 : i32
      %sign3A_250 = arith.cmpi sgt, %select_n3A, %sign3A_249 : i32
      %sign3A_251 = arith.extui %sign3A_250 : i1 to i32
      %sign3A_252 = arith.constant 0 : i32
      %sign3A_253 = arith.cmpi slt, %select_n3A, %sign3A_252 : i32
      %sign3A_254 = arith.extui %sign3A_253 : i1 to i32
      %sign3A_255 = arith.subi %sign3A_251, %sign3A_254 : i32
      %sign3A_256 = arith.constant 0 : i32
      %sign3A_257 = arith.cmpi sgt, %jit3A_247, %sign3A_256 : i32
      %sign3A_258 = arith.extui %sign3A_257 : i1 to i32
      %sign3A_259 = arith.constant 0 : i32
      %sign3A_260 = arith.cmpi slt, %jit3A_247, %sign3A_259 : i32
      %sign3A_261 = arith.extui %sign3A_260 : i1 to i32
      %sign3A_262 = arith.subi %sign3A_258, %sign3A_261 : i32
      %ne3A_263 = arith.cmpi ne, %sign3A_255, %sign3A_262 : i32
      %rem3A_264 = arith.remsi %select_n3A, %jit3A_247 : i32
      %ne3A_265 = arith.constant 0 : i32
      %ne3A_266 = arith.cmpi ne, %rem3A_264, %ne3A_265 : i32
      %and3A_267 = arith.andi %ne3A_263, %ne3A_266 : i1
      %sub3A_268 = arith.constant 1 : i32
      %sub3A_269 = arith.subi %div3A_248, %sub3A_268 : i32
      %select_n3A_270 = arith.select %and3A_267, %sub3A_269, %div3A_248 : i32
      %jit3A_271 = arith.constant 4 : i32
      %eq3A_272 = arith.constant 0 : i32
      %eq3A_273 = arith.cmpi eq, %jit3A_271, %eq3A_272 : i32
      %jit3A_274 = arith.constant 1 : i32
      %select_n3A_275 = arith.select %eq3A_273, %jit3A_274, %jit3A_271 : i32
      %rem3A_276 = arith.remsi %select_n3A, %select_n3A_275 : i32
      %ne3A_277 = arith.constant 0 : i32
      %ne3A_278 = arith.cmpi ne, %rem3A_276, %ne3A_277 : i32
      %lt3A_279 = arith.constant 0 : i32
      %lt3A_280 = arith.cmpi slt, %rem3A_276, %lt3A_279 : i32
      %lt3A_281 = arith.constant 0 : i32
      %lt3A_282 = arith.cmpi slt, %select_n3A_275, %lt3A_281 : i32
      %ne3A_283 = arith.xori %lt3A_280, %lt3A_282 : i1
      %and3A_284 = arith.andi %ne3A_283, %ne3A_278 : i1
      %add3A_285 = arith.addi %rem3A_276, %select_n3A_275 : i32
      %select_n3A_286 = arith.select %and3A_284, %add3A_285, %rem3A_276 : i32
      %jit3A_287 = arith.constant 4 : i32
      %div3A_288 = arith.divsi %select_n3A_56, %jit3A_287 : i32
      %sign3A_289 = arith.constant 0 : i32
      %sign3A_290 = arith.cmpi sgt, %select_n3A_56, %sign3A_289 : i32
      %sign3A_291 = arith.extui %sign3A_290 : i1 to i32
      %sign3A_292 = arith.constant 0 : i32
      %sign3A_293 = arith.cmpi slt, %select_n3A_56, %sign3A_292 : i32
      %sign3A_294 = arith.extui %sign3A_293 : i1 to i32
      %sign3A_295 = arith.subi %sign3A_291, %sign3A_294 : i32
      %sign3A_296 = arith.constant 0 : i32
      %sign3A_297 = arith.cmpi sgt, %jit3A_287, %sign3A_296 : i32
      %sign3A_298 = arith.extui %sign3A_297 : i1 to i32
      %sign3A_299 = arith.constant 0 : i32
      %sign3A_300 = arith.cmpi slt, %jit3A_287, %sign3A_299 : i32
      %sign3A_301 = arith.extui %sign3A_300 : i1 to i32
      %sign3A_302 = arith.subi %sign3A_298, %sign3A_301 : i32
      %ne3A_303 = arith.cmpi ne, %sign3A_295, %sign3A_302 : i32
      %rem3A_304 = arith.remsi %select_n3A_56, %jit3A_287 : i32
      %ne3A_305 = arith.constant 0 : i32
      %ne3A_306 = arith.cmpi ne, %rem3A_304, %ne3A_305 : i32
      %and3A_307 = arith.andi %ne3A_303, %ne3A_306 : i1
      %sub3A_308 = arith.constant 1 : i32
      %sub3A_309 = arith.subi %div3A_288, %sub3A_308 : i32
      %select_n3A_310 = arith.select %and3A_307, %sub3A_309, %div3A_288 : i32
      %jit3A_311 = arith.constant 4 : i32
      %eq3A_312 = arith.constant 0 : i32
      %eq3A_313 = arith.cmpi eq, %jit3A_311, %eq3A_312 : i32
      %jit3A_314 = arith.constant 1 : i32
      %select_n3A_315 = arith.select %eq3A_313, %jit3A_314, %jit3A_311 : i32
      %rem3A_316 = arith.remsi %select_n3A_56, %select_n3A_315 : i32
      %ne3A_317 = arith.constant 0 : i32
      %ne3A_318 = arith.cmpi ne, %rem3A_316, %ne3A_317 : i32
      %lt3A_319 = arith.constant 0 : i32
      %lt3A_320 = arith.cmpi slt, %rem3A_316, %lt3A_319 : i32
      %lt3A_321 = arith.constant 0 : i32
      %lt3A_322 = arith.cmpi slt, %select_n3A_315, %lt3A_321 : i32
      %ne3A_323 = arith.xori %lt3A_320, %lt3A_322 : i1
      %and3A_324 = arith.andi %ne3A_323, %ne3A_318 : i1
      %add3A_325 = arith.addi %rem3A_316, %select_n3A_315 : i32
      %select_n3A_326 = arith.select %and3A_324, %add3A_325, %rem3A_316 : i32
      %jit3A_327 = arith.constant 4 : i32
      %div3A_328 = arith.divsi %select_n3A_56, %jit3A_327 : i32
      %sign3A_329 = arith.constant 0 : i32
      %sign3A_330 = arith.cmpi sgt, %select_n3A_56, %sign3A_329 : i32
      %sign3A_331 = arith.extui %sign3A_330 : i1 to i32
      %sign3A_332 = arith.constant 0 : i32
      %sign3A_333 = arith.cmpi slt, %select_n3A_56, %sign3A_332 : i32
      %sign3A_334 = arith.extui %sign3A_333 : i1 to i32
      %sign3A_335 = arith.subi %sign3A_331, %sign3A_334 : i32
      %sign3A_336 = arith.constant 0 : i32
      %sign3A_337 = arith.cmpi sgt, %jit3A_327, %sign3A_336 : i32
      %sign3A_338 = arith.extui %sign3A_337 : i1 to i32
      %sign3A_339 = arith.constant 0 : i32
      %sign3A_340 = arith.cmpi slt, %jit3A_327, %sign3A_339 : i32
      %sign3A_341 = arith.extui %sign3A_340 : i1 to i32
      %sign3A_342 = arith.subi %sign3A_338, %sign3A_341 : i32
      %ne3A_343 = arith.cmpi ne, %sign3A_335, %sign3A_342 : i32
      %rem3A_344 = arith.remsi %select_n3A_56, %jit3A_327 : i32
      %ne3A_345 = arith.constant 0 : i32
      %ne3A_346 = arith.cmpi ne, %rem3A_344, %ne3A_345 : i32
      %and3A_347 = arith.andi %ne3A_343, %ne3A_346 : i1
      %sub3A_348 = arith.constant 1 : i32
      %sub3A_349 = arith.subi %div3A_328, %sub3A_348 : i32
      %select_n3A_350 = arith.select %and3A_347, %sub3A_349, %div3A_328 : i32
      %jit3A_351 = arith.constant 4 : i32
      %eq3A_352 = arith.constant 0 : i32
      %eq3A_353 = arith.cmpi eq, %jit3A_351, %eq3A_352 : i32
      %jit3A_354 = arith.constant 1 : i32
      %select_n3A_355 = arith.select %eq3A_353, %jit3A_354, %jit3A_351 : i32
      %rem3A_356 = arith.remsi %select_n3A_56, %select_n3A_355 : i32
      %ne3A_357 = arith.constant 0 : i32
      %ne3A_358 = arith.cmpi ne, %rem3A_356, %ne3A_357 : i32
      %lt3A_359 = arith.constant 0 : i32
      %lt3A_360 = arith.cmpi slt, %rem3A_356, %lt3A_359 : i32
      %lt3A_361 = arith.constant 0 : i32
      %lt3A_362 = arith.cmpi slt, %select_n3A_355, %lt3A_361 : i32
      %ne3A_363 = arith.xori %lt3A_360, %lt3A_362 : i1
      %and3A_364 = arith.andi %ne3A_363, %ne3A_358 : i1
      %add3A_365 = arith.addi %rem3A_356, %select_n3A_355 : i32
      %select_n3A_366 = arith.select %and3A_364, %add3A_365, %rem3A_356 : i32
      %jit3A_367 = arith.constant 4 : i32
      %div3A_368 = arith.divsi %select_n3A_56, %jit3A_367 : i32
      %sign3A_369 = arith.constant 0 : i32
      %sign3A_370 = arith.cmpi sgt, %select_n3A_56, %sign3A_369 : i32
      %sign3A_371 = arith.extui %sign3A_370 : i1 to i32
      %sign3A_372 = arith.constant 0 : i32
      %sign3A_373 = arith.cmpi slt, %select_n3A_56, %sign3A_372 : i32
      %sign3A_374 = arith.extui %sign3A_373 : i1 to i32
      %sign3A_375 = arith.subi %sign3A_371, %sign3A_374 : i32
      %sign3A_376 = arith.constant 0 : i32
      %sign3A_377 = arith.cmpi sgt, %jit3A_367, %sign3A_376 : i32
      %sign3A_378 = arith.extui %sign3A_377 : i1 to i32
      %sign3A_379 = arith.constant 0 : i32
      %sign3A_380 = arith.cmpi slt, %jit3A_367, %sign3A_379 : i32
      %sign3A_381 = arith.extui %sign3A_380 : i1 to i32
      %sign3A_382 = arith.subi %sign3A_378, %sign3A_381 : i32
      %ne3A_383 = arith.cmpi ne, %sign3A_375, %sign3A_382 : i32
      %rem3A_384 = arith.remsi %select_n3A_56, %jit3A_367 : i32
      %ne3A_385 = arith.constant 0 : i32
      %ne3A_386 = arith.cmpi ne, %rem3A_384, %ne3A_385 : i32
      %and3A_387 = arith.andi %ne3A_383, %ne3A_386 : i1
      %sub3A_388 = arith.constant 1 : i32
      %sub3A_389 = arith.subi %div3A_368, %sub3A_388 : i32
      %select_n3A_390 = arith.select %and3A_387, %sub3A_389, %div3A_368 : i32
      %jit3A_391 = arith.constant 4 : i32
      %eq3A_392 = arith.constant 0 : i32
      %eq3A_393 = arith.cmpi eq, %jit3A_391, %eq3A_392 : i32
      %jit3A_394 = arith.constant 1 : i32
      %select_n3A_395 = arith.select %eq3A_393, %jit3A_394, %jit3A_391 : i32
      %rem3A_396 = arith.remsi %select_n3A_56, %select_n3A_395 : i32
      %ne3A_397 = arith.constant 0 : i32
      %ne3A_398 = arith.cmpi ne, %rem3A_396, %ne3A_397 : i32
      %lt3A_399 = arith.constant 0 : i32
      %lt3A_400 = arith.cmpi slt, %rem3A_396, %lt3A_399 : i32
      %lt3A_401 = arith.constant 0 : i32
      %lt3A_402 = arith.cmpi slt, %select_n3A_395, %lt3A_401 : i32
      %ne3A_403 = arith.xori %lt3A_400, %lt3A_402 : i1
      %and3A_404 = arith.andi %ne3A_403, %ne3A_398 : i1
      %add3A_405 = arith.addi %rem3A_396, %select_n3A_395 : i32
      %select_n3A_406 = arith.select %and3A_404, %add3A_405, %rem3A_396 : i32
      %jit3A_407 = arith.constant 4 : i32
      %div3A_408 = arith.divsi %select_n3A_56, %jit3A_407 : i32
      %sign3A_409 = arith.constant 0 : i32
      %sign3A_410 = arith.cmpi sgt, %select_n3A_56, %sign3A_409 : i32
      %sign3A_411 = arith.extui %sign3A_410 : i1 to i32
      %sign3A_412 = arith.constant 0 : i32
      %sign3A_413 = arith.cmpi slt, %select_n3A_56, %sign3A_412 : i32
      %sign3A_414 = arith.extui %sign3A_413 : i1 to i32
      %sign3A_415 = arith.subi %sign3A_411, %sign3A_414 : i32
      %sign3A_416 = arith.constant 0 : i32
      %sign3A_417 = arith.cmpi sgt, %jit3A_407, %sign3A_416 : i32
      %sign3A_418 = arith.extui %sign3A_417 : i1 to i32
      %sign3A_419 = arith.constant 0 : i32
      %sign3A_420 = arith.cmpi slt, %jit3A_407, %sign3A_419 : i32
      %sign3A_421 = arith.extui %sign3A_420 : i1 to i32
      %sign3A_422 = arith.subi %sign3A_418, %sign3A_421 : i32
      %ne3A_423 = arith.cmpi ne, %sign3A_415, %sign3A_422 : i32
      %rem3A_424 = arith.remsi %select_n3A_56, %jit3A_407 : i32
      %ne3A_425 = arith.constant 0 : i32
      %ne3A_426 = arith.cmpi ne, %rem3A_424, %ne3A_425 : i32
      %and3A_427 = arith.andi %ne3A_423, %ne3A_426 : i1
      %sub3A_428 = arith.constant 1 : i32
      %sub3A_429 = arith.subi %div3A_408, %sub3A_428 : i32
      %select_n3A_430 = arith.select %and3A_427, %sub3A_429, %div3A_408 : i32
      %jit3A_431 = arith.constant 4 : i32
      %eq3A_432 = arith.constant 0 : i32
      %eq3A_433 = arith.cmpi eq, %jit3A_431, %eq3A_432 : i32
      %jit3A_434 = arith.constant 1 : i32
      %select_n3A_435 = arith.select %eq3A_433, %jit3A_434, %jit3A_431 : i32
      %rem3A_436 = arith.remsi %select_n3A_56, %select_n3A_435 : i32
      %ne3A_437 = arith.constant 0 : i32
      %ne3A_438 = arith.cmpi ne, %rem3A_436, %ne3A_437 : i32
      %lt3A_439 = arith.constant 0 : i32
      %lt3A_440 = arith.cmpi slt, %rem3A_436, %lt3A_439 : i32
      %lt3A_441 = arith.constant 0 : i32
      %lt3A_442 = arith.cmpi slt, %select_n3A_435, %lt3A_441 : i32
      %ne3A_443 = arith.xori %lt3A_440, %lt3A_442 : i1
      %and3A_444 = arith.andi %ne3A_443, %ne3A_438 : i1
      %add3A_445 = arith.addi %rem3A_436, %select_n3A_435 : i32
      %select_n3A_446 = arith.select %and3A_444, %add3A_445, %rem3A_436 : i32
      %jit3A_447 = arith.constant 4 : i32
      %div3A_448 = arith.divsi %select_n3A_80, %jit3A_447 : i32
      %sign3A_449 = arith.constant 0 : i32
      %sign3A_450 = arith.cmpi sgt, %select_n3A_80, %sign3A_449 : i32
      %sign3A_451 = arith.extui %sign3A_450 : i1 to i32
      %sign3A_452 = arith.constant 0 : i32
      %sign3A_453 = arith.cmpi slt, %select_n3A_80, %sign3A_452 : i32
      %sign3A_454 = arith.extui %sign3A_453 : i1 to i32
      %sign3A_455 = arith.subi %sign3A_451, %sign3A_454 : i32
      %sign3A_456 = arith.constant 0 : i32
      %sign3A_457 = arith.cmpi sgt, %jit3A_447, %sign3A_456 : i32
      %sign3A_458 = arith.extui %sign3A_457 : i1 to i32
      %sign3A_459 = arith.constant 0 : i32
      %sign3A_460 = arith.cmpi slt, %jit3A_447, %sign3A_459 : i32
      %sign3A_461 = arith.extui %sign3A_460 : i1 to i32
      %sign3A_462 = arith.subi %sign3A_458, %sign3A_461 : i32
      %ne3A_463 = arith.cmpi ne, %sign3A_455, %sign3A_462 : i32
      %rem3A_464 = arith.remsi %select_n3A_80, %jit3A_447 : i32
      %ne3A_465 = arith.constant 0 : i32
      %ne3A_466 = arith.cmpi ne, %rem3A_464, %ne3A_465 : i32
      %and3A_467 = arith.andi %ne3A_463, %ne3A_466 : i1
      %sub3A_468 = arith.constant 1 : i32
      %sub3A_469 = arith.subi %div3A_448, %sub3A_468 : i32
      %select_n3A_470 = arith.select %and3A_467, %sub3A_469, %div3A_448 : i32
      %jit3A_471 = arith.constant 4 : i32
      %eq3A_472 = arith.constant 0 : i32
      %eq3A_473 = arith.cmpi eq, %jit3A_471, %eq3A_472 : i32
      %jit3A_474 = arith.constant 1 : i32
      %select_n3A_475 = arith.select %eq3A_473, %jit3A_474, %jit3A_471 : i32
      %rem3A_476 = arith.remsi %select_n3A_80, %select_n3A_475 : i32
      %ne3A_477 = arith.constant 0 : i32
      %ne3A_478 = arith.cmpi ne, %rem3A_476, %ne3A_477 : i32
      %lt3A_479 = arith.constant 0 : i32
      %lt3A_480 = arith.cmpi slt, %rem3A_476, %lt3A_479 : i32
      %lt3A_481 = arith.constant 0 : i32
      %lt3A_482 = arith.cmpi slt, %select_n3A_475, %lt3A_481 : i32
      %ne3A_483 = arith.xori %lt3A_480, %lt3A_482 : i1
      %and3A_484 = arith.andi %ne3A_483, %ne3A_478 : i1
      %add3A_485 = arith.addi %rem3A_476, %select_n3A_475 : i32
      %select_n3A_486 = arith.select %and3A_484, %add3A_485, %rem3A_476 : i32
      %jit3A_487 = arith.constant 4 : i32
      %div3A_488 = arith.divsi %select_n3A_80, %jit3A_487 : i32
      %sign3A_489 = arith.constant 0 : i32
      %sign3A_490 = arith.cmpi sgt, %select_n3A_80, %sign3A_489 : i32
      %sign3A_491 = arith.extui %sign3A_490 : i1 to i32
      %sign3A_492 = arith.constant 0 : i32
      %sign3A_493 = arith.cmpi slt, %select_n3A_80, %sign3A_492 : i32
      %sign3A_494 = arith.extui %sign3A_493 : i1 to i32
      %sign3A_495 = arith.subi %sign3A_491, %sign3A_494 : i32
      %sign3A_496 = arith.constant 0 : i32
      %sign3A_497 = arith.cmpi sgt, %jit3A_487, %sign3A_496 : i32
      %sign3A_498 = arith.extui %sign3A_497 : i1 to i32
      %sign3A_499 = arith.constant 0 : i32
      %sign3A_500 = arith.cmpi slt, %jit3A_487, %sign3A_499 : i32
      %sign3A_501 = arith.extui %sign3A_500 : i1 to i32
      %sign3A_502 = arith.subi %sign3A_498, %sign3A_501 : i32
      %ne3A_503 = arith.cmpi ne, %sign3A_495, %sign3A_502 : i32
      %rem3A_504 = arith.remsi %select_n3A_80, %jit3A_487 : i32
      %ne3A_505 = arith.constant 0 : i32
      %ne3A_506 = arith.cmpi ne, %rem3A_504, %ne3A_505 : i32
      %and3A_507 = arith.andi %ne3A_503, %ne3A_506 : i1
      %sub3A_508 = arith.constant 1 : i32
      %sub3A_509 = arith.subi %div3A_488, %sub3A_508 : i32
      %select_n3A_510 = arith.select %and3A_507, %sub3A_509, %div3A_488 : i32
      %jit3A_511 = arith.constant 4 : i32
      %eq3A_512 = arith.constant 0 : i32
      %eq3A_513 = arith.cmpi eq, %jit3A_511, %eq3A_512 : i32
      %jit3A_514 = arith.constant 1 : i32
      %select_n3A_515 = arith.select %eq3A_513, %jit3A_514, %jit3A_511 : i32
      %rem3A_516 = arith.remsi %select_n3A_80, %select_n3A_515 : i32
      %ne3A_517 = arith.constant 0 : i32
      %ne3A_518 = arith.cmpi ne, %rem3A_516, %ne3A_517 : i32
      %lt3A_519 = arith.constant 0 : i32
      %lt3A_520 = arith.cmpi slt, %rem3A_516, %lt3A_519 : i32
      %lt3A_521 = arith.constant 0 : i32
      %lt3A_522 = arith.cmpi slt, %select_n3A_515, %lt3A_521 : i32
      %ne3A_523 = arith.xori %lt3A_520, %lt3A_522 : i1
      %and3A_524 = arith.andi %ne3A_523, %ne3A_518 : i1
      %add3A_525 = arith.addi %rem3A_516, %select_n3A_515 : i32
      %select_n3A_526 = arith.select %and3A_524, %add3A_525, %rem3A_516 : i32
      %jit3A_527 = arith.constant 4 : i32
      %div3A_528 = arith.divsi %select_n3A_80, %jit3A_527 : i32
      %sign3A_529 = arith.constant 0 : i32
      %sign3A_530 = arith.cmpi sgt, %select_n3A_80, %sign3A_529 : i32
      %sign3A_531 = arith.extui %sign3A_530 : i1 to i32
      %sign3A_532 = arith.constant 0 : i32
      %sign3A_533 = arith.cmpi slt, %select_n3A_80, %sign3A_532 : i32
      %sign3A_534 = arith.extui %sign3A_533 : i1 to i32
      %sign3A_535 = arith.subi %sign3A_531, %sign3A_534 : i32
      %sign3A_536 = arith.constant 0 : i32
      %sign3A_537 = arith.cmpi sgt, %jit3A_527, %sign3A_536 : i32
      %sign3A_538 = arith.extui %sign3A_537 : i1 to i32
      %sign3A_539 = arith.constant 0 : i32
      %sign3A_540 = arith.cmpi slt, %jit3A_527, %sign3A_539 : i32
      %sign3A_541 = arith.extui %sign3A_540 : i1 to i32
      %sign3A_542 = arith.subi %sign3A_538, %sign3A_541 : i32
      %ne3A_543 = arith.cmpi ne, %sign3A_535, %sign3A_542 : i32
      %rem3A_544 = arith.remsi %select_n3A_80, %jit3A_527 : i32
      %ne3A_545 = arith.constant 0 : i32
      %ne3A_546 = arith.cmpi ne, %rem3A_544, %ne3A_545 : i32
      %and3A_547 = arith.andi %ne3A_543, %ne3A_546 : i1
      %sub3A_548 = arith.constant 1 : i32
      %sub3A_549 = arith.subi %div3A_528, %sub3A_548 : i32
      %select_n3A_550 = arith.select %and3A_547, %sub3A_549, %div3A_528 : i32
      %jit3A_551 = arith.constant 4 : i32
      %eq3A_552 = arith.constant 0 : i32
      %eq3A_553 = arith.cmpi eq, %jit3A_551, %eq3A_552 : i32
      %jit3A_554 = arith.constant 1 : i32
      %select_n3A_555 = arith.select %eq3A_553, %jit3A_554, %jit3A_551 : i32
      %rem3A_556 = arith.remsi %select_n3A_80, %select_n3A_555 : i32
      %ne3A_557 = arith.constant 0 : i32
      %ne3A_558 = arith.cmpi ne, %rem3A_556, %ne3A_557 : i32
      %lt3A_559 = arith.constant 0 : i32
      %lt3A_560 = arith.cmpi slt, %rem3A_556, %lt3A_559 : i32
      %lt3A_561 = arith.constant 0 : i32
      %lt3A_562 = arith.cmpi slt, %select_n3A_555, %lt3A_561 : i32
      %ne3A_563 = arith.xori %lt3A_560, %lt3A_562 : i1
      %and3A_564 = arith.andi %ne3A_563, %ne3A_558 : i1
      %add3A_565 = arith.addi %rem3A_556, %select_n3A_555 : i32
      %select_n3A_566 = arith.select %and3A_564, %add3A_565, %rem3A_556 : i32
      %jit3A_567 = arith.constant 4 : i32
      %div3A_568 = arith.divsi %select_n3A_80, %jit3A_567 : i32
      %sign3A_569 = arith.constant 0 : i32
      %sign3A_570 = arith.cmpi sgt, %select_n3A_80, %sign3A_569 : i32
      %sign3A_571 = arith.extui %sign3A_570 : i1 to i32
      %sign3A_572 = arith.constant 0 : i32
      %sign3A_573 = arith.cmpi slt, %select_n3A_80, %sign3A_572 : i32
      %sign3A_574 = arith.extui %sign3A_573 : i1 to i32
      %sign3A_575 = arith.subi %sign3A_571, %sign3A_574 : i32
      %sign3A_576 = arith.constant 0 : i32
      %sign3A_577 = arith.cmpi sgt, %jit3A_567, %sign3A_576 : i32
      %sign3A_578 = arith.extui %sign3A_577 : i1 to i32
      %sign3A_579 = arith.constant 0 : i32
      %sign3A_580 = arith.cmpi slt, %jit3A_567, %sign3A_579 : i32
      %sign3A_581 = arith.extui %sign3A_580 : i1 to i32
      %sign3A_582 = arith.subi %sign3A_578, %sign3A_581 : i32
      %ne3A_583 = arith.cmpi ne, %sign3A_575, %sign3A_582 : i32
      %rem3A_584 = arith.remsi %select_n3A_80, %jit3A_567 : i32
      %ne3A_585 = arith.constant 0 : i32
      %ne3A_586 = arith.cmpi ne, %rem3A_584, %ne3A_585 : i32
      %and3A_587 = arith.andi %ne3A_583, %ne3A_586 : i1
      %sub3A_588 = arith.constant 1 : i32
      %sub3A_589 = arith.subi %div3A_568, %sub3A_588 : i32
      %select_n3A_590 = arith.select %and3A_587, %sub3A_589, %div3A_568 : i32
      %jit3A_591 = arith.constant 4 : i32
      %eq3A_592 = arith.constant 0 : i32
      %eq3A_593 = arith.cmpi eq, %jit3A_591, %eq3A_592 : i32
      %jit3A_594 = arith.constant 1 : i32
      %select_n3A_595 = arith.select %eq3A_593, %jit3A_594, %jit3A_591 : i32
      %rem3A_596 = arith.remsi %select_n3A_80, %select_n3A_595 : i32
      %ne3A_597 = arith.constant 0 : i32
      %ne3A_598 = arith.cmpi ne, %rem3A_596, %ne3A_597 : i32
      %lt3A_599 = arith.constant 0 : i32
      %lt3A_600 = arith.cmpi slt, %rem3A_596, %lt3A_599 : i32
      %lt3A_601 = arith.constant 0 : i32
      %lt3A_602 = arith.cmpi slt, %select_n3A_595, %lt3A_601 : i32
      %ne3A_603 = arith.xori %lt3A_600, %lt3A_602 : i1
      %and3A_604 = arith.andi %ne3A_603, %ne3A_598 : i1
      %add3A_605 = arith.addi %rem3A_596, %select_n3A_595 : i32
      %select_n3A_606 = arith.select %and3A_604, %add3A_605, %rem3A_596 : i32
      %dma_start3A = arith.constant 0 : i32
      %dma_start3A_607 = tpu.memref_slice %run_scoped3A[%dma_start3A] : memref<80xi32, #tpu.memory_space<vmem>> -> memref<64xi32, #tpu.memory_space<vmem>>
      %dma_start3A_608 = arith.constant 0 : i32
      %dma_start3A_609 = tpu.memref_slice %run_scoped3A[%dma_start3A_608] : memref<80xi32, #tpu.memory_space<vmem>> -> memref<64xi32, #tpu.memory_space<vmem>>
      tpu.enqueue_dma source(%arg3 : memref<64xi32, #tpu.memory_space<hbm>>) target(%dma_start3A_609 : memref<64xi32, #tpu.memory_space<vmem>>) target_semaphore(%run_scoped3A_9 : memref<!tpu.dma_semaphore, #tpu.memory_space<semaphore_mem>>)
      %dma_start3A_610 = arith.constant 0 : i32
      %dma_start3A_611 = tpu.memref_slice %arg2[%select_n3A_150, %select_n3A_166, %select_n3A_94, %dma_start3A_610] : memref<16x4x2x131072xf32, #tpu.memory_space<hbm>> -> memref<1x1x1x32768xf32, #tpu.memory_space<hbm>>
      %dma_start3A_612 = tpu.memref_squeeze %dma_start3A_611 : memref<1x1x1x32768xf32, #tpu.memory_space<hbm>> -> memref<32768xf32, #tpu.memory_space<hbm>>
      %dma_start3A_613 = arith.constant 0 : i32
      %dma_start3A_614 = tpu.memref_slice %arg2[%select_n3A_150, %select_n3A_166, %select_n3A_94, %dma_start3A_613] : memref<16x4x2x131072xf32, #tpu.memory_space<hbm>> -> memref<1x1x1x32768xf32, #tpu.memory_space<hbm>>
      %dma_start3A_615 = tpu.memref_squeeze %dma_start3A_614 : memref<1x1x1x32768xf32, #tpu.memory_space<hbm>> -> memref<32768xf32, #tpu.memory_space<hbm>>
      tpu.enqueue_dma source(%dma_start3A_615 : memref<32768xf32, #tpu.memory_space<hbm>>) target(%run_scoped3A_0 : memref<32768xf32, #tpu.memory_space<vmem>>) target_semaphore(%run_scoped3A_3 : memref<!tpu.dma_semaphore, #tpu.memory_space<semaphore_mem>>)
      %dma_start3A_616 = arith.constant 32768 : i32
      %dma_start3A_617 = tpu.memref_slice %arg2[%select_n3A_190, %select_n3A_206, %select_n3A_94, %dma_start3A_616] : memref<16x4x2x131072xf32, #tpu.memory_space<hbm>> -> memref<1x1x1x32768xf32, #tpu.memory_space<hbm>>
      %dma_start3A_618 = tpu.memref_squeeze %dma_start3A_617 : memref<1x1x1x32768xf32, #tpu.memory_space<hbm>> -> memref<32768xf32, #tpu.memory_space<hbm>>
      %dma_start3A_619 = arith.constant 32768 : i32
      %dma_start3A_620 = tpu.memref_slice %arg2[%select_n3A_190, %select_n3A_206, %select_n3A_94, %dma_start3A_619] : memref<16x4x2x131072xf32, #tpu.memory_space<hbm>> -> memref<1x1x1x32768xf32, #tpu.memory_space<hbm>>
      %dma_start3A_621 = tpu.memref_squeeze %dma_start3A_620 : memref<1x1x1x32768xf32, #tpu.memory_space<hbm>> -> memref<32768xf32, #tpu.memory_space<hbm>>
      tpu.enqueue_dma source(%dma_start3A_621 : memref<32768xf32, #tpu.memory_space<hbm>>) target(%run_scoped3A_1 : memref<32768xf32, #tpu.memory_space<vmem>>) target_semaphore(%run_scoped3A_4 : memref<!tpu.dma_semaphore, #tpu.memory_space<semaphore_mem>>)
      %dma_wait3A = arith.constant 0 : i32
      %dma_wait3A_622 = tpu.memref_slice %run_scoped3A[%dma_wait3A] : memref<80xi32, #tpu.memory_space<vmem>> -> memref<64xi32, #tpu.memory_space<vmem>>
      %dma_wait3A_623 = arith.constant 0 : i32
      %dma_wait3A_624 = tpu.memref_slice %run_scoped3A[%dma_wait3A_623] : memref<80xi32, #tpu.memory_space<vmem>> -> memref<64xi32, #tpu.memory_space<vmem>>
      tpu.wait_dma2 semaphore(%run_scoped3A_9 : memref<!tpu.dma_semaphore, #tpu.memory_space<semaphore_mem>>) src(%arg3 : memref<64xi32, #tpu.memory_space<hbm>>) dst(%dma_wait3A_624 : memref<64xi32, #tpu.memory_space<vmem>>)
      %get3A = arith.index_cast %select_n3A : i32 to index
      %get3A_625 = tpu.vector_load %run_scoped3A[%get3A] {strides = array<i32>} : memref<80xi32, #tpu.memory_space<vmem>>, vector<16xi32>,
      %get3A_626 = vector.shape_cast %get3A_625 : vector<16xi32> to vector<16xi32>
      %slice3A = vector.extract_strided_slice %get3A_626 {offsets = [0], sizes = [1], strides = [1]} : vector<16xi32> to vector<1xi32>
      %squeeze3A = vector.extract %slice3A[0] : i32 from vector<1xi32>
      %slice3A_627 = vector.extract_strided_slice %get3A_626 {offsets = [1], sizes = [1], strides = [1]} : vector<16xi32> to vector<1xi32>
      %squeeze3A_628 = vector.extract %slice3A_627[0] : i32 from vector<1xi32>
      %sub3A_629 = arith.subi %select_n3A, %select_n3A : i32
      %sub3A_630 = arith.constant 1 : i32
      %sub3A_631 = arith.subi %sub3A_630, %sub3A_629 : i32
      %mul3A_632 = arith.muli %squeeze3A, %sub3A_631 : i32
      %mul3A_633 = arith.muli %squeeze3A_628, %sub3A_629 : i32
      %add3A_634 = arith.addi %mul3A_632, %mul3A_633 : i32
      %add3A_635 = arith.addi %select_n3A_94, %add3A_634 : i32
      %mul3A_636 = arith.constant 2 : i32
      %mul3A_637 = arith.muli %mul3A_636, %select_n3A_94 : i32
      %mul3A_638 = arith.muli %mul3A_637, %add3A_634 : i32
      %sub3A_639 = arith.subi %add3A_635, %mul3A_638 : i32
      %sub3A_640 = arith.subi %select_n3A_56, %select_n3A : i32
      %sub3A_641 = arith.constant 1 : i32
      %sub3A_642 = arith.subi %sub3A_641, %sub3A_640 : i32
      %mul3A_643 = arith.muli %squeeze3A, %sub3A_642 : i32
      %mul3A_644 = arith.muli %squeeze3A_628, %sub3A_640 : i32
      %add3A_645 = arith.addi %mul3A_643, %mul3A_644 : i32
      %add3A_646 = arith.addi %select_n3A_110, %add3A_645 : i32
      %mul3A_647 = arith.constant 2 : i32
      %mul3A_648 = arith.muli %mul3A_647, %select_n3A_110 : i32
      %mul3A_649 = arith.muli %mul3A_648, %add3A_645 : i32
      %sub3A_650 = arith.subi %add3A_646, %mul3A_649 : i32
      %sub3A_651 = arith.subi %select_n3A_80, %select_n3A : i32
      %sub3A_652 = arith.constant 1 : i32
      %sub3A_653 = arith.subi %sub3A_652, %sub3A_651 : i32
      %mul3A_654 = arith.muli %squeeze3A, %sub3A_653 : i32
      %mul3A_655 = arith.muli %squeeze3A_628, %sub3A_651 : i32
      %add3A_656 = arith.addi %mul3A_654, %mul3A_655 : i32
      %add3A_657 = arith.addi %select_n3A_126, %add3A_656 : i32
      %mul3A_658 = arith.constant 2 : i32
      %mul3A_659 = arith.muli %mul3A_658, %select_n3A_126 : i32
      %mul3A_660 = arith.muli %mul3A_659, %add3A_656 : i32
      %sub3A_661 = arith.subi %add3A_657, %mul3A_660 : i32
      %dma_wait3A_662 = arith.constant 0 : i32
      %dma_wait3A_663 = tpu.memref_slice %arg2[%select_n3A_150, %select_n3A_166, %select_n3A_94, %dma_wait3A_662] : memref<16x4x2x131072xf32, #tpu.memory_space<hbm>> -> memref<1x1x1x32768xf32, #tpu.memory_space<hbm>>
      %dma_wait3A_664 = tpu.memref_squeeze %dma_wait3A_663 : memref<1x1x1x32768xf32, #tpu.memory_space<hbm>> -> memref<32768xf32, #tpu.memory_space<hbm>>
      %dma_wait3A_665 = arith.constant 0 : i32
      %dma_wait3A_666 = tpu.memref_slice %arg2[%select_n3A_150, %select_n3A_166, %select_n3A_94, %dma_wait3A_665] : memref<16x4x2x131072xf32, #tpu.memory_space<hbm>> -> memref<1x1x1x32768xf32, #tpu.memory_space<hbm>>
      %dma_wait3A_667 = tpu.memref_squeeze %dma_wait3A_666 : memref<1x1x1x32768xf32, #tpu.memory_space<hbm>> -> memref<32768xf32, #tpu.memory_space<hbm>>
      tpu.wait_dma2 semaphore(%run_scoped3A_3 : memref<!tpu.dma_semaphore, #tpu.memory_space<semaphore_mem>>) src(%dma_wait3A_667 : memref<32768xf32, #tpu.memory_space<hbm>>) dst(%run_scoped3A_0 : memref<32768xf32, #tpu.memory_space<vmem>>)
      %dma_start3A_668 = arith.constant 0 : i32
      %dma_start3A_669 = tpu.memref_slice %arg4[%select_n3A_150, %select_n3A_166, %sub3A_639, %dma_start3A_668] : memref<16x4x2x131072xf32, #tpu.memory_space<hbm>> -> memref<1x1x1x32768xf32, #tpu.memory_space<hbm>>
      %dma_start3A_670 = tpu.memref_squeeze %dma_start3A_669 : memref<1x1x1x32768xf32, #tpu.memory_space<hbm>> -> memref<32768xf32, #tpu.memory_space<hbm>>
      %dma_start3A_671 = arith.constant 0 : i32
      %dma_start3A_672 = tpu.memref_slice %arg4[%select_n3A_150, %select_n3A_166, %sub3A_639, %dma_start3A_671] : memref<16x4x2x131072xf32, #tpu.memory_space<hbm>> -> memref<1x1x1x32768xf32, #tpu.memory_space<hbm>>
      %dma_start3A_673 = tpu.memref_squeeze %dma_start3A_672 : memref<1x1x1x32768xf32, #tpu.memory_space<hbm>> -> memref<32768xf32, #tpu.memory_space<hbm>>
      tpu.enqueue_dma source(%run_scoped3A_0 : memref<32768xf32, #tpu.memory_space<vmem>>) target(%dma_start3A_673 : memref<32768xf32, #tpu.memory_space<hbm>>) target_semaphore(%run_scoped3A_6 : memref<!tpu.dma_semaphore, #tpu.memory_space<semaphore_mem>>)
      %dma_start3A_674 = arith.constant 65536 : i32
      %dma_start3A_675 = tpu.memref_slice %arg2[%select_n3A_230, %select_n3A_246, %select_n3A_94, %dma_start3A_674] : memref<16x4x2x131072xf32, #tpu.memory_space<hbm>> -> memref<1x1x1x32768xf32, #tpu.memory_space<hbm>>
      %dma_start3A_676 = tpu.memref_squeeze %dma_start3A_675 : memref<1x1x1x32768xf32, #tpu.memory_space<hbm>> -> memref<32768xf32, #tpu.memory_space<hbm>>
      %dma_start3A_677 = arith.constant 65536 : i32
      %dma_start3A_678 = tpu.memref_slice %arg2[%select_n3A_230, %select_n3A_246, %select_n3A_94, %dma_start3A_677] : memref<16x4x2x131072xf32, #tpu.memory_space<hbm>> -> memref<1x1x1x32768xf32, #tpu.memory_space<hbm>>
      %dma_start3A_679 = tpu.memref_squeeze %dma_start3A_678 : memref<1x1x1x32768xf32, #tpu.memory_space<hbm>> -> memref<32768xf32, #tpu.memory_space<hbm>>
      tpu.enqueue_dma source(%dma_start3A_679 : memref<32768xf32, #tpu.memory_space<hbm>>) target(%run_scoped3A_2 : memref<32768xf32, #tpu.memory_space<vmem>>) target_semaphore(%run_scoped3A_5 : memref<!tpu.dma_semaphore, #tpu.memory_space<semaphore_mem>>)
      %dma_wait3A_680 = arith.constant 32768 : i32
      %dma_wait3A_681 = tpu.memref_slice %arg2[%select_n3A_190, %select_n3A_206, %select_n3A_94, %dma_wait3A_680] : memref<16x4x2x131072xf32, #tpu.memory_space<hbm>> -> memref<1x1x1x32768xf32, #tpu.memory_space<hbm>>
      %dma_wait3A_682 = tpu.memref_squeeze %dma_wait3A_681 : memref<1x1x1x32768xf32, #tpu.memory_space<hbm>> -> memref<32768xf32, #tpu.memory_space<hbm>>
      %dma_wait3A_683 = arith.constant 32768 : i32
      %dma_wait3A_684 = tpu.memref_slice %arg2[%select_n3A_190, %select_n3A_206, %select_n3A_94, %dma_wait3A_683] : memref<16x4x2x131072xf32, #tpu.memory_space<hbm>> -> memref<1x1x1x32768xf32, #tpu.memory_space<hbm>>
      %dma_wait3A_685 = tpu.memref_squeeze %dma_wait3A_684 : memref<1x1x1x32768xf32, #tpu.memory_space<hbm>> -> memref<32768xf32, #tpu.memory_space<hbm>>
      tpu.wait_dma2 semaphore(%run_scoped3A_4 : memref<!tpu.dma_semaphore, #tpu.memory_space<semaphore_mem>>) src(%dma_wait3A_685 : memref<32768xf32, #tpu.memory_space<hbm>>) dst(%run_scoped3A_1 : memref<32768xf32, #tpu.memory_space<vmem>>)
      %dma_start3A_686 = arith.constant 32768 : i32
      %dma_start3A_687 = tpu.memref_slice %arg4[%select_n3A_190, %select_n3A_206, %sub3A_639, %dma_start3A_686] : memref<16x4x2x131072xf32, #tpu.memory_space<hbm>> -> memref<1x1x1x32768xf32, #tpu.memory_space<hbm>>
      %dma_start3A_688 = tpu.memref_squeeze %dma_start3A_687 : memref<1x1x1x32768xf32, #tpu.memory_space<hbm>> -> memref<32768xf32, #tpu.memory_space<hbm>>
      %dma_start3A_689 = arith.constant 32768 : i32
      %dma_start3A_690 = tpu.memref_slice %arg4[%select_n3A_190, %select_n3A_206, %sub3A_639, %dma_start3A_689] : memref<16x4x2x131072xf32, #tpu.memory_space<hbm>> -> memref<1x1x1x32768xf32, #tpu.memory_space<hbm>>
      %dma_start3A_691 = tpu.memref_squeeze %dma_start3A_690 : memref<1x1x1x32768xf32, #tpu.memory_space<hbm>> -> memref<32768xf32, #tpu.memory_space<hbm>>
      tpu.enqueue_dma source(%run_scoped3A_1 : memref<32768xf32, #tpu.memory_space<vmem>>) target(%dma_start3A_691 : memref<32768xf32, #tpu.memory_space<hbm>>) target_semaphore(%run_scoped3A_7 : memref<!tpu.dma_semaphore, #tpu.memory_space<semaphore_mem>>)
      %dma_wait3A_692 = arith.constant 0 : i32
      %dma_wait3A_693 = tpu.memref_slice %arg4[%select_n3A_150, %select_n3A_166, %sub3A_639, %dma_wait3A_692] : memref<16x4x2x131072xf32, #tpu.memory_space<hbm>> -> memref<1x1x1x32768xf32, #tpu.memory_space<hbm>>
      %dma_wait3A_694 = tpu.memref_squeeze %dma_wait3A_693 : memref<1x1x1x32768xf32, #tpu.memory_space<hbm>> -> memref<32768xf32, #tpu.memory_space<hbm>>
      %dma_wait3A_695 = arith.constant 0 : i32
      %dma_wait3A_696 = tpu.memref_slice %arg4[%select_n3A_150, %select_n3A_166, %sub3A_639, %dma_wait3A_695] : memref<16x4x2x131072xf32, #tpu.memory_space<hbm>> -> memref<1x1x1x32768xf32, #tpu.memory_space<hbm>>
      %dma_wait3A_697 = tpu.memref_squeeze %dma_wait3A_696 : memref<1x1x1x32768xf32, #tpu.memory_space<hbm>> -> memref<32768xf32, #tpu.memory_space<hbm>>
      tpu.wait_dma2 semaphore(%run_scoped3A_6 : memref<!tpu.dma_semaphore, #tpu.memory_space<semaphore_mem>>) src(%run_scoped3A_0 : memref<32768xf32, #tpu.memory_space<vmem>>) dst(%dma_wait3A_697 : memref<32768xf32, #tpu.memory_space<hbm>>)
      %dma_start3A_698 = arith.constant 98304 : i32
      %dma_start3A_699 = tpu.memref_slice %arg2[%select_n3A_270, %select_n3A_286, %select_n3A_94, %dma_start3A_698] : memref<16x4x2x131072xf32, #tpu.memory_space<hbm>> -> memref<1x1x1x32768xf32, #tpu.memory_space<hbm>>
      %dma_start3A_700 = tpu.memref_squeeze %dma_start3A_699 : memref<1x1x1x32768xf32, #tpu.memory_space<hbm>> -> memref<32768xf32, #tpu.memory_space<hbm>>
      %dma_start3A_701 = arith.constant 98304 : i32
      %dma_start3A_702 = tpu.memref_slice %arg2[%select_n3A_270, %select_n3A_286, %select_n3A_94, %dma_start3A_701] : memref<16x4x2x131072xf32, #tpu.memory_space<hbm>> -> memref<1x1x1x32768xf32, #tpu.memory_space<hbm>>
      %dma_start3A_703 = tpu.memref_squeeze %dma_start3A_702 : memref<1x1x1x32768xf32, #tpu.memory_space<hbm>> -> memref<32768xf32, #tpu.memory_space<hbm>>
      tpu.enqueue_dma source(%dma_start3A_703 : memref<32768xf32, #tpu.memory_space<hbm>>) target(%run_scoped3A_0 : memref<32768xf32, #tpu.memory_space<vmem>>) target_semaphore(%run_scoped3A_3 : memref<!tpu.dma_semaphore, #tpu.memory_space<semaphore_mem>>)
      %dma_wait3A_704 = arith.constant 65536 : i32
      %dma_wait3A_705 = tpu.memref_slice %arg2[%select_n3A_230, %select_n3A_246, %select_n3A_94, %dma_wait3A_704] : memref<16x4x2x131072xf32, #tpu.memory_space<hbm>> -> memref<1x1x1x32768xf32, #tpu.memory_space<hbm>>
      %dma_wait3A_706 = tpu.memref_squeeze %dma_wait3A_705 : memref<1x1x1x32768xf32, #tpu.memory_space<hbm>> -> memref<32768xf32, #tpu.memory_space<hbm>>
      %dma_wait3A_707 = arith.constant 65536 : i32
      %dma_wait3A_708 = tpu.memref_slice %arg2[%select_n3A_230, %select_n3A_246, %select_n3A_94, %dma_wait3A_707] : memref<16x4x2x131072xf32, #tpu.memory_space<hbm>> -> memref<1x1x1x32768xf32, #tpu.memory_space<hbm>>
      %dma_wait3A_709 = tpu.memref_squeeze %dma_wait3A_708 : memref<1x1x1x32768xf32, #tpu.memory_space<hbm>> -> memref<32768xf32, #tpu.memory_space<hbm>>
      tpu.wait_dma2 semaphore(%run_scoped3A_5 : memref<!tpu.dma_semaphore, #tpu.memory_space<semaphore_mem>>) src(%dma_wait3A_709 : memref<32768xf32, #tpu.memory_space<hbm>>) dst(%run_scoped3A_2 : memref<32768xf32, #tpu.memory_space<vmem>>)
      %dma_start3A_710 = arith.constant 65536 : i32
      %dma_start3A_711 = tpu.memref_slice %arg4[%select_n3A_230, %select_n3A_246, %sub3A_639, %dma_start3A_710] : memref<16x4x2x131072xf32, #tpu.memory_space<hbm>> -> memref<1x1x1x32768xf32, #tpu.memory_space<hbm>>
      %dma_start3A_712 = tpu.memref_squeeze %dma_start3A_711 : memref<1x1x1x32768xf32, #tpu.memory_space<hbm>> -> memref<32768xf32, #tpu.memory_space<hbm>>
      %dma_start3A_713 = arith.constant 65536 : i32
      %dma_start3A_714 = tpu.memref_slice %arg4[%select_n3A_230, %select_n3A_246, %sub3A_639, %dma_start3A_713] : memref<16x4x2x131072xf32, #tpu.memory_space<hbm>> -> memref<1x1x1x32768xf32, #tpu.memory_space<hbm>>
      %dma_start3A_715 = tpu.memref_squeeze %dma_start3A_714 : memref<1x1x1x32768xf32, #tpu.memory_space<hbm>> -> memref<32768xf32, #tpu.memory_space<hbm>>
      tpu.enqueue_dma source(%run_scoped3A_2 : memref<32768xf32, #tpu.memory_space<vmem>>) target(%dma_start3A_715 : memref<32768xf32, #tpu.memory_space<hbm>>) target_semaphore(%run_scoped3A_8 : memref<!tpu.dma_semaphore, #tpu.memory_space<semaphore_mem>>)
      %dma_wait3A_716 = arith.constant 32768 : i32
      %dma_wait3A_717 = tpu.memref_slice %arg4[%select_n3A_190, %select_n3A_206, %sub3A_639, %dma_wait3A_716] : memref<16x4x2x131072xf32, #tpu.memory_space<hbm>> -> memref<1x1x1x32768xf32, #tpu.memory_space<hbm>>
      %dma_wait3A_718 = tpu.memref_squeeze %dma_wait3A_717 : memref<1x1x1x32768xf32, #tpu.memory_space<hbm>> -> memref<32768xf32, #tpu.memory_space<hbm>>
      %dma_wait3A_719 = arith.constant 32768 : i32
      %dma_wait3A_720 = tpu.memref_slice %arg4[%select_n3A_190, %select_n3A_206, %sub3A_639, %dma_wait3A_719] : memref<16x4x2x131072xf32, #tpu.memory_space<hbm>> -> memref<1x1x1x32768xf32, #tpu.memory_space<hbm>>
      %dma_wait3A_721 = tpu.memref_squeeze %dma_wait3A_720 : memref<1x1x1x32768xf32, #tpu.memory_space<hbm>> -> memref<32768xf32, #tpu.memory_space<hbm>>
      tpu.wait_dma2 semaphore(%run_scoped3A_7 : memref<!tpu.dma_semaphore, #tpu.memory_space<semaphore_mem>>) src(%run_scoped3A_1 : memref<32768xf32, #tpu.memory_space<vmem>>) dst(%dma_wait3A_721 : memref<32768xf32, #tpu.memory_space<hbm>>)
      %dma_start3A_722 = arith.constant 0 : i32
      %dma_start3A_723 = tpu.memref_slice %arg2[%select_n3A_310, %select_n3A_326, %select_n3A_110, %dma_start3A_722] : memref<16x4x2x131072xf32, #tpu.memory_space<hbm>> -> memref<1x1x1x32768xf32, #tpu.memory_space<hbm>>
      %dma_start3A_724 = tpu.memref_squeeze %dma_start3A_723 : memref<1x1x1x32768xf32, #tpu.memory_space<hbm>> -> memref<32768xf32, #tpu.memory_space<hbm>>
      %dma_start3A_725 = arith.constant 0 : i32
      %dma_start3A_726 = tpu.memref_slice %arg2[%select_n3A_310, %select_n3A_326, %select_n3A_110, %dma_start3A_725] : memref<16x4x2x131072xf32, #tpu.memory_space<hbm>> -> memref<1x1x1x32768xf32, #tpu.memory_space<hbm>>
      %dma_start3A_727 = tpu.memref_squeeze %dma_start3A_726 : memref<1x1x1x32768xf32, #tpu.memory_space<hbm>> -> memref<32768xf32, #tpu.memory_space<hbm>>
      tpu.enqueue_dma source(%dma_start3A_727 : memref<32768xf32, #tpu.memory_space<hbm>>) target(%run_scoped3A_1 : memref<32768xf32, #tpu.memory_space<vmem>>) target_semaphore(%run_scoped3A_4 : memref<!tpu.dma_semaphore, #tpu.memory_space<semaphore_mem>>)
      %dma_wait3A_728 = arith.constant 98304 : i32
      %dma_wait3A_729 = tpu.memref_slice %arg2[%select_n3A_270, %select_n3A_286, %select_n3A_94, %dma_wait3A_728] : memref<16x4x2x131072xf32, #tpu.memory_space<hbm>> -> memref<1x1x1x32768xf32, #tpu.memory_space<hbm>>
      %dma_wait3A_730 = tpu.memref_squeeze %dma_wait3A_729 : memref<1x1x1x32768xf32, #tpu.memory_space<hbm>> -> memref<32768xf32, #tpu.memory_space<hbm>>
      %dma_wait3A_731 = arith.constant 98304 : i32
      %dma_wait3A_732 = tpu.memref_slice %arg2[%select_n3A_270, %select_n3A_286, %select_n3A_94, %dma_wait3A_731] : memref<16x4x2x131072xf32, #tpu.memory_space<hbm>> -> memref<1x1x1x32768xf32, #tpu.memory_space<hbm>>
      %dma_wait3A_733 = tpu.memref_squeeze %dma_wait3A_732 : memref<1x1x1x32768xf32, #tpu.memory_space<hbm>> -> memref<32768xf32, #tpu.memory_space<hbm>>
      tpu.wait_dma2 semaphore(%run_scoped3A_3 : memref<!tpu.dma_semaphore, #tpu.memory_space<semaphore_mem>>) src(%dma_wait3A_733 : memref<32768xf32, #tpu.memory_space<hbm>>) dst(%run_scoped3A_0 : memref<32768xf32, #tpu.memory_space<vmem>>)
      %dma_start3A_734 = arith.constant 98304 : i32
      %dma_start3A_735 = tpu.memref_slice %arg4[%select_n3A_270, %select_n3A_286, %sub3A_639, %dma_start3A_734] : memref<16x4x2x131072xf32, #tpu.memory_space<hbm>> -> memref<1x1x1x32768xf32, #tpu.memory_space<hbm>>
      %dma_start3A_736 = tpu.memref_squeeze %dma_start3A_735 : memref<1x1x1x32768xf32, #tpu.memory_space<hbm>> -> memref<32768xf32, #tpu.memory_space<hbm>>
      %dma_start3A_737 = arith.constant 98304 : i32
      %dma_start3A_738 = tpu.memref_slice %arg4[%select_n3A_270, %select_n3A_286, %sub3A_639, %dma_start3A_737] : memref<16x4x2x131072xf32, #tpu.memory_space<hbm>> -> memref<1x1x1x32768xf32, #tpu.memory_space<hbm>>
      %dma_start3A_739 = tpu.memref_squeeze %dma_start3A_738 : memref<1x1x1x32768xf32, #tpu.memory_space<hbm>> -> memref<32768xf32, #tpu.memory_space<hbm>>
      tpu.enqueue_dma source(%run_scoped3A_0 : memref<32768xf32, #tpu.memory_space<vmem>>) target(%dma_start3A_739 : memref<32768xf32, #tpu.memory_space<hbm>>) target_semaphore(%run_scoped3A_6 : memref<!tpu.dma_semaphore, #tpu.memory_space<semaphore_mem>>)
      %dma_wait3A_740 = arith.constant 65536 : i32
      %dma_wait3A_741 = tpu.memref_slice %arg4[%select_n3A_230, %select_n3A_246, %sub3A_639, %dma_wait3A_740] : memref<16x4x2x131072xf32, #tpu.memory_space<hbm>> -> memref<1x1x1x32768xf32, #tpu.memory_space<hbm>>
      %dma_wait3A_742 = tpu.memref_squeeze %dma_wait3A_741 : memref<1x1x1x32768xf32, #tpu.memory_space<hbm>> -> memref<32768xf32, #tpu.memory_space<hbm>>
      %dma_wait3A_743 = arith.constant 65536 : i32
      %dma_wait3A_744 = tpu.memref_slice %arg4[%select_n3A_230, %select_n3A_246, %sub3A_639, %dma_wait3A_743] : memref<16x4x2x131072xf32, #tpu.memory_space<hbm>> -> memref<1x1x1x32768xf32, #tpu.memory_space<hbm>>
      %dma_wait3A_745 = tpu.memref_squeeze %dma_wait3A_744 : memref<1x1x1x32768xf32, #tpu.memory_space<hbm>> -> memref<32768xf32, #tpu.memory_space<hbm>>
      tpu.wait_dma2 semaphore(%run_scoped3A_8 : memref<!tpu.dma_semaphore, #tpu.memory_space<semaphore_mem>>) src(%run_scoped3A_2 : memref<32768xf32, #tpu.memory_space<vmem>>) dst(%dma_wait3A_745 : memref<32768xf32, #tpu.memory_space<hbm>>)
      %dma_start3A_746 = arith.constant 32768 : i32
      %dma_start3A_747 = tpu.memref_slice %arg2[%select_n3A_350, %select_n3A_366, %select_n3A_110, %dma_start3A_746] : memref<16x4x2x131072xf32, #tpu.memory_space<hbm>> -> memref<1x1x1x32768xf32, #tpu.memory_space<hbm>>
      %dma_start3A_748 = tpu.memref_squeeze %dma_start3A_747 : memref<1x1x1x32768xf32, #tpu.memory_space<hbm>> -> memref<32768xf32, #tpu.memory_space<hbm>>
      %dma_start3A_749 = arith.constant 32768 : i32
      %dma_start3A_750 = tpu.memref_slice %arg2[%select_n3A_350, %select_n3A_366, %select_n3A_110, %dma_start3A_749] : memref<16x4x2x131072xf32, #tpu.memory_space<hbm>> -> memref<1x1x1x32768xf32, #tpu.memory_space<hbm>>
      %dma_start3A_751 = tpu.memref_squeeze %dma_start3A_750 : memref<1x1x1x32768xf32, #tpu.memory_space<hbm>> -> memref<32768xf32, #tpu.memory_space<hbm>>
      tpu.enqueue_dma source(%dma_start3A_751 : memref<32768xf32, #tpu.memory_space<hbm>>) target(%run_scoped3A_2 : memref<32768xf32, #tpu.memory_space<vmem>>) target_semaphore(%run_scoped3A_5 : memref<!tpu.dma_semaphore, #tpu.memory_space<semaphore_mem>>)
      %dma_wait3A_752 = arith.constant 0 : i32
      %dma_wait3A_753 = tpu.memref_slice %arg2[%select_n3A_310, %select_n3A_326, %select_n3A_110, %dma_wait3A_752] : memref<16x4x2x131072xf32, #tpu.memory_space<hbm>> -> memref<1x1x1x32768xf32, #tpu.memory_space<hbm>>
      %dma_wait3A_754 = tpu.memref_squeeze %dma_wait3A_753 : memref<1x1x1x32768xf32, #tpu.memory_space<hbm>> -> memref<32768xf32, #tpu.memory_space<hbm>>
      %dma_wait3A_755 = arith.constant 0 : i32
      %dma_wait3A_756 = tpu.memref_slice %arg2[%select_n3A_310, %select_n3A_326, %select_n3A_110, %dma_wait3A_755] : memref<16x4x2x131072xf32, #tpu.memory_space<hbm>> -> memref<1x1x1x32768xf32, #tpu.memory_space<hbm>>
      %dma_wait3A_757 = tpu.memref_squeeze %dma_wait3A_756 : memref<1x1x1x32768xf32, #tpu.memory_space<hbm>> -> memref<32768xf32, #tpu.memory_space<hbm>>
      tpu.wait_dma2 semaphore(%run_scoped3A_4 : memref<!tpu.dma_semaphore, #tpu.memory_space<semaphore_mem>>) src(%dma_wait3A_757 : memref<32768xf32, #tpu.memory_space<hbm>>) dst(%run_scoped3A_1 : memref<32768xf32, #tpu.memory_space<vmem>>)
      %dma_start3A_758 = arith.constant 0 : i32
      %dma_start3A_759 = tpu.memref_slice %arg4[%select_n3A_310, %select_n3A_326, %sub3A_650, %dma_start3A_758] : memref<16x4x2x131072xf32, #tpu.memory_space<hbm>> -> memref<1x1x1x32768xf32, #tpu.memory_space<hbm>>
      %dma_start3A_760 = tpu.memref_squeeze %dma_start3A_759 : memref<1x1x1x32768xf32, #tpu.memory_space<hbm>> -> memref<32768xf32, #tpu.memory_space<hbm>>
      %dma_start3A_761 = arith.constant 0 : i32
      %dma_start3A_762 = tpu.memref_slice %arg4[%select_n3A_310, %select_n3A_326, %sub3A_650, %dma_start3A_761] : memref<16x4x2x131072xf32, #tpu.memory_space<hbm>> -> memref<1x1x1x32768xf32, #tpu.memory_space<hbm>>
      %dma_start3A_763 = tpu.memref_squeeze %dma_start3A_762 : memref<1x1x1x32768xf32, #tpu.memory_space<hbm>> -> memref<32768xf32, #tpu.memory_space<hbm>>
      tpu.enqueue_dma source(%run_scoped3A_1 : memref<32768xf32, #tpu.memory_space<vmem>>) target(%dma_start3A_763 : memref<32768xf32, #tpu.memory_space<hbm>>) target_semaphore(%run_scoped3A_7 : memref<!tpu.dma_semaphore, #tpu.memory_space<semaphore_mem>>)
      %dma_wait3A_764 = arith.constant 98304 : i32
      %dma_wait3A_765 = tpu.memref_slice %arg4[%select_n3A_270, %select_n3A_286, %sub3A_639, %dma_wait3A_764] : memref<16x4x2x131072xf32, #tpu.memory_space<hbm>> -> memref<1x1x1x32768xf32, #tpu.memory_space<hbm>>
      %dma_wait3A_766 = tpu.memref_squeeze %dma_wait3A_765 : memref<1x1x1x32768xf32, #tpu.memory_space<hbm>> -> memref<32768xf32, #tpu.memory_space<hbm>>
      %dma_wait3A_767 = arith.constant 98304 : i32
      %dma_wait3A_768 = tpu.memref_slice %arg4[%select_n3A_270, %select_n3A_286, %sub3A_639, %dma_wait3A_767] : memref<16x4x2x131072xf32, #tpu.memory_space<hbm>> -> memref<1x1x1x32768xf32, #tpu.memory_space<hbm>>
      %dma_wait3A_769 = tpu.memref_squeeze %dma_wait3A_768 : memref<1x1x1x32768xf32, #tpu.memory_space<hbm>> -> memref<32768xf32, #tpu.memory_space<hbm>>
      tpu.wait_dma2 semaphore(%run_scoped3A_6 : memref<!tpu.dma_semaphore, #tpu.memory_space<semaphore_mem>>) src(%run_scoped3A_0 : memref<32768xf32, #tpu.memory_space<vmem>>) dst(%dma_wait3A_769 : memref<32768xf32, #tpu.memory_space<hbm>>)
      %dma_start3A_770 = arith.constant 65536 : i32
      %dma_start3A_771 = tpu.memref_slice %arg2[%select_n3A_390, %select_n3A_406, %select_n3A_110, %dma_start3A_770] : memref<16x4x2x131072xf32, #tpu.memory_space<hbm>> -> memref<1x1x1x32768xf32, #tpu.memory_space<hbm>>
      %dma_start3A_772 = tpu.memref_squeeze %dma_start3A_771 : memref<1x1x1x32768xf32, #tpu.memory_space<hbm>> -> memref<32768xf32, #tpu.memory_space<hbm>>
      %dma_start3A_773 = arith.constant 65536 : i32
      %dma_start3A_774 = tpu.memref_slice %arg2[%select_n3A_390, %select_n3A_406, %select_n3A_110, %dma_start3A_773] : memref<16x4x2x131072xf32, #tpu.memory_space<hbm>> -> memref<1x1x1x32768xf32, #tpu.memory_space<hbm>>
      %dma_start3A_775 = tpu.memref_squeeze %dma_start3A_774 : memref<1x1x1x32768xf32, #tpu.memory_space<hbm>> -> memref<32768xf32, #tpu.memory_space<hbm>>
      tpu.enqueue_dma source(%dma_start3A_775 : memref<32768xf32, #tpu.memory_space<hbm>>) target(%run_scoped3A_0 : memref<32768xf32, #tpu.memory_space<vmem>>) target_semaphore(%run_scoped3A_3 : memref<!tpu.dma_semaphore, #tpu.memory_space<semaphore_mem>>)
      %dma_wait3A_776 = arith.constant 32768 : i32
      %dma_wait3A_777 = tpu.memref_slice %arg2[%select_n3A_350, %select_n3A_366, %select_n3A_110, %dma_wait3A_776] : memref<16x4x2x131072xf32, #tpu.memory_space<hbm>> -> memref<1x1x1x32768xf32, #tpu.memory_space<hbm>>
      %dma_wait3A_778 = tpu.memref_squeeze %dma_wait3A_777 : memref<1x1x1x32768xf32, #tpu.memory_space<hbm>> -> memref<32768xf32, #tpu.memory_space<hbm>>
      %dma_wait3A_779 = arith.constant 32768 : i32
      %dma_wait3A_780 = tpu.memref_slice %arg2[%select_n3A_350, %select_n3A_366, %select_n3A_110, %dma_wait3A_779] : memref<16x4x2x131072xf32, #tpu.memory_space<hbm>> -> memref<1x1x1x32768xf32, #tpu.memory_space<hbm>>
      %dma_wait3A_781 = tpu.memref_squeeze %dma_wait3A_780 : memref<1x1x1x32768xf32, #tpu.memory_space<hbm>> -> memref<32768xf32, #tpu.memory_space<hbm>>
      tpu.wait_dma2 semaphore(%run_scoped3A_5 : memref<!tpu.dma_semaphore, #tpu.memory_space<semaphore_mem>>) src(%dma_wait3A_781 : memref<32768xf32, #tpu.memory_space<hbm>>) dst(%run_scoped3A_2 : memref<32768xf32, #tpu.memory_space<vmem>>)
      %dma_start3A_782 = arith.constant 32768 : i32
      %dma_start3A_783 = tpu.memref_slice %arg4[%select_n3A_350, %select_n3A_366, %sub3A_650, %dma_start3A_782] : memref<16x4x2x131072xf32, #tpu.memory_space<hbm>> -> memref<1x1x1x32768xf32, #tpu.memory_space<hbm>>
      %dma_start3A_784 = tpu.memref_squeeze %dma_start3A_783 : memref<1x1x1x32768xf32, #tpu.memory_space<hbm>> -> memref<32768xf32, #tpu.memory_space<hbm>>
      %dma_start3A_785 = arith.constant 32768 : i32
      %dma_start3A_786 = tpu.memref_slice %arg4[%select_n3A_350, %select_n3A_366, %sub3A_650, %dma_start3A_785] : memref<16x4x2x131072xf32, #tpu.memory_space<hbm>> -> memref<1x1x1x32768xf32, #tpu.memory_space<hbm>>
      %dma_start3A_787 = tpu.memref_squeeze %dma_start3A_786 : memref<1x1x1x32768xf32, #tpu.memory_space<hbm>> -> memref<32768xf32, #tpu.memory_space<hbm>>
      tpu.enqueue_dma source(%run_scoped3A_2 : memref<32768xf32, #tpu.memory_space<vmem>>) target(%dma_start3A_787 : memref<32768xf32, #tpu.memory_space<hbm>>) target_semaphore(%run_scoped3A_8 : memref<!tpu.dma_semaphore, #tpu.memory_space<semaphore_mem>>)
      %dma_wait3A_788 = arith.constant 0 : i32
      %dma_wait3A_789 = tpu.memref_slice %arg4[%select_n3A_310, %select_n3A_326, %sub3A_650, %dma_wait3A_788] : memref<16x4x2x131072xf32, #tpu.memory_space<hbm>> -> memref<1x1x1x32768xf32, #tpu.memory_space<hbm>>
      %dma_wait3A_790 = tpu.memref_squeeze %dma_wait3A_789 : memref<1x1x1x32768xf32, #tpu.memory_space<hbm>> -> memref<32768xf32, #tpu.memory_space<hbm>>
      %dma_wait3A_791 = arith.constant 0 : i32
      %dma_wait3A_792 = tpu.memref_slice %arg4[%select_n3A_310, %select_n3A_326, %sub3A_650, %dma_wait3A_791] : memref<16x4x2x131072xf32, #tpu.memory_space<hbm>> -> memref<1x1x1x32768xf32, #tpu.memory_space<hbm>>
      %dma_wait3A_793 = tpu.memref_squeeze %dma_wait3A_792 : memref<1x1x1x32768xf32, #tpu.memory_space<hbm>> -> memref<32768xf32, #tpu.memory_space<hbm>>
      tpu.wait_dma2 semaphore(%run_scoped3A_7 : memref<!tpu.dma_semaphore, #tpu.memory_space<semaphore_mem>>) src(%run_scoped3A_1 : memref<32768xf32, #tpu.memory_space<vmem>>) dst(%dma_wait3A_793 : memref<32768xf32, #tpu.memory_space<hbm>>)
      %dma_start3A_794 = arith.constant 98304 : i32
      %dma_start3A_795 = tpu.memref_slice %arg2[%select_n3A_430, %select_n3A_446, %select_n3A_110, %dma_start3A_794] : memref<16x4x2x131072xf32, #tpu.memory_space<hbm>> -> memref<1x1x1x32768xf32, #tpu.memory_space<hbm>>
      %dma_start3A_796 = tpu.memref_squeeze %dma_start3A_795 : memref<1x1x1x32768xf32, #tpu.memory_space<hbm>> -> memref<32768xf32, #tpu.memory_space<hbm>>
      %dma_start3A_797 = arith.constant 98304 : i32
      %dma_start3A_798 = tpu.memref_slice %arg2[%select_n3A_430, %select_n3A_446, %select_n3A_110, %dma_start3A_797] : memref<16x4x2x131072xf32, #tpu.memory_space<hbm>> -> memref<1x1x1x32768xf32, #tpu.memory_space<hbm>>
      %dma_start3A_799 = tpu.memref_squeeze %dma_start3A_798 : memref<1x1x1x32768xf32, #tpu.memory_space<hbm>> -> memref<32768xf32, #tpu.memory_space<hbm>>
      tpu.enqueue_dma source(%dma_start3A_799 : memref<32768xf32, #tpu.memory_space<hbm>>) target(%run_scoped3A_1 : memref<32768xf32, #tpu.memory_space<vmem>>) target_semaphore(%run_scoped3A_4 : memref<!tpu.dma_semaphore, #tpu.memory_space<semaphore_mem>>)
      %dma_wait3A_800 = arith.constant 65536 : i32
      %dma_wait3A_801 = tpu.memref_slice %arg2[%select_n3A_390, %select_n3A_406, %select_n3A_110, %dma_wait3A_800] : memref<16x4x2x131072xf32, #tpu.memory_space<hbm>> -> memref<1x1x1x32768xf32, #tpu.memory_space<hbm>>
      %dma_wait3A_802 = tpu.memref_squeeze %dma_wait3A_801 : memref<1x1x1x32768xf32, #tpu.memory_space<hbm>> -> memref<32768xf32, #tpu.memory_space<hbm>>
      %dma_wait3A_803 = arith.constant 65536 : i32
      %dma_wait3A_804 = tpu.memref_slice %arg2[%select_n3A_390, %select_n3A_406, %select_n3A_110, %dma_wait3A_803] : memref<16x4x2x131072xf32, #tpu.memory_space<hbm>> -> memref<1x1x1x32768xf32, #tpu.memory_space<hbm>>
      %dma_wait3A_805 = tpu.memref_squeeze %dma_wait3A_804 : memref<1x1x1x32768xf32, #tpu.memory_space<hbm>> -> memref<32768xf32, #tpu.memory_space<hbm>>
      tpu.wait_dma2 semaphore(%run_scoped3A_3 : memref<!tpu.dma_semaphore, #tpu.memory_space<semaphore_mem>>) src(%dma_wait3A_805 : memref<32768xf32, #tpu.memory_space<hbm>>) dst(%run_scoped3A_0 : memref<32768xf32, #tpu.memory_space<vmem>>)
      %dma_start3A_806 = arith.constant 65536 : i32
      %dma_start3A_807 = tpu.memref_slice %arg4[%select_n3A_390, %select_n3A_406, %sub3A_650, %dma_start3A_806] : memref<16x4x2x131072xf32, #tpu.memory_space<hbm>> -> memref<1x1x1x32768xf32, #tpu.memory_space<hbm>>
      %dma_start3A_808 = tpu.memref_squeeze %dma_start3A_807 : memref<1x1x1x32768xf32, #tpu.memory_space<hbm>> -> memref<32768xf32, #tpu.memory_space<hbm>>
      %dma_start3A_809 = arith.constant 65536 : i32
      %dma_start3A_810 = tpu.memref_slice %arg4[%select_n3A_390, %select_n3A_406, %sub3A_650, %dma_start3A_809] : memref<16x4x2x131072xf32, #tpu.memory_space<hbm>> -> memref<1x1x1x32768xf32, #tpu.memory_space<hbm>>
      %dma_start3A_811 = tpu.memref_squeeze %dma_start3A_810 : memref<1x1x1x32768xf32, #tpu.memory_space<hbm>> -> memref<32768xf32, #tpu.memory_space<hbm>>
      tpu.enqueue_dma source(%run_scoped3A_0 : memref<32768xf32, #tpu.memory_space<vmem>>) target(%dma_start3A_811 : memref<32768xf32, #tpu.memory_space<hbm>>) target_semaphore(%run_scoped3A_6 : memref<!tpu.dma_semaphore, #tpu.memory_space<semaphore_mem>>)
      %dma_wait3A_812 = arith.constant 32768 : i32
      %dma_wait3A_813 = tpu.memref_slice %arg4[%select_n3A_350, %select_n3A_366, %sub3A_650, %dma_wait3A_812] : memref<16x4x2x131072xf32, #tpu.memory_space<hbm>> -> memref<1x1x1x32768xf32, #tpu.memory_space<hbm>>
      %dma_wait3A_814 = tpu.memref_squeeze %dma_wait3A_813 : memref<1x1x1x32768xf32, #tpu.memory_space<hbm>> -> memref<32768xf32, #tpu.memory_space<hbm>>
      %dma_wait3A_815 = arith.constant 32768 : i32
      %dma_wait3A_816 = tpu.memref_slice %arg4[%select_n3A_350, %select_n3A_366, %sub3A_650, %dma_wait3A_815] : memref<16x4x2x131072xf32, #tpu.memory_space<hbm>> -> memref<1x1x1x32768xf32, #tpu.memory_space<hbm>>
      %dma_wait3A_817 = tpu.memref_squeeze %dma_wait3A_816 : memref<1x1x1x32768xf32, #tpu.memory_space<hbm>> -> memref<32768xf32, #tpu.memory_space<hbm>>
      tpu.wait_dma2 semaphore(%run_scoped3A_8 : memref<!tpu.dma_semaphore, #tpu.memory_space<semaphore_mem>>) src(%run_scoped3A_2 : memref<32768xf32, #tpu.memory_space<vmem>>) dst(%dma_wait3A_817 : memref<32768xf32, #tpu.memory_space<hbm>>)
      %dma_start3A_818 = arith.constant 0 : i32
      %dma_start3A_819 = tpu.memref_slice %arg2[%select_n3A_470, %select_n3A_486, %select_n3A_126, %dma_start3A_818] : memref<16x4x2x131072xf32, #tpu.memory_space<hbm>> -> memref<1x1x1x32768xf32, #tpu.memory_space<hbm>>
      %dma_start3A_820 = tpu.memref_squeeze %dma_start3A_819 : memref<1x1x1x32768xf32, #tpu.memory_space<hbm>> -> memref<32768xf32, #tpu.memory_space<hbm>>
      %dma_start3A_821 = arith.constant 0 : i32
      %dma_start3A_822 = tpu.memref_slice %arg2[%select_n3A_470, %select_n3A_486, %select_n3A_126, %dma_start3A_821] : memref<16x4x2x131072xf32, #tpu.memory_space<hbm>> -> memref<1x1x1x32768xf32, #tpu.memory_space<hbm>>
      %dma_start3A_823 = tpu.memref_squeeze %dma_start3A_822 : memref<1x1x1x32768xf32, #tpu.memory_space<hbm>> -> memref<32768xf32, #tpu.memory_space<hbm>>
      tpu.enqueue_dma source(%dma_start3A_823 : memref<32768xf32, #tpu.memory_space<hbm>>) target(%run_scoped3A_2 : memref<32768xf32, #tpu.memory_space<vmem>>) target_semaphore(%run_scoped3A_5 : memref<!tpu.dma_semaphore, #tpu.memory_space<semaphore_mem>>)
      %dma_wait3A_824 = arith.constant 98304 : i32
      %dma_wait3A_825 = tpu.memref_slice %arg2[%select_n3A_430, %select_n3A_446, %select_n3A_110, %dma_wait3A_824] : memref<16x4x2x131072xf32, #tpu.memory_space<hbm>> -> memref<1x1x1x32768xf32, #tpu.memory_space<hbm>>
      %dma_wait3A_826 = tpu.memref_squeeze %dma_wait3A_825 : memref<1x1x1x32768xf32, #tpu.memory_space<hbm>> -> memref<32768xf32, #tpu.memory_space<hbm>>
      %dma_wait3A_827 = arith.constant 98304 : i32
      %dma_wait3A_828 = tpu.memref_slice %arg2[%select_n3A_430, %select_n3A_446, %select_n3A_110, %dma_wait3A_827] : memref<16x4x2x131072xf32, #tpu.memory_space<hbm>> -> memref<1x1x1x32768xf32, #tpu.memory_space<hbm>>
      %dma_wait3A_829 = tpu.memref_squeeze %dma_wait3A_828 : memref<1x1x1x32768xf32, #tpu.memory_space<hbm>> -> memref<32768xf32, #tpu.memory_space<hbm>>
      tpu.wait_dma2 semaphore(%run_scoped3A_4 : memref<!tpu.dma_semaphore, #tpu.memory_space<semaphore_mem>>) src(%dma_wait3A_829 : memref<32768xf32, #tpu.memory_space<hbm>>) dst(%run_scoped3A_1 : memref<32768xf32, #tpu.memory_space<vmem>>)
      %dma_start3A_830 = arith.constant 98304 : i32
      %dma_start3A_831 = tpu.memref_slice %arg4[%select_n3A_430, %select_n3A_446, %sub3A_650, %dma_start3A_830] : memref<16x4x2x131072xf32, #tpu.memory_space<hbm>> -> memref<1x1x1x32768xf32, #tpu.memory_space<hbm>>
      %dma_start3A_832 = tpu.memref_squeeze %dma_start3A_831 : memref<1x1x1x32768xf32, #tpu.memory_space<hbm>> -> memref<32768xf32, #tpu.memory_space<hbm>>
      %dma_start3A_833 = arith.constant 98304 : i32
      %dma_start3A_834 = tpu.memref_slice %arg4[%select_n3A_430, %select_n3A_446, %sub3A_650, %dma_start3A_833] : memref<16x4x2x131072xf32, #tpu.memory_space<hbm>> -> memref<1x1x1x32768xf32, #tpu.memory_space<hbm>>
      %dma_start3A_835 = tpu.memref_squeeze %dma_start3A_834 : memref<1x1x1x32768xf32, #tpu.memory_space<hbm>> -> memref<32768xf32, #tpu.memory_space<hbm>>
      tpu.enqueue_dma source(%run_scoped3A_1 : memref<32768xf32, #tpu.memory_space<vmem>>) target(%dma_start3A_835 : memref<32768xf32, #tpu.memory_space<hbm>>) target_semaphore(%run_scoped3A_7 : memref<!tpu.dma_semaphore, #tpu.memory_space<semaphore_mem>>)
      %dma_wait3A_836 = arith.constant 65536 : i32
      %dma_wait3A_837 = tpu.memref_slice %arg4[%select_n3A_390, %select_n3A_406, %sub3A_650, %dma_wait3A_836] : memref<16x4x2x131072xf32, #tpu.memory_space<hbm>> -> memref<1x1x1x32768xf32, #tpu.memory_space<hbm>>
      %dma_wait3A_838 = tpu.memref_squeeze %dma_wait3A_837 : memref<1x1x1x32768xf32, #tpu.memory_space<hbm>> -> memref<32768xf32, #tpu.memory_space<hbm>>
      %dma_wait3A_839 = arith.constant 65536 : i32
      %dma_wait3A_840 = tpu.memref_slice %arg4[%select_n3A_390, %select_n3A_406, %sub3A_650, %dma_wait3A_839] : memref<16x4x2x131072xf32, #tpu.memory_space<hbm>> -> memref<1x1x1x32768xf32, #tpu.memory_space<hbm>>
      %dma_wait3A_841 = tpu.memref_squeeze %dma_wait3A_840 : memref<1x1x1x32768xf32, #tpu.memory_space<hbm>> -> memref<32768xf32, #tpu.memory_space<hbm>>
      tpu.wait_dma2 semaphore(%run_scoped3A_6 : memref<!tpu.dma_semaphore, #tpu.memory_space<semaphore_mem>>) src(%run_scoped3A_0 : memref<32768xf32, #tpu.memory_space<vmem>>) dst(%dma_wait3A_841 : memref<32768xf32, #tpu.memory_space<hbm>>)
      %dma_start3A_842 = arith.constant 32768 : i32
      %dma_start3A_843 = tpu.memref_slice %arg2[%select_n3A_510, %select_n3A_526, %select_n3A_126, %dma_start3A_842] : memref<16x4x2x131072xf32, #tpu.memory_space<hbm>> -> memref<1x1x1x32768xf32, #tpu.memory_space<hbm>>
      %dma_start3A_844 = tpu.memref_squeeze %dma_start3A_843 : memref<1x1x1x32768xf32, #tpu.memory_space<hbm>> -> memref<32768xf32, #tpu.memory_space<hbm>>
      %dma_start3A_845 = arith.constant 32768 : i32
      %dma_start3A_846 = tpu.memref_slice %arg2[%select_n3A_510, %select_n3A_526, %select_n3A_126, %dma_start3A_845] : memref<16x4x2x131072xf32, #tpu.memory_space<hbm>> -> memref<1x1x1x32768xf32, #tpu.memory_space<hbm>>
      %dma_start3A_847 = tpu.memref_squeeze %dma_start3A_846 : memref<1x1x1x32768xf32, #tpu.memory_space<hbm>> -> memref<32768xf32, #tpu.memory_space<hbm>>
      tpu.enqueue_dma source(%dma_start3A_847 : memref<32768xf32, #tpu.memory_space<hbm>>) target(%run_scoped3A_0 : memref<32768xf32, #tpu.memory_space<vmem>>) target_semaphore(%run_scoped3A_3 : memref<!tpu.dma_semaphore, #tpu.memory_space<semaphore_mem>>)
      %dma_wait3A_848 = arith.constant 0 : i32
      %dma_wait3A_849 = tpu.memref_slice %arg2[%select_n3A_470, %select_n3A_486, %select_n3A_126, %dma_wait3A_848] : memref<16x4x2x131072xf32, #tpu.memory_space<hbm>> -> memref<1x1x1x32768xf32, #tpu.memory_space<hbm>>
      %dma_wait3A_850 = tpu.memref_squeeze %dma_wait3A_849 : memref<1x1x1x32768xf32, #tpu.memory_space<hbm>> -> memref<32768xf32, #tpu.memory_space<hbm>>
      %dma_wait3A_851 = arith.constant 0 : i32
      %dma_wait3A_852 = tpu.memref_slice %arg2[%select_n3A_470, %select_n3A_486, %select_n3A_126, %dma_wait3A_851] : memref<16x4x2x131072xf32, #tpu.memory_space<hbm>> -> memref<1x1x1x32768xf32, #tpu.memory_space<hbm>>
      %dma_wait3A_853 = tpu.memref_squeeze %dma_wait3A_852 : memref<1x1x1x32768xf32, #tpu.memory_space<hbm>> -> memref<32768xf32, #tpu.memory_space<hbm>>
      tpu.wait_dma2 semaphore(%run_scoped3A_5 : memref<!tpu.dma_semaphore, #tpu.memory_space<semaphore_mem>>) src(%dma_wait3A_853 : memref<32768xf32, #tpu.memory_space<hbm>>) dst(%run_scoped3A_2 : memref<32768xf32, #tpu.memory_space<vmem>>)
      %dma_start3A_854 = arith.constant 0 : i32
      %dma_start3A_855 = tpu.memref_slice %arg4[%select_n3A_470, %select_n3A_486, %sub3A_661, %dma_start3A_854] : memref<16x4x2x131072xf32, #tpu.memory_space<hbm>> -> memref<1x1x1x32768xf32, #tpu.memory_space<hbm>>
      %dma_start3A_856 = tpu.memref_squeeze %dma_start3A_855 : memref<1x1x1x32768xf32, #tpu.memory_space<hbm>> -> memref<32768xf32, #tpu.memory_space<hbm>>
      %dma_start3A_857 = arith.constant 0 : i32
      %dma_start3A_858 = tpu.memref_slice %arg4[%select_n3A_470, %select_n3A_486, %sub3A_661, %dma_start3A_857] : memref<16x4x2x131072xf32, #tpu.memory_space<hbm>> -> memref<1x1x1x32768xf32, #tpu.memory_space<hbm>>
      %dma_start3A_859 = tpu.memref_squeeze %dma_start3A_858 : memref<1x1x1x32768xf32, #tpu.memory_space<hbm>> -> memref<32768xf32, #tpu.memory_space<hbm>>
      tpu.enqueue_dma source(%run_scoped3A_2 : memref<32768xf32, #tpu.memory_space<vmem>>) target(%dma_start3A_859 : memref<32768xf32, #tpu.memory_space<hbm>>) target_semaphore(%run_scoped3A_8 : memref<!tpu.dma_semaphore, #tpu.memory_space<semaphore_mem>>)
      %dma_wait3A_860 = arith.constant 98304 : i32
      %dma_wait3A_861 = tpu.memref_slice %arg4[%select_n3A_430, %select_n3A_446, %sub3A_650, %dma_wait3A_860] : memref<16x4x2x131072xf32, #tpu.memory_space<hbm>> -> memref<1x1x1x32768xf32, #tpu.memory_space<hbm>>
      %dma_wait3A_862 = tpu.memref_squeeze %dma_wait3A_861 : memref<1x1x1x32768xf32, #tpu.memory_space<hbm>> -> memref<32768xf32, #tpu.memory_space<hbm>>
      %dma_wait3A_863 = arith.constant 98304 : i32
      %dma_wait3A_864 = tpu.memref_slice %arg4[%select_n3A_430, %select_n3A_446, %sub3A_650, %dma_wait3A_863] : memref<16x4x2x131072xf32, #tpu.memory_space<hbm>> -> memref<1x1x1x32768xf32, #tpu.memory_space<hbm>>
      %dma_wait3A_865 = tpu.memref_squeeze %dma_wait3A_864 : memref<1x1x1x32768xf32, #tpu.memory_space<hbm>> -> memref<32768xf32, #tpu.memory_space<hbm>>
      tpu.wait_dma2 semaphore(%run_scoped3A_7 : memref<!tpu.dma_semaphore, #tpu.memory_space<semaphore_mem>>) src(%run_scoped3A_1 : memref<32768xf32, #tpu.memory_space<vmem>>) dst(%dma_wait3A_865 : memref<32768xf32, #tpu.memory_space<hbm>>)
      %dma_start3A_866 = arith.constant 65536 : i32
      %dma_start3A_867 = tpu.memref_slice %arg2[%select_n3A_550, %select_n3A_566, %select_n3A_126, %dma_start3A_866] : memref<16x4x2x131072xf32, #tpu.memory_space<hbm>> -> memref<1x1x1x32768xf32, #tpu.memory_space<hbm>>
      %dma_start3A_868 = tpu.memref_squeeze %dma_start3A_867 : memref<1x1x1x32768xf32, #tpu.memory_space<hbm>> -> memref<32768xf32, #tpu.memory_space<hbm>>
      %dma_start3A_869 = arith.constant 65536 : i32
      %dma_start3A_870 = tpu.memref_slice %arg2[%select_n3A_550, %select_n3A_566, %select_n3A_126, %dma_start3A_869] : memref<16x4x2x131072xf32, #tpu.memory_space<hbm>> -> memref<1x1x1x32768xf32, #tpu.memory_space<hbm>>
      %dma_start3A_871 = tpu.memref_squeeze %dma_start3A_870 : memref<1x1x1x32768xf32, #tpu.memory_space<hbm>> -> memref<32768xf32, #tpu.memory_space<hbm>>
      tpu.enqueue_dma source(%dma_start3A_871 : memref<32768xf32, #tpu.memory_space<hbm>>) target(%run_scoped3A_1 : memref<32768xf32, #tpu.memory_space<vmem>>) target_semaphore(%run_scoped3A_4 : memref<!tpu.dma_semaphore, #tpu.memory_space<semaphore_mem>>)
      %dma_wait3A_872 = arith.constant 32768 : i32
      %dma_wait3A_873 = tpu.memref_slice %arg2[%select_n3A_510, %select_n3A_526, %select_n3A_126, %dma_wait3A_872] : memref<16x4x2x131072xf32, #tpu.memory_space<hbm>> -> memref<1x1x1x32768xf32, #tpu.memory_space<hbm>>
      %dma_wait3A_874 = tpu.memref_squeeze %dma_wait3A_873 : memref<1x1x1x32768xf32, #tpu.memory_space<hbm>> -> memref<32768xf32, #tpu.memory_space<hbm>>
      %dma_wait3A_875 = arith.constant 32768 : i32
      %dma_wait3A_876 = tpu.memref_slice %arg2[%select_n3A_510, %select_n3A_526, %select_n3A_126, %dma_wait3A_875] : memref<16x4x2x131072xf32, #tpu.memory_space<hbm>> -> memref<1x1x1x32768xf32, #tpu.memory_space<hbm>>
      %dma_wait3A_877 = tpu.memref_squeeze %dma_wait3A_876 : memref<1x1x1x32768xf32, #tpu.memory_space<hbm>> -> memref<32768xf32, #tpu.memory_space<hbm>>
      tpu.wait_dma2 semaphore(%run_scoped3A_3 : memref<!tpu.dma_semaphore, #tpu.memory_space<semaphore_mem>>) src(%dma_wait3A_877 : memref<32768xf32, #tpu.memory_space<hbm>>) dst(%run_scoped3A_0 : memref<32768xf32, #tpu.memory_space<vmem>>)
      %dma_start3A_878 = arith.constant 32768 : i32
      %dma_start3A_879 = tpu.memref_slice %arg4[%select_n3A_510, %select_n3A_526, %sub3A_661, %dma_start3A_878] : memref<16x4x2x131072xf32, #tpu.memory_space<hbm>> -> memref<1x1x1x32768xf32, #tpu.memory_space<hbm>>
      %dma_start3A_880 = tpu.memref_squeeze %dma_start3A_879 : memref<1x1x1x32768xf32, #tpu.memory_space<hbm>> -> memref<32768xf32, #tpu.memory_space<hbm>>
      %dma_start3A_881 = arith.constant 32768 : i32
      %dma_start3A_882 = tpu.memref_slice %arg4[%select_n3A_510, %select_n3A_526, %sub3A_661, %dma_start3A_881] : memref<16x4x2x131072xf32, #tpu.memory_space<hbm>> -> memref<1x1x1x32768xf32, #tpu.memory_space<hbm>>
      %dma_start3A_883 = tpu.memref_squeeze %dma_start3A_882 : memref<1x1x1x32768xf32, #tpu.memory_space<hbm>> -> memref<32768xf32, #tpu.memory_space<hbm>>
      tpu.enqueue_dma source(%run_scoped3A_0 : memref<32768xf32, #tpu.memory_space<vmem>>) target(%dma_start3A_883 : memref<32768xf32, #tpu.memory_space<hbm>>) target_semaphore(%run_scoped3A_6 : memref<!tpu.dma_semaphore, #tpu.memory_space<semaphore_mem>>)
      %dma_wait3A_884 = arith.constant 0 : i32
      %dma_wait3A_885 = tpu.memref_slice %arg4[%select_n3A_470, %select_n3A_486, %sub3A_661, %dma_wait3A_884] : memref<16x4x2x131072xf32, #tpu.memory_space<hbm>> -> memref<1x1x1x32768xf32, #tpu.memory_space<hbm>>
      %dma_wait3A_886 = tpu.memref_squeeze %dma_wait3A_885 : memref<1x1x1x32768xf32, #tpu.memory_space<hbm>> -> memref<32768xf32, #tpu.memory_space<hbm>>
      %dma_wait3A_887 = arith.constant 0 : i32
      %dma_wait3A_888 = tpu.memref_slice %arg4[%select_n3A_470, %select_n3A_486, %sub3A_661, %dma_wait3A_887] : memref<16x4x2x131072xf32, #tpu.memory_space<hbm>> -> memref<1x1x1x32768xf32, #tpu.memory_space<hbm>>
      %dma_wait3A_889 = tpu.memref_squeeze %dma_wait3A_888 : memref<1x1x1x32768xf32, #tpu.memory_space<hbm>> -> memref<32768xf32, #tpu.memory_space<hbm>>
      tpu.wait_dma2 semaphore(%run_scoped3A_8 : memref<!tpu.dma_semaphore, #tpu.memory_space<semaphore_mem>>) src(%run_scoped3A_2 : memref<32768xf32, #tpu.memory_space<vmem>>) dst(%dma_wait3A_889 : memref<32768xf32, #tpu.memory_space<hbm>>)
      %dma_start3A_890 = arith.constant 98304 : i32
      %dma_start3A_891 = tpu.memref_slice %arg2[%select_n3A_590, %select_n3A_606, %select_n3A_126, %dma_start3A_890] : memref<16x4x2x131072xf32, #tpu.memory_space<hbm>> -> memref<1x1x1x32768xf32, #tpu.memory_space<hbm>>
      %dma_start3A_892 = tpu.memref_squeeze %dma_start3A_891 : memref<1x1x1x32768xf32, #tpu.memory_space<hbm>> -> memref<32768xf32, #tpu.memory_space<hbm>>
      %dma_start3A_893 = arith.constant 98304 : i32
      %dma_start3A_894 = tpu.memref_slice %arg2[%select_n3A_590, %select_n3A_606, %select_n3A_126, %dma_start3A_893] : memref<16x4x2x131072xf32, #tpu.memory_space<hbm>> -> memref<1x1x1x32768xf32, #tpu.memory_space<hbm>>
      %dma_start3A_895 = tpu.memref_squeeze %dma_start3A_894 : memref<1x1x1x32768xf32, #tpu.memory_space<hbm>> -> memref<32768xf32, #tpu.memory_space<hbm>>
      tpu.enqueue_dma source(%dma_start3A_895 : memref<32768xf32, #tpu.memory_space<hbm>>) target(%run_scoped3A_2 : memref<32768xf32, #tpu.memory_space<vmem>>) target_semaphore(%run_scoped3A_5 : memref<!tpu.dma_semaphore, #tpu.memory_space<semaphore_mem>>)
      %dma_wait3A_896 = arith.constant 65536 : i32
      %dma_wait3A_897 = tpu.memref_slice %arg2[%select_n3A_550, %select_n3A_566, %select_n3A_126, %dma_wait3A_896] : memref<16x4x2x131072xf32, #tpu.memory_space<hbm>> -> memref<1x1x1x32768xf32, #tpu.memory_space<hbm>>
      %dma_wait3A_898 = tpu.memref_squeeze %dma_wait3A_897 : memref<1x1x1x32768xf32, #tpu.memory_space<hbm>> -> memref<32768xf32, #tpu.memory_space<hbm>>
      %dma_wait3A_899 = arith.constant 65536 : i32
      %dma_wait3A_900 = tpu.memref_slice %arg2[%select_n3A_550, %select_n3A_566, %select_n3A_126, %dma_wait3A_899] : memref<16x4x2x131072xf32, #tpu.memory_space<hbm>> -> memref<1x1x1x32768xf32, #tpu.memory_space<hbm>>
      %dma_wait3A_901 = tpu.memref_squeeze %dma_wait3A_900 : memref<1x1x1x32768xf32, #tpu.memory_space<hbm>> -> memref<32768xf32, #tpu.memory_space<hbm>>
      tpu.wait_dma2 semaphore(%run_scoped3A_4 : memref<!tpu.dma_semaphore, #tpu.memory_space<semaphore_mem>>) src(%dma_wait3A_901 : memref<32768xf32, #tpu.memory_space<hbm>>) dst(%run_scoped3A_1 : memref<32768xf32, #tpu.memory_space<vmem>>)
      %dma_start3A_902 = arith.constant 65536 : i32
      %dma_start3A_903 = tpu.memref_slice %arg4[%select_n3A_550, %select_n3A_566, %sub3A_661, %dma_start3A_902] : memref<16x4x2x131072xf32, #tpu.memory_space<hbm>> -> memref<1x1x1x32768xf32, #tpu.memory_space<hbm>>
      %dma_start3A_904 = tpu.memref_squeeze %dma_start3A_903 : memref<1x1x1x32768xf32, #tpu.memory_space<hbm>> -> memref<32768xf32, #tpu.memory_space<hbm>>
      %dma_start3A_905 = arith.constant 65536 : i32
      %dma_start3A_906 = tpu.memref_slice %arg4[%select_n3A_550, %select_n3A_566, %sub3A_661, %dma_start3A_905] : memref<16x4x2x131072xf32, #tpu.memory_space<hbm>> -> memref<1x1x1x32768xf32, #tpu.memory_space<hbm>>
      %dma_start3A_907 = tpu.memref_squeeze %dma_start3A_906 : memref<1x1x1x32768xf32, #tpu.memory_space<hbm>> -> memref<32768xf32, #tpu.memory_space<hbm>>
      tpu.enqueue_dma source(%run_scoped3A_1 : memref<32768xf32, #tpu.memory_space<vmem>>) target(%dma_start3A_907 : memref<32768xf32, #tpu.memory_space<hbm>>) target_semaphore(%run_scoped3A_7 : memref<!tpu.dma_semaphore, #tpu.memory_space<semaphore_mem>>)
      %dma_wait3A_908 = arith.constant 98304 : i32
      %dma_wait3A_909 = tpu.memref_slice %arg2[%select_n3A_590, %select_n3A_606, %select_n3A_126, %dma_wait3A_908] : memref<16x4x2x131072xf32, #tpu.memory_space<hbm>> -> memref<1x1x1x32768xf32, #tpu.memory_space<hbm>>
      %dma_wait3A_910 = tpu.memref_squeeze %dma_wait3A_909 : memref<1x1x1x32768xf32, #tpu.memory_space<hbm>> -> memref<32768xf32, #tpu.memory_space<hbm>>
      %dma_wait3A_911 = arith.constant 98304 : i32
      %dma_wait3A_912 = tpu.memref_slice %arg2[%select_n3A_590, %select_n3A_606, %select_n3A_126, %dma_wait3A_911] : memref<16x4x2x131072xf32, #tpu.memory_space<hbm>> -> memref<1x1x1x32768xf32, #tpu.memory_space<hbm>>
      %dma_wait3A_913 = tpu.memref_squeeze %dma_wait3A_912 : memref<1x1x1x32768xf32, #tpu.memory_space<hbm>> -> memref<32768xf32, #tpu.memory_space<hbm>>
      tpu.wait_dma2 semaphore(%run_scoped3A_5 : memref<!tpu.dma_semaphore, #tpu.memory_space<semaphore_mem>>) src(%dma_wait3A_913 : memref<32768xf32, #tpu.memory_space<hbm>>) dst(%run_scoped3A_2 : memref<32768xf32, #tpu.memory_space<vmem>>)
      %dma_start3A_914 = arith.constant 98304 : i32
      %dma_start3A_915 = tpu.memref_slice %arg4[%select_n3A_590, %select_n3A_606, %sub3A_661, %dma_start3A_914] : memref<16x4x2x131072xf32, #tpu.memory_space<hbm>> -> memref<1x1x1x32768xf32, #tpu.memory_space<hbm>>
      %dma_start3A_916 = tpu.memref_squeeze %dma_start3A_915 : memref<1x1x1x32768xf32, #tpu.memory_space<hbm>> -> memref<32768xf32, #tpu.memory_space<hbm>>
      %dma_start3A_917 = arith.constant 98304 : i32
      %dma_start3A_918 = tpu.memref_slice %arg4[%select_n3A_590, %select_n3A_606, %sub3A_661, %dma_start3A_917] : memref<16x4x2x131072xf32, #tpu.memory_space<hbm>> -> memref<1x1x1x32768xf32, #tpu.memory_space<hbm>>
      %dma_start3A_919 = tpu.memref_squeeze %dma_start3A_918 : memref<1x1x1x32768xf32, #tpu.memory_space<hbm>> -> memref<32768xf32, #tpu.memory_space<hbm>>
      tpu.enqueue_dma source(%run_scoped3A_2 : memref<32768xf32, #tpu.memory_space<vmem>>) target(%dma_start3A_919 : memref<32768xf32, #tpu.memory_space<hbm>>) target_semaphore(%run_scoped3A_8 : memref<!tpu.dma_semaphore, #tpu.memory_space<semaphore_mem>>)
      %dma_wait3A_920 = arith.constant 32768 : i32
      %dma_wait3A_921 = tpu.memref_slice %arg4[%select_n3A_510, %select_n3A_526, %sub3A_661, %dma_wait3A_920] : memref<16x4x2x131072xf32, #tpu.memory_space<hbm>> -> memref<1x1x1x32768xf32, #tpu.memory_space<hbm>>
      %dma_wait3A_922 = tpu.memref_squeeze %dma_wait3A_921 : memref<1x1x1x32768xf32, #tpu.memory_space<hbm>> -> memref<32768xf32, #tpu.memory_space<hbm>>
      %dma_wait3A_923 = arith.constant 32768 : i32
      %dma_wait3A_924 = tpu.memref_slice %arg4[%select_n3A_510, %select_n3A_526, %sub3A_661, %dma_wait3A_923] : memref<16x4x2x131072xf32, #tpu.memory_space<hbm>> -> memref<1x1x1x32768xf32, #tpu.memory_space<hbm>>
      %dma_wait3A_925 = tpu.memref_squeeze %dma_wait3A_924 : memref<1x1x1x32768xf32, #tpu.memory_space<hbm>> -> memref<32768xf32, #tpu.memory_space<hbm>>
      tpu.wait_dma2 semaphore(%run_scoped3A_6 : memref<!tpu.dma_semaphore, #tpu.memory_space<semaphore_mem>>) src(%run_scoped3A_0 : memref<32768xf32, #tpu.memory_space<vmem>>) dst(%dma_wait3A_925 : memref<32768xf32, #tpu.memory_space<hbm>>)
      %dma_wait3A_926 = arith.constant 65536 : i32
      %dma_wait3A_927 = tpu.memref_slice %arg4[%select_n3A_550, %select_n3A_566, %sub3A_661, %dma_wait3A_926] : memref<16x4x2x131072xf32, #tpu.memory_space<hbm>> -> memref<1x1x1x32768xf32, #tpu.memory_space<hbm>>
      %dma_wait3A_928 = tpu.memref_squeeze %dma_wait3A_927 : memref<1x1x1x32768xf32, #tpu.memory_space<hbm>> -> memref<32768xf32, #tpu.memory_space<hbm>>
      %dma_wait3A_929 = arith.constant 65536 : i32
      %dma_wait3A_930 = tpu.memref_slice %arg4[%select_n3A_550, %select_n3A_566, %sub3A_661, %dma_wait3A_929] : memref<16x4x2x131072xf32, #tpu.memory_space<hbm>> -> memref<1x1x1x32768xf32, #tpu.memory_space<hbm>>
      %dma_wait3A_931 = tpu.memref_squeeze %dma_wait3A_930 : memref<1x1x1x32768xf32, #tpu.memory_space<hbm>> -> memref<32768xf32, #tpu.memory_space<hbm>>
      tpu.wait_dma2 semaphore(%run_scoped3A_7 : memref<!tpu.dma_semaphore, #tpu.memory_space<semaphore_mem>>) src(%run_scoped3A_1 : memref<32768xf32, #tpu.memory_space<vmem>>) dst(%dma_wait3A_931 : memref<32768xf32, #tpu.memory_space<hbm>>)
      %dma_wait3A_932 = arith.constant 98304 : i32
      %dma_wait3A_933 = tpu.memref_slice %arg4[%select_n3A_590, %select_n3A_606, %sub3A_661, %dma_wait3A_932] : memref<16x4x2x131072xf32, #tpu.memory_space<hbm>> -> memref<1x1x1x32768xf32, #tpu.memory_space<hbm>>
      %dma_wait3A_934 = tpu.memref_squeeze %dma_wait3A_933 : memref<1x1x1x32768xf32, #tpu.memory_space<hbm>> -> memref<32768xf32, #tpu.memory_space<hbm>>
      %dma_wait3A_935 = arith.constant 98304 : i32
      %dma_wait3A_936 = tpu.memref_slice %arg4[%select_n3A_590, %select_n3A_606, %sub3A_661, %dma_wait3A_935] : memref<16x4x2x131072xf32, #tpu.memory_space<hbm>> -> memref<1x1x1x32768xf32, #tpu.memory_space<hbm>>
      %dma_wait3A_937 = tpu.memref_squeeze %dma_wait3A_936 : memref<1x1x1x32768xf32, #tpu.memory_space<hbm>> -> memref<32768xf32, #tpu.memory_space<hbm>>
      tpu.wait_dma2 semaphore(%run_scoped3A_8 : memref<!tpu.dma_semaphore, #tpu.memory_space<semaphore_mem>>) src(%run_scoped3A_2 : memref<32768xf32, #tpu.memory_space<vmem>>) dst(%dma_wait3A_937 : memref<32768xf32, #tpu.memory_space<hbm>>)
      tpu.yield
    }) : () -> ()
    return
  }
  func.func @_scs_body(%arg0: i32, %arg1: memref<16x4x2x131072xf32, #tpu.memory_space<hbm>>, %arg2: memref<64xi32, #tpu.memory_space<hbm>>, %arg3: memref<16x4x2x131072xf32, #tpu.memory_space<hbm>>, %arg4: memref<131072xf32, #tpu.memory_space<vmem_shared>>, %arg5: memref<131072xf32, #tpu.memory_space<vmem_shared>>) attributes {dimension_semantics = [#tpu.dimension_semantics<core_parallel>], iteration_bounds = array<i64: 2>, scalar_prefetch = 0 : i64, scratch_operands = 2 : i64, tpu.core_type = #tpu.core_type<sc_scalar_subcore>, window_params = [{transform_indices = #map2}, {transform_indices = #map3}, {transform_indices = #map2}]} {
    "tpu.region"() ({
      %run_scoped3A = memref.alloca() : memref<64xi32, #tpu.memory_space<smem>>
      %run_scoped3A_0 = tpu.sem_alloc : memref<!tpu.dma_semaphore, #tpu.memory_space<semaphore_mem>>
      %run_scoped3A_1 = tpu.sem_alloc : memref<!tpu.dma_semaphore, #tpu.memory_space<semaphore_mem>>
      %run_scoped3A_2 = tpu.sem_alloc : memref<!tpu.dma_semaphore, #tpu.memory_space<semaphore_mem>>
      %run_scoped3A_3 = tpu.sem_alloc : memref<!tpu.dma_semaphore, #tpu.memory_space<semaphore_mem>>
      %mul3A = arith.constant 8 : i32
      %mul3A_4 = arith.muli %arg0, %mul3A : i32
      %add3A = arith.constant 48 : i32
      %add3A_5 = arith.addi %add3A, %mul3A_4 : i32
      "tpu.region"() ({
        %run_scoped3A_585 = tpu.sem_alloc : memref<!tpu.dma_semaphore, #tpu.memory_space<semaphore_mem>>
        tpu.enqueue_dma source(%arg2 : memref<64xi32, #tpu.memory_space<hbm>>) target(%run_scoped3A : memref<64xi32, #tpu.memory_space<smem>>) target_semaphore(%run_scoped3A_585 : memref<!tpu.dma_semaphore, #tpu.memory_space<semaphore_mem>>)
        tpu.wait_dma2 semaphore(%run_scoped3A_585 : memref<!tpu.dma_semaphore, #tpu.memory_space<semaphore_mem>>) src(%arg2 : memref<64xi32, #tpu.memory_space<hbm>>) dst(%run_scoped3A : memref<64xi32, #tpu.memory_space<smem>>)
        tpu.yield
      }) : () -> ()
      %add3A_6 = arith.constant 0 : i32
      %add3A_7 = arith.addi %add3A_5, %add3A_6 : i32
      %jit3A = arith.constant 4 : i32
      %div3A = arith.divsi %add3A_7, %jit3A : i32
      %sign3A = arith.constant 0 : i32
      %sign3A_8 = arith.cmpi sgt, %add3A_7, %sign3A : i32
      %sign3A_9 = arith.extui %sign3A_8 : i1 to i32
      %sign3A_10 = arith.constant 0 : i32
      %sign3A_11 = arith.cmpi slt, %add3A_7, %sign3A_10 : i32
      %sign3A_12 = arith.extui %sign3A_11 : i1 to i32
      %sign3A_13 = arith.subi %sign3A_9, %sign3A_12 : i32
      %sign3A_14 = arith.constant 0 : i32
      %sign3A_15 = arith.cmpi sgt, %jit3A, %sign3A_14 : i32
      %sign3A_16 = arith.extui %sign3A_15 : i1 to i32
      %sign3A_17 = arith.constant 0 : i32
      %sign3A_18 = arith.cmpi slt, %jit3A, %sign3A_17 : i32
      %sign3A_19 = arith.extui %sign3A_18 : i1 to i32
      %sign3A_20 = arith.subi %sign3A_16, %sign3A_19 : i32
      %ne3A = arith.cmpi ne, %sign3A_13, %sign3A_20 : i32
      %rem3A = arith.remsi %add3A_7, %jit3A : i32
      %ne3A_21 = arith.constant 0 : i32
      %ne3A_22 = arith.cmpi ne, %rem3A, %ne3A_21 : i32
      %and3A = arith.andi %ne3A, %ne3A_22 : i1
      %sub3A = arith.constant 1 : i32
      %sub3A_23 = arith.subi %div3A, %sub3A : i32
      %select_n3A = arith.select %and3A, %sub3A_23, %div3A : i32
      %jit3A_24 = arith.constant 4 : i32
      %eq3A = arith.constant 0 : i32
      %eq3A_25 = arith.cmpi eq, %jit3A_24, %eq3A : i32
      %jit3A_26 = arith.constant 1 : i32
      %select_n3A_27 = arith.select %eq3A_25, %jit3A_26, %jit3A_24 : i32
      %rem3A_28 = arith.remsi %add3A_7, %select_n3A_27 : i32
      %ne3A_29 = arith.constant 0 : i32
      %ne3A_30 = arith.cmpi ne, %rem3A_28, %ne3A_29 : i32
      %lt3A = arith.constant 0 : i32
      %lt3A_31 = arith.cmpi slt, %rem3A_28, %lt3A : i32
      %lt3A_32 = arith.constant 0 : i32
      %lt3A_33 = arith.cmpi slt, %select_n3A_27, %lt3A_32 : i32
      %ne3A_34 = arith.xori %lt3A_31, %lt3A_33 : i1
      %and3A_35 = arith.andi %ne3A_34, %ne3A_30 : i1
      %add3A_36 = arith.addi %rem3A_28, %select_n3A_27 : i32
      %select_n3A_37 = arith.select %and3A_35, %add3A_36, %rem3A_28 : i32
      %get3A = arith.index_cast %add3A_7 : i32 to index
      %get3A_38 = memref.load %run_scoped3A[%get3A] : memref<64xi32, #tpu.memory_space<smem>>
      %dma_start3A = arith.constant 0 : i32
      %dma_start3A_39 = arith.constant 0 : i32
      %dma_start3A_40 = tpu.memref_slice %arg1[%select_n3A, %select_n3A_37, %dma_start3A, %dma_start3A_39] : memref<16x4x2x131072xf32, #tpu.memory_space<hbm>> -> memref<1x1x1x131072xf32, #tpu.memory_space<hbm>>
      %dma_start3A_41 = tpu.memref_squeeze %dma_start3A_40 : memref<1x1x1x131072xf32, #tpu.memory_space<hbm>> -> memref<131072xf32, #tpu.memory_space<hbm>>
      tpu.enqueue_dma source(%dma_start3A_41 : memref<131072xf32, #tpu.memory_space<hbm>>) target(%arg4 : memref<131072xf32, #tpu.memory_space<vmem_shared>>) target_semaphore(%run_scoped3A_0 : memref<!tpu.dma_semaphore, #tpu.memory_space<semaphore_mem>>)
      %dma_start3A_42 = arith.constant 1 : i32
      %dma_start3A_43 = arith.constant 0 : i32
      %dma_start3A_44 = tpu.memref_slice %arg1[%select_n3A, %select_n3A_37, %dma_start3A_42, %dma_start3A_43] : memref<16x4x2x131072xf32, #tpu.memory_space<hbm>> -> memref<1x1x1x131072xf32, #tpu.memory_space<hbm>>
      %dma_start3A_45 = tpu.memref_squeeze %dma_start3A_44 : memref<1x1x1x131072xf32, #tpu.memory_space<hbm>> -> memref<131072xf32, #tpu.memory_space<hbm>>
      tpu.enqueue_dma source(%dma_start3A_45 : memref<131072xf32, #tpu.memory_space<hbm>>) target(%arg5 : memref<131072xf32, #tpu.memory_space<vmem_shared>>) target_semaphore(%run_scoped3A_1 : memref<!tpu.dma_semaphore, #tpu.memory_space<semaphore_mem>>)
      %dma_wait3A = arith.constant 0 : i32
      %dma_wait3A_46 = arith.constant 0 : i32
      %dma_wait3A_47 = tpu.memref_slice %arg1[%select_n3A, %select_n3A_37, %dma_wait3A, %dma_wait3A_46] : memref<16x4x2x131072xf32, #tpu.memory_space<hbm>> -> memref<1x1x1x131072xf32, #tpu.memory_space<hbm>>
      %dma_wait3A_48 = tpu.memref_squeeze %dma_wait3A_47 : memref<1x1x1x131072xf32, #tpu.memory_space<hbm>> -> memref<131072xf32, #tpu.memory_space<hbm>>
      tpu.wait_dma2 semaphore(%run_scoped3A_0 : memref<!tpu.dma_semaphore, #tpu.memory_space<semaphore_mem>>) src(%dma_wait3A_48 : memref<131072xf32, #tpu.memory_space<hbm>>) dst(%arg4 : memref<131072xf32, #tpu.memory_space<vmem_shared>>)
      %dma_start3A_49 = arith.constant 0 : i32
      %dma_start3A_50 = tpu.memref_slice %arg3[%select_n3A, %select_n3A_37, %get3A_38, %dma_start3A_49] : memref<16x4x2x131072xf32, #tpu.memory_space<hbm>> -> memref<1x1x1x131072xf32, #tpu.memory_space<hbm>>
      %dma_start3A_51 = tpu.memref_squeeze %dma_start3A_50 : memref<1x1x1x131072xf32, #tpu.memory_space<hbm>> -> memref<131072xf32, #tpu.memory_space<hbm>>
      tpu.enqueue_dma source(%arg4 : memref<131072xf32, #tpu.memory_space<vmem_shared>>) target(%dma_start3A_51 : memref<131072xf32, #tpu.memory_space<hbm>>) target_semaphore(%run_scoped3A_2 : memref<!tpu.dma_semaphore, #tpu.memory_space<semaphore_mem>>)
      %dma_wait3A_52 = arith.constant 1 : i32
      %dma_wait3A_53 = arith.constant 0 : i32
      %dma_wait3A_54 = tpu.memref_slice %arg1[%select_n3A, %select_n3A_37, %dma_wait3A_52, %dma_wait3A_53] : memref<16x4x2x131072xf32, #tpu.memory_space<hbm>> -> memref<1x1x1x131072xf32, #tpu.memory_space<hbm>>
      %dma_wait3A_55 = tpu.memref_squeeze %dma_wait3A_54 : memref<1x1x1x131072xf32, #tpu.memory_space<hbm>> -> memref<131072xf32, #tpu.memory_space<hbm>>
      tpu.wait_dma2 semaphore(%run_scoped3A_1 : memref<!tpu.dma_semaphore, #tpu.memory_space<semaphore_mem>>) src(%dma_wait3A_55 : memref<131072xf32, #tpu.memory_space<hbm>>) dst(%arg5 : memref<131072xf32, #tpu.memory_space<vmem_shared>>)
      %sub3A_56 = arith.constant 1 : i32
      %sub3A_57 = arith.subi %sub3A_56, %get3A_38 : i32
      %dma_start3A_58 = arith.constant 0 : i32
      %dma_start3A_59 = tpu.memref_slice %arg3[%select_n3A, %select_n3A_37, %sub3A_57, %dma_start3A_58] : memref<16x4x2x131072xf32, #tpu.memory_space<hbm>> -> memref<1x1x1x131072xf32, #tpu.memory_space<hbm>>
      %dma_start3A_60 = tpu.memref_squeeze %dma_start3A_59 : memref<1x1x1x131072xf32, #tpu.memory_space<hbm>> -> memref<131072xf32, #tpu.memory_space<hbm>>
      tpu.enqueue_dma source(%arg5 : memref<131072xf32, #tpu.memory_space<vmem_shared>>) target(%dma_start3A_60 : memref<131072xf32, #tpu.memory_space<hbm>>) target_semaphore(%run_scoped3A_3 : memref<!tpu.dma_semaphore, #tpu.memory_space<semaphore_mem>>)
      %dma_wait3A_61 = arith.constant 0 : i32
      %dma_wait3A_62 = tpu.memref_slice %arg3[%select_n3A, %select_n3A_37, %get3A_38, %dma_wait3A_61] : memref<16x4x2x131072xf32, #tpu.memory_space<hbm>> -> memref<1x1x1x131072xf32, #tpu.memory_space<hbm>>
      %dma_wait3A_63 = tpu.memref_squeeze %dma_wait3A_62 : memref<1x1x1x131072xf32, #tpu.memory_space<hbm>> -> memref<131072xf32, #tpu.memory_space<hbm>>
      tpu.wait_dma2 semaphore(%run_scoped3A_2 : memref<!tpu.dma_semaphore, #tpu.memory_space<semaphore_mem>>) src(%arg4 : memref<131072xf32, #tpu.memory_space<vmem_shared>>) dst(%dma_wait3A_63 : memref<131072xf32, #tpu.memory_space<hbm>>)
      %dma_wait3A_64 = arith.constant 0 : i32
      %dma_wait3A_65 = tpu.memref_slice %arg3[%select_n3A, %select_n3A_37, %sub3A_57, %dma_wait3A_64] : memref<16x4x2x131072xf32, #tpu.memory_space<hbm>> -> memref<1x1x1x131072xf32, #tpu.memory_space<hbm>>
      %dma_wait3A_66 = tpu.memref_squeeze %dma_wait3A_65 : memref<1x1x1x131072xf32, #tpu.memory_space<hbm>> -> memref<131072xf32, #tpu.memory_space<hbm>>
      tpu.wait_dma2 semaphore(%run_scoped3A_3 : memref<!tpu.dma_semaphore, #tpu.memory_space<semaphore_mem>>) src(%arg5 : memref<131072xf32, #tpu.memory_space<vmem_shared>>) dst(%dma_wait3A_66 : memref<131072xf32, #tpu.memory_space<hbm>>)
      %add3A_67 = arith.constant 1 : i32
      %add3A_68 = arith.addi %add3A_5, %add3A_67 : i32
      %jit3A_69 = arith.constant 4 : i32
      %div3A_70 = arith.divsi %add3A_68, %jit3A_69 : i32
      %sign3A_71 = arith.constant 0 : i32
      %sign3A_72 = arith.cmpi sgt, %add3A_68, %sign3A_71 : i32
      %sign3A_73 = arith.extui %sign3A_72 : i1 to i32
      %sign3A_74 = arith.constant 0 : i32
      %sign3A_75 = arith.cmpi slt, %add3A_68, %sign3A_74 : i32
      %sign3A_76 = arith.extui %sign3A_75 : i1 to i32
      %sign3A_77 = arith.subi %sign3A_73, %sign3A_76 : i32
      %sign3A_78 = arith.constant 0 : i32
      %sign3A_79 = arith.cmpi sgt, %jit3A_69, %sign3A_78 : i32
      %sign3A_80 = arith.extui %sign3A_79 : i1 to i32
      %sign3A_81 = arith.constant 0 : i32
      %sign3A_82 = arith.cmpi slt, %jit3A_69, %sign3A_81 : i32
      %sign3A_83 = arith.extui %sign3A_82 : i1 to i32
      %sign3A_84 = arith.subi %sign3A_80, %sign3A_83 : i32
      %ne3A_85 = arith.cmpi ne, %sign3A_77, %sign3A_84 : i32
      %rem3A_86 = arith.remsi %add3A_68, %jit3A_69 : i32
      %ne3A_87 = arith.constant 0 : i32
      %ne3A_88 = arith.cmpi ne, %rem3A_86, %ne3A_87 : i32
      %and3A_89 = arith.andi %ne3A_85, %ne3A_88 : i1
      %sub3A_90 = arith.constant 1 : i32
      %sub3A_91 = arith.subi %div3A_70, %sub3A_90 : i32
      %select_n3A_92 = arith.select %and3A_89, %sub3A_91, %div3A_70 : i32
      %jit3A_93 = arith.constant 4 : i32
      %eq3A_94 = arith.constant 0 : i32
      %eq3A_95 = arith.cmpi eq, %jit3A_93, %eq3A_94 : i32
      %jit3A_96 = arith.constant 1 : i32
      %select_n3A_97 = arith.select %eq3A_95, %jit3A_96, %jit3A_93 : i32
      %rem3A_98 = arith.remsi %add3A_68, %select_n3A_97 : i32
      %ne3A_99 = arith.constant 0 : i32
      %ne3A_100 = arith.cmpi ne, %rem3A_98, %ne3A_99 : i32
      %lt3A_101 = arith.constant 0 : i32
      %lt3A_102 = arith.cmpi slt, %rem3A_98, %lt3A_101 : i32
      %lt3A_103 = arith.constant 0 : i32
      %lt3A_104 = arith.cmpi slt, %select_n3A_97, %lt3A_103 : i32
      %ne3A_105 = arith.xori %lt3A_102, %lt3A_104 : i1
      %and3A_106 = arith.andi %ne3A_105, %ne3A_100 : i1
      %add3A_107 = arith.addi %rem3A_98, %select_n3A_97 : i32
      %select_n3A_108 = arith.select %and3A_106, %add3A_107, %rem3A_98 : i32
      %get3A_109 = arith.index_cast %add3A_68 : i32 to index
      %get3A_110 = memref.load %run_scoped3A[%get3A_109] : memref<64xi32, #tpu.memory_space<smem>>
      %dma_start3A_111 = arith.constant 0 : i32
      %dma_start3A_112 = arith.constant 0 : i32
      %dma_start3A_113 = tpu.memref_slice %arg1[%select_n3A_92, %select_n3A_108, %dma_start3A_111, %dma_start3A_112] : memref<16x4x2x131072xf32, #tpu.memory_space<hbm>> -> memref<1x1x1x131072xf32, #tpu.memory_space<hbm>>
      %dma_start3A_114 = tpu.memref_squeeze %dma_start3A_113 : memref<1x1x1x131072xf32, #tpu.memory_space<hbm>> -> memref<131072xf32, #tpu.memory_space<hbm>>
      tpu.enqueue_dma source(%dma_start3A_114 : memref<131072xf32, #tpu.memory_space<hbm>>) target(%arg4 : memref<131072xf32, #tpu.memory_space<vmem_shared>>) target_semaphore(%run_scoped3A_0 : memref<!tpu.dma_semaphore, #tpu.memory_space<semaphore_mem>>)
      %dma_start3A_115 = arith.constant 1 : i32
      %dma_start3A_116 = arith.constant 0 : i32
      %dma_start3A_117 = tpu.memref_slice %arg1[%select_n3A_92, %select_n3A_108, %dma_start3A_115, %dma_start3A_116] : memref<16x4x2x131072xf32, #tpu.memory_space<hbm>> -> memref<1x1x1x131072xf32, #tpu.memory_space<hbm>>
      %dma_start3A_118 = tpu.memref_squeeze %dma_start3A_117 : memref<1x1x1x131072xf32, #tpu.memory_space<hbm>> -> memref<131072xf32, #tpu.memory_space<hbm>>
      tpu.enqueue_dma source(%dma_start3A_118 : memref<131072xf32, #tpu.memory_space<hbm>>) target(%arg5 : memref<131072xf32, #tpu.memory_space<vmem_shared>>) target_semaphore(%run_scoped3A_1 : memref<!tpu.dma_semaphore, #tpu.memory_space<semaphore_mem>>)
      %dma_wait3A_119 = arith.constant 0 : i32
      %dma_wait3A_120 = arith.constant 0 : i32
      %dma_wait3A_121 = tpu.memref_slice %arg1[%select_n3A_92, %select_n3A_108, %dma_wait3A_119, %dma_wait3A_120] : memref<16x4x2x131072xf32, #tpu.memory_space<hbm>> -> memref<1x1x1x131072xf32, #tpu.memory_space<hbm>>
      %dma_wait3A_122 = tpu.memref_squeeze %dma_wait3A_121 : memref<1x1x1x131072xf32, #tpu.memory_space<hbm>> -> memref<131072xf32, #tpu.memory_space<hbm>>
      tpu.wait_dma2 semaphore(%run_scoped3A_0 : memref<!tpu.dma_semaphore, #tpu.memory_space<semaphore_mem>>) src(%dma_wait3A_122 : memref<131072xf32, #tpu.memory_space<hbm>>) dst(%arg4 : memref<131072xf32, #tpu.memory_space<vmem_shared>>)
      %dma_start3A_123 = arith.constant 0 : i32
      %dma_start3A_124 = tpu.memref_slice %arg3[%select_n3A_92, %select_n3A_108, %get3A_110, %dma_start3A_123] : memref<16x4x2x131072xf32, #tpu.memory_space<hbm>> -> memref<1x1x1x131072xf32, #tpu.memory_space<hbm>>
      %dma_start3A_125 = tpu.memref_squeeze %dma_start3A_124 : memref<1x1x1x131072xf32, #tpu.memory_space<hbm>> -> memref<131072xf32, #tpu.memory_space<hbm>>
      tpu.enqueue_dma source(%arg4 : memref<131072xf32, #tpu.memory_space<vmem_shared>>) target(%dma_start3A_125 : memref<131072xf32, #tpu.memory_space<hbm>>) target_semaphore(%run_scoped3A_2 : memref<!tpu.dma_semaphore, #tpu.memory_space<semaphore_mem>>)
      %dma_wait3A_126 = arith.constant 1 : i32
      %dma_wait3A_127 = arith.constant 0 : i32
      %dma_wait3A_128 = tpu.memref_slice %arg1[%select_n3A_92, %select_n3A_108, %dma_wait3A_126, %dma_wait3A_127] : memref<16x4x2x131072xf32, #tpu.memory_space<hbm>> -> memref<1x1x1x131072xf32, #tpu.memory_space<hbm>>
      %dma_wait3A_129 = tpu.memref_squeeze %dma_wait3A_128 : memref<1x1x1x131072xf32, #tpu.memory_space<hbm>> -> memref<131072xf32, #tpu.memory_space<hbm>>
      tpu.wait_dma2 semaphore(%run_scoped3A_1 : memref<!tpu.dma_semaphore, #tpu.memory_space<semaphore_mem>>) src(%dma_wait3A_129 : memref<131072xf32, #tpu.memory_space<hbm>>) dst(%arg5 : memref<131072xf32, #tpu.memory_space<vmem_shared>>)
      %sub3A_130 = arith.constant 1 : i32
      %sub3A_131 = arith.subi %sub3A_130, %get3A_110 : i32
      %dma_start3A_132 = arith.constant 0 : i32
      %dma_start3A_133 = tpu.memref_slice %arg3[%select_n3A_92, %select_n3A_108, %sub3A_131, %dma_start3A_132] : memref<16x4x2x131072xf32, #tpu.memory_space<hbm>> -> memref<1x1x1x131072xf32, #tpu.memory_space<hbm>>
      %dma_start3A_134 = tpu.memref_squeeze %dma_start3A_133 : memref<1x1x1x131072xf32, #tpu.memory_space<hbm>> -> memref<131072xf32, #tpu.memory_space<hbm>>
      tpu.enqueue_dma source(%arg5 : memref<131072xf32, #tpu.memory_space<vmem_shared>>) target(%dma_start3A_134 : memref<131072xf32, #tpu.memory_space<hbm>>) target_semaphore(%run_scoped3A_3 : memref<!tpu.dma_semaphore, #tpu.memory_space<semaphore_mem>>)
      %dma_wait3A_135 = arith.constant 0 : i32
      %dma_wait3A_136 = tpu.memref_slice %arg3[%select_n3A_92, %select_n3A_108, %get3A_110, %dma_wait3A_135] : memref<16x4x2x131072xf32, #tpu.memory_space<hbm>> -> memref<1x1x1x131072xf32, #tpu.memory_space<hbm>>
      %dma_wait3A_137 = tpu.memref_squeeze %dma_wait3A_136 : memref<1x1x1x131072xf32, #tpu.memory_space<hbm>> -> memref<131072xf32, #tpu.memory_space<hbm>>
      tpu.wait_dma2 semaphore(%run_scoped3A_2 : memref<!tpu.dma_semaphore, #tpu.memory_space<semaphore_mem>>) src(%arg4 : memref<131072xf32, #tpu.memory_space<vmem_shared>>) dst(%dma_wait3A_137 : memref<131072xf32, #tpu.memory_space<hbm>>)
      %dma_wait3A_138 = arith.constant 0 : i32
      %dma_wait3A_139 = tpu.memref_slice %arg3[%select_n3A_92, %select_n3A_108, %sub3A_131, %dma_wait3A_138] : memref<16x4x2x131072xf32, #tpu.memory_space<hbm>> -> memref<1x1x1x131072xf32, #tpu.memory_space<hbm>>
      %dma_wait3A_140 = tpu.memref_squeeze %dma_wait3A_139 : memref<1x1x1x131072xf32, #tpu.memory_space<hbm>> -> memref<131072xf32, #tpu.memory_space<hbm>>
      tpu.wait_dma2 semaphore(%run_scoped3A_3 : memref<!tpu.dma_semaphore, #tpu.memory_space<semaphore_mem>>) src(%arg5 : memref<131072xf32, #tpu.memory_space<vmem_shared>>) dst(%dma_wait3A_140 : memref<131072xf32, #tpu.memory_space<hbm>>)
      %add3A_141 = arith.constant 2 : i32
      %add3A_142 = arith.addi %add3A_5, %add3A_141 : i32
      %jit3A_143 = arith.constant 4 : i32
      %div3A_144 = arith.divsi %add3A_142, %jit3A_143 : i32
      %sign3A_145 = arith.constant 0 : i32
      %sign3A_146 = arith.cmpi sgt, %add3A_142, %sign3A_145 : i32
      %sign3A_147 = arith.extui %sign3A_146 : i1 to i32
      %sign3A_148 = arith.constant 0 : i32
      %sign3A_149 = arith.cmpi slt, %add3A_142, %sign3A_148 : i32
      %sign3A_150 = arith.extui %sign3A_149 : i1 to i32
      %sign3A_151 = arith.subi %sign3A_147, %sign3A_150 : i32
      %sign3A_152 = arith.constant 0 : i32
      %sign3A_153 = arith.cmpi sgt, %jit3A_143, %sign3A_152 : i32
      %sign3A_154 = arith.extui %sign3A_153 : i1 to i32
      %sign3A_155 = arith.constant 0 : i32
      %sign3A_156 = arith.cmpi slt, %jit3A_143, %sign3A_155 : i32
      %sign3A_157 = arith.extui %sign3A_156 : i1 to i32
      %sign3A_158 = arith.subi %sign3A_154, %sign3A_157 : i32
      %ne3A_159 = arith.cmpi ne, %sign3A_151, %sign3A_158 : i32
      %rem3A_160 = arith.remsi %add3A_142, %jit3A_143 : i32
      %ne3A_161 = arith.constant 0 : i32
      %ne3A_162 = arith.cmpi ne, %rem3A_160, %ne3A_161 : i32
      %and3A_163 = arith.andi %ne3A_159, %ne3A_162 : i1
      %sub3A_164 = arith.constant 1 : i32
      %sub3A_165 = arith.subi %div3A_144, %sub3A_164 : i32
      %select_n3A_166 = arith.select %and3A_163, %sub3A_165, %div3A_144 : i32
      %jit3A_167 = arith.constant 4 : i32
      %eq3A_168 = arith.constant 0 : i32
      %eq3A_169 = arith.cmpi eq, %jit3A_167, %eq3A_168 : i32
      %jit3A_170 = arith.constant 1 : i32
      %select_n3A_171 = arith.select %eq3A_169, %jit3A_170, %jit3A_167 : i32
      %rem3A_172 = arith.remsi %add3A_142, %select_n3A_171 : i32
      %ne3A_173 = arith.constant 0 : i32
      %ne3A_174 = arith.cmpi ne, %rem3A_172, %ne3A_173 : i32
      %lt3A_175 = arith.constant 0 : i32
      %lt3A_176 = arith.cmpi slt, %rem3A_172, %lt3A_175 : i32
      %lt3A_177 = arith.constant 0 : i32
      %lt3A_178 = arith.cmpi slt, %select_n3A_171, %lt3A_177 : i32
      %ne3A_179 = arith.xori %lt3A_176, %lt3A_178 : i1
      %and3A_180 = arith.andi %ne3A_179, %ne3A_174 : i1
      %add3A_181 = arith.addi %rem3A_172, %select_n3A_171 : i32
      %select_n3A_182 = arith.select %and3A_180, %add3A_181, %rem3A_172 : i32
      %get3A_183 = arith.index_cast %add3A_142 : i32 to index
      %get3A_184 = memref.load %run_scoped3A[%get3A_183] : memref<64xi32, #tpu.memory_space<smem>>
      %dma_start3A_185 = arith.constant 0 : i32
      %dma_start3A_186 = arith.constant 0 : i32
      %dma_start3A_187 = tpu.memref_slice %arg1[%select_n3A_166, %select_n3A_182, %dma_start3A_185, %dma_start3A_186] : memref<16x4x2x131072xf32, #tpu.memory_space<hbm>> -> memref<1x1x1x131072xf32, #tpu.memory_space<hbm>>
      %dma_start3A_188 = tpu.memref_squeeze %dma_start3A_187 : memref<1x1x1x131072xf32, #tpu.memory_space<hbm>> -> memref<131072xf32, #tpu.memory_space<hbm>>
      tpu.enqueue_dma source(%dma_start3A_188 : memref<131072xf32, #tpu.memory_space<hbm>>) target(%arg4 : memref<131072xf32, #tpu.memory_space<vmem_shared>>) target_semaphore(%run_scoped3A_0 : memref<!tpu.dma_semaphore, #tpu.memory_space<semaphore_mem>>)
      %dma_start3A_189 = arith.constant 1 : i32
      %dma_start3A_190 = arith.constant 0 : i32
      %dma_start3A_191 = tpu.memref_slice %arg1[%select_n3A_166, %select_n3A_182, %dma_start3A_189, %dma_start3A_190] : memref<16x4x2x131072xf32, #tpu.memory_space<hbm>> -> memref<1x1x1x131072xf32, #tpu.memory_space<hbm>>
      %dma_start3A_192 = tpu.memref_squeeze %dma_start3A_191 : memref<1x1x1x131072xf32, #tpu.memory_space<hbm>> -> memref<131072xf32, #tpu.memory_space<hbm>>
      tpu.enqueue_dma source(%dma_start3A_192 : memref<131072xf32, #tpu.memory_space<hbm>>) target(%arg5 : memref<131072xf32, #tpu.memory_space<vmem_shared>>) target_semaphore(%run_scoped3A_1 : memref<!tpu.dma_semaphore, #tpu.memory_space<semaphore_mem>>)
      %dma_wait3A_193 = arith.constant 0 : i32
      %dma_wait3A_194 = arith.constant 0 : i32
      %dma_wait3A_195 = tpu.memref_slice %arg1[%select_n3A_166, %select_n3A_182, %dma_wait3A_193, %dma_wait3A_194] : memref<16x4x2x131072xf32, #tpu.memory_space<hbm>> -> memref<1x1x1x131072xf32, #tpu.memory_space<hbm>>
      %dma_wait3A_196 = tpu.memref_squeeze %dma_wait3A_195 : memref<1x1x1x131072xf32, #tpu.memory_space<hbm>> -> memref<131072xf32, #tpu.memory_space<hbm>>
      tpu.wait_dma2 semaphore(%run_scoped3A_0 : memref<!tpu.dma_semaphore, #tpu.memory_space<semaphore_mem>>) src(%dma_wait3A_196 : memref<131072xf32, #tpu.memory_space<hbm>>) dst(%arg4 : memref<131072xf32, #tpu.memory_space<vmem_shared>>)
      %dma_start3A_197 = arith.constant 0 : i32
      %dma_start3A_198 = tpu.memref_slice %arg3[%select_n3A_166, %select_n3A_182, %get3A_184, %dma_start3A_197] : memref<16x4x2x131072xf32, #tpu.memory_space<hbm>> -> memref<1x1x1x131072xf32, #tpu.memory_space<hbm>>
      %dma_start3A_199 = tpu.memref_squeeze %dma_start3A_198 : memref<1x1x1x131072xf32, #tpu.memory_space<hbm>> -> memref<131072xf32, #tpu.memory_space<hbm>>
      tpu.enqueue_dma source(%arg4 : memref<131072xf32, #tpu.memory_space<vmem_shared>>) target(%dma_start3A_199 : memref<131072xf32, #tpu.memory_space<hbm>>) target_semaphore(%run_scoped3A_2 : memref<!tpu.dma_semaphore, #tpu.memory_space<semaphore_mem>>)
      %dma_wait3A_200 = arith.constant 1 : i32
      %dma_wait3A_201 = arith.constant 0 : i32
      %dma_wait3A_202 = tpu.memref_slice %arg1[%select_n3A_166, %select_n3A_182, %dma_wait3A_200, %dma_wait3A_201] : memref<16x4x2x131072xf32, #tpu.memory_space<hbm>> -> memref<1x1x1x131072xf32, #tpu.memory_space<hbm>>
      %dma_wait3A_203 = tpu.memref_squeeze %dma_wait3A_202 : memref<1x1x1x131072xf32, #tpu.memory_space<hbm>> -> memref<131072xf32, #tpu.memory_space<hbm>>
      tpu.wait_dma2 semaphore(%run_scoped3A_1 : memref<!tpu.dma_semaphore, #tpu.memory_space<semaphore_mem>>) src(%dma_wait3A_203 : memref<131072xf32, #tpu.memory_space<hbm>>) dst(%arg5 : memref<131072xf32, #tpu.memory_space<vmem_shared>>)
      %sub3A_204 = arith.constant 1 : i32
      %sub3A_205 = arith.subi %sub3A_204, %get3A_184 : i32
      %dma_start3A_206 = arith.constant 0 : i32
      %dma_start3A_207 = tpu.memref_slice %arg3[%select_n3A_166, %select_n3A_182, %sub3A_205, %dma_start3A_206] : memref<16x4x2x131072xf32, #tpu.memory_space<hbm>> -> memref<1x1x1x131072xf32, #tpu.memory_space<hbm>>
      %dma_start3A_208 = tpu.memref_squeeze %dma_start3A_207 : memref<1x1x1x131072xf32, #tpu.memory_space<hbm>> -> memref<131072xf32, #tpu.memory_space<hbm>>
      tpu.enqueue_dma source(%arg5 : memref<131072xf32, #tpu.memory_space<vmem_shared>>) target(%dma_start3A_208 : memref<131072xf32, #tpu.memory_space<hbm>>) target_semaphore(%run_scoped3A_3 : memref<!tpu.dma_semaphore, #tpu.memory_space<semaphore_mem>>)
      %dma_wait3A_209 = arith.constant 0 : i32
      %dma_wait3A_210 = tpu.memref_slice %arg3[%select_n3A_166, %select_n3A_182, %get3A_184, %dma_wait3A_209] : memref<16x4x2x131072xf32, #tpu.memory_space<hbm>> -> memref<1x1x1x131072xf32, #tpu.memory_space<hbm>>
      %dma_wait3A_211 = tpu.memref_squeeze %dma_wait3A_210 : memref<1x1x1x131072xf32, #tpu.memory_space<hbm>> -> memref<131072xf32, #tpu.memory_space<hbm>>
      tpu.wait_dma2 semaphore(%run_scoped3A_2 : memref<!tpu.dma_semaphore, #tpu.memory_space<semaphore_mem>>) src(%arg4 : memref<131072xf32, #tpu.memory_space<vmem_shared>>) dst(%dma_wait3A_211 : memref<131072xf32, #tpu.memory_space<hbm>>)
      %dma_wait3A_212 = arith.constant 0 : i32
      %dma_wait3A_213 = tpu.memref_slice %arg3[%select_n3A_166, %select_n3A_182, %sub3A_205, %dma_wait3A_212] : memref<16x4x2x131072xf32, #tpu.memory_space<hbm>> -> memref<1x1x1x131072xf32, #tpu.memory_space<hbm>>
      %dma_wait3A_214 = tpu.memref_squeeze %dma_wait3A_213 : memref<1x1x1x131072xf32, #tpu.memory_space<hbm>> -> memref<131072xf32, #tpu.memory_space<hbm>>
      tpu.wait_dma2 semaphore(%run_scoped3A_3 : memref<!tpu.dma_semaphore, #tpu.memory_space<semaphore_mem>>) src(%arg5 : memref<131072xf32, #tpu.memory_space<vmem_shared>>) dst(%dma_wait3A_214 : memref<131072xf32, #tpu.memory_space<hbm>>)
      %add3A_215 = arith.constant 3 : i32
      %add3A_216 = arith.addi %add3A_5, %add3A_215 : i32
      %jit3A_217 = arith.constant 4 : i32
      %div3A_218 = arith.divsi %add3A_216, %jit3A_217 : i32
      %sign3A_219 = arith.constant 0 : i32
      %sign3A_220 = arith.cmpi sgt, %add3A_216, %sign3A_219 : i32
      %sign3A_221 = arith.extui %sign3A_220 : i1 to i32
      %sign3A_222 = arith.constant 0 : i32
      %sign3A_223 = arith.cmpi slt, %add3A_216, %sign3A_222 : i32
      %sign3A_224 = arith.extui %sign3A_223 : i1 to i32
      %sign3A_225 = arith.subi %sign3A_221, %sign3A_224 : i32
      %sign3A_226 = arith.constant 0 : i32
      %sign3A_227 = arith.cmpi sgt, %jit3A_217, %sign3A_226 : i32
      %sign3A_228 = arith.extui %sign3A_227 : i1 to i32
      %sign3A_229 = arith.constant 0 : i32
      %sign3A_230 = arith.cmpi slt, %jit3A_217, %sign3A_229 : i32
      %sign3A_231 = arith.extui %sign3A_230 : i1 to i32
      %sign3A_232 = arith.subi %sign3A_228, %sign3A_231 : i32
      %ne3A_233 = arith.cmpi ne, %sign3A_225, %sign3A_232 : i32
      %rem3A_234 = arith.remsi %add3A_216, %jit3A_217 : i32
      %ne3A_235 = arith.constant 0 : i32
      %ne3A_236 = arith.cmpi ne, %rem3A_234, %ne3A_235 : i32
      %and3A_237 = arith.andi %ne3A_233, %ne3A_236 : i1
      %sub3A_238 = arith.constant 1 : i32
      %sub3A_239 = arith.subi %div3A_218, %sub3A_238 : i32
      %select_n3A_240 = arith.select %and3A_237, %sub3A_239, %div3A_218 : i32
      %jit3A_241 = arith.constant 4 : i32
      %eq3A_242 = arith.constant 0 : i32
      %eq3A_243 = arith.cmpi eq, %jit3A_241, %eq3A_242 : i32
      %jit3A_244 = arith.constant 1 : i32
      %select_n3A_245 = arith.select %eq3A_243, %jit3A_244, %jit3A_241 : i32
      %rem3A_246 = arith.remsi %add3A_216, %select_n3A_245 : i32
      %ne3A_247 = arith.constant 0 : i32
      %ne3A_248 = arith.cmpi ne, %rem3A_246, %ne3A_247 : i32
      %lt3A_249 = arith.constant 0 : i32
      %lt3A_250 = arith.cmpi slt, %rem3A_246, %lt3A_249 : i32
      %lt3A_251 = arith.constant 0 : i32
      %lt3A_252 = arith.cmpi slt, %select_n3A_245, %lt3A_251 : i32
      %ne3A_253 = arith.xori %lt3A_250, %lt3A_252 : i1
      %and3A_254 = arith.andi %ne3A_253, %ne3A_248 : i1
      %add3A_255 = arith.addi %rem3A_246, %select_n3A_245 : i32
      %select_n3A_256 = arith.select %and3A_254, %add3A_255, %rem3A_246 : i32
      %get3A_257 = arith.index_cast %add3A_216 : i32 to index
      %get3A_258 = memref.load %run_scoped3A[%get3A_257] : memref<64xi32, #tpu.memory_space<smem>>
      %dma_start3A_259 = arith.constant 0 : i32
      %dma_start3A_260 = arith.constant 0 : i32
      %dma_start3A_261 = tpu.memref_slice %arg1[%select_n3A_240, %select_n3A_256, %dma_start3A_259, %dma_start3A_260] : memref<16x4x2x131072xf32, #tpu.memory_space<hbm>> -> memref<1x1x1x131072xf32, #tpu.memory_space<hbm>>
      %dma_start3A_262 = tpu.memref_squeeze %dma_start3A_261 : memref<1x1x1x131072xf32, #tpu.memory_space<hbm>> -> memref<131072xf32, #tpu.memory_space<hbm>>
      tpu.enqueue_dma source(%dma_start3A_262 : memref<131072xf32, #tpu.memory_space<hbm>>) target(%arg4 : memref<131072xf32, #tpu.memory_space<vmem_shared>>) target_semaphore(%run_scoped3A_0 : memref<!tpu.dma_semaphore, #tpu.memory_space<semaphore_mem>>)
      %dma_start3A_263 = arith.constant 1 : i32
      %dma_start3A_264 = arith.constant 0 : i32
      %dma_start3A_265 = tpu.memref_slice %arg1[%select_n3A_240, %select_n3A_256, %dma_start3A_263, %dma_start3A_264] : memref<16x4x2x131072xf32, #tpu.memory_space<hbm>> -> memref<1x1x1x131072xf32, #tpu.memory_space<hbm>>
      %dma_start3A_266 = tpu.memref_squeeze %dma_start3A_265 : memref<1x1x1x131072xf32, #tpu.memory_space<hbm>> -> memref<131072xf32, #tpu.memory_space<hbm>>
      tpu.enqueue_dma source(%dma_start3A_266 : memref<131072xf32, #tpu.memory_space<hbm>>) target(%arg5 : memref<131072xf32, #tpu.memory_space<vmem_shared>>) target_semaphore(%run_scoped3A_1 : memref<!tpu.dma_semaphore, #tpu.memory_space<semaphore_mem>>)
      %dma_wait3A_267 = arith.constant 0 : i32
      %dma_wait3A_268 = arith.constant 0 : i32
      %dma_wait3A_269 = tpu.memref_slice %arg1[%select_n3A_240, %select_n3A_256, %dma_wait3A_267, %dma_wait3A_268] : memref<16x4x2x131072xf32, #tpu.memory_space<hbm>> -> memref<1x1x1x131072xf32, #tpu.memory_space<hbm>>
      %dma_wait3A_270 = tpu.memref_squeeze %dma_wait3A_269 : memref<1x1x1x131072xf32, #tpu.memory_space<hbm>> -> memref<131072xf32, #tpu.memory_space<hbm>>
      tpu.wait_dma2 semaphore(%run_scoped3A_0 : memref<!tpu.dma_semaphore, #tpu.memory_space<semaphore_mem>>) src(%dma_wait3A_270 : memref<131072xf32, #tpu.memory_space<hbm>>) dst(%arg4 : memref<131072xf32, #tpu.memory_space<vmem_shared>>)
      %dma_start3A_271 = arith.constant 0 : i32
      %dma_start3A_272 = tpu.memref_slice %arg3[%select_n3A_240, %select_n3A_256, %get3A_258, %dma_start3A_271] : memref<16x4x2x131072xf32, #tpu.memory_space<hbm>> -> memref<1x1x1x131072xf32, #tpu.memory_space<hbm>>
      %dma_start3A_273 = tpu.memref_squeeze %dma_start3A_272 : memref<1x1x1x131072xf32, #tpu.memory_space<hbm>> -> memref<131072xf32, #tpu.memory_space<hbm>>
      tpu.enqueue_dma source(%arg4 : memref<131072xf32, #tpu.memory_space<vmem_shared>>) target(%dma_start3A_273 : memref<131072xf32, #tpu.memory_space<hbm>>) target_semaphore(%run_scoped3A_2 : memref<!tpu.dma_semaphore, #tpu.memory_space<semaphore_mem>>)
      %dma_wait3A_274 = arith.constant 1 : i32
      %dma_wait3A_275 = arith.constant 0 : i32
      %dma_wait3A_276 = tpu.memref_slice %arg1[%select_n3A_240, %select_n3A_256, %dma_wait3A_274, %dma_wait3A_275] : memref<16x4x2x131072xf32, #tpu.memory_space<hbm>> -> memref<1x1x1x131072xf32, #tpu.memory_space<hbm>>
      %dma_wait3A_277 = tpu.memref_squeeze %dma_wait3A_276 : memref<1x1x1x131072xf32, #tpu.memory_space<hbm>> -> memref<131072xf32, #tpu.memory_space<hbm>>
      tpu.wait_dma2 semaphore(%run_scoped3A_1 : memref<!tpu.dma_semaphore, #tpu.memory_space<semaphore_mem>>) src(%dma_wait3A_277 : memref<131072xf32, #tpu.memory_space<hbm>>) dst(%arg5 : memref<131072xf32, #tpu.memory_space<vmem_shared>>)
      %sub3A_278 = arith.constant 1 : i32
      %sub3A_279 = arith.subi %sub3A_278, %get3A_258 : i32
      %dma_start3A_280 = arith.constant 0 : i32
      %dma_start3A_281 = tpu.memref_slice %arg3[%select_n3A_240, %select_n3A_256, %sub3A_279, %dma_start3A_280] : memref<16x4x2x131072xf32, #tpu.memory_space<hbm>> -> memref<1x1x1x131072xf32, #tpu.memory_space<hbm>>
      %dma_start3A_282 = tpu.memref_squeeze %dma_start3A_281 : memref<1x1x1x131072xf32, #tpu.memory_space<hbm>> -> memref<131072xf32, #tpu.memory_space<hbm>>
      tpu.enqueue_dma source(%arg5 : memref<131072xf32, #tpu.memory_space<vmem_shared>>) target(%dma_start3A_282 : memref<131072xf32, #tpu.memory_space<hbm>>) target_semaphore(%run_scoped3A_3 : memref<!tpu.dma_semaphore, #tpu.memory_space<semaphore_mem>>)
      %dma_wait3A_283 = arith.constant 0 : i32
      %dma_wait3A_284 = tpu.memref_slice %arg3[%select_n3A_240, %select_n3A_256, %get3A_258, %dma_wait3A_283] : memref<16x4x2x131072xf32, #tpu.memory_space<hbm>> -> memref<1x1x1x131072xf32, #tpu.memory_space<hbm>>
      %dma_wait3A_285 = tpu.memref_squeeze %dma_wait3A_284 : memref<1x1x1x131072xf32, #tpu.memory_space<hbm>> -> memref<131072xf32, #tpu.memory_space<hbm>>
      tpu.wait_dma2 semaphore(%run_scoped3A_2 : memref<!tpu.dma_semaphore, #tpu.memory_space<semaphore_mem>>) src(%arg4 : memref<131072xf32, #tpu.memory_space<vmem_shared>>) dst(%dma_wait3A_285 : memref<131072xf32, #tpu.memory_space<hbm>>)
      %dma_wait3A_286 = arith.constant 0 : i32
      %dma_wait3A_287 = tpu.memref_slice %arg3[%select_n3A_240, %select_n3A_256, %sub3A_279, %dma_wait3A_286] : memref<16x4x2x131072xf32, #tpu.memory_space<hbm>> -> memref<1x1x1x131072xf32, #tpu.memory_space<hbm>>
      %dma_wait3A_288 = tpu.memref_squeeze %dma_wait3A_287 : memref<1x1x1x131072xf32, #tpu.memory_space<hbm>> -> memref<131072xf32, #tpu.memory_space<hbm>>
      tpu.wait_dma2 semaphore(%run_scoped3A_3 : memref<!tpu.dma_semaphore, #tpu.memory_space<semaphore_mem>>) src(%arg5 : memref<131072xf32, #tpu.memory_space<vmem_shared>>) dst(%dma_wait3A_288 : memref<131072xf32, #tpu.memory_space<hbm>>)
      %add3A_289 = arith.constant 4 : i32
      %add3A_290 = arith.addi %add3A_5, %add3A_289 : i32
      %jit3A_291 = arith.constant 4 : i32
      %div3A_292 = arith.divsi %add3A_290, %jit3A_291 : i32
      %sign3A_293 = arith.constant 0 : i32
      %sign3A_294 = arith.cmpi sgt, %add3A_290, %sign3A_293 : i32
      %sign3A_295 = arith.extui %sign3A_294 : i1 to i32
      %sign3A_296 = arith.constant 0 : i32
      %sign3A_297 = arith.cmpi slt, %add3A_290, %sign3A_296 : i32
      %sign3A_298 = arith.extui %sign3A_297 : i1 to i32
      %sign3A_299 = arith.subi %sign3A_295, %sign3A_298 : i32
      %sign3A_300 = arith.constant 0 : i32
      %sign3A_301 = arith.cmpi sgt, %jit3A_291, %sign3A_300 : i32
      %sign3A_302 = arith.extui %sign3A_301 : i1 to i32
      %sign3A_303 = arith.constant 0 : i32
      %sign3A_304 = arith.cmpi slt, %jit3A_291, %sign3A_303 : i32
      %sign3A_305 = arith.extui %sign3A_304 : i1 to i32
      %sign3A_306 = arith.subi %sign3A_302, %sign3A_305 : i32
      %ne3A_307 = arith.cmpi ne, %sign3A_299, %sign3A_306 : i32
      %rem3A_308 = arith.remsi %add3A_290, %jit3A_291 : i32
      %ne3A_309 = arith.constant 0 : i32
      %ne3A_310 = arith.cmpi ne, %rem3A_308, %ne3A_309 : i32
      %and3A_311 = arith.andi %ne3A_307, %ne3A_310 : i1
      %sub3A_312 = arith.constant 1 : i32
      %sub3A_313 = arith.subi %div3A_292, %sub3A_312 : i32
      %select_n3A_314 = arith.select %and3A_311, %sub3A_313, %div3A_292 : i32
      %jit3A_315 = arith.constant 4 : i32
      %eq3A_316 = arith.constant 0 : i32
      %eq3A_317 = arith.cmpi eq, %jit3A_315, %eq3A_316 : i32
      %jit3A_318 = arith.constant 1 : i32
      %select_n3A_319 = arith.select %eq3A_317, %jit3A_318, %jit3A_315 : i32
      %rem3A_320 = arith.remsi %add3A_290, %select_n3A_319 : i32
      %ne3A_321 = arith.constant 0 : i32
      %ne3A_322 = arith.cmpi ne, %rem3A_320, %ne3A_321 : i32
      %lt3A_323 = arith.constant 0 : i32
      %lt3A_324 = arith.cmpi slt, %rem3A_320, %lt3A_323 : i32
      %lt3A_325 = arith.constant 0 : i32
      %lt3A_326 = arith.cmpi slt, %select_n3A_319, %lt3A_325 : i32
      %ne3A_327 = arith.xori %lt3A_324, %lt3A_326 : i1
      %and3A_328 = arith.andi %ne3A_327, %ne3A_322 : i1
      %add3A_329 = arith.addi %rem3A_320, %select_n3A_319 : i32
      %select_n3A_330 = arith.select %and3A_328, %add3A_329, %rem3A_320 : i32
      %get3A_331 = arith.index_cast %add3A_290 : i32 to index
      %get3A_332 = memref.load %run_scoped3A[%get3A_331] : memref<64xi32, #tpu.memory_space<smem>>
      %dma_start3A_333 = arith.constant 0 : i32
      %dma_start3A_334 = arith.constant 0 : i32
      %dma_start3A_335 = tpu.memref_slice %arg1[%select_n3A_314, %select_n3A_330, %dma_start3A_333, %dma_start3A_334] : memref<16x4x2x131072xf32, #tpu.memory_space<hbm>> -> memref<1x1x1x131072xf32, #tpu.memory_space<hbm>>
      %dma_start3A_336 = tpu.memref_squeeze %dma_start3A_335 : memref<1x1x1x131072xf32, #tpu.memory_space<hbm>> -> memref<131072xf32, #tpu.memory_space<hbm>>
      tpu.enqueue_dma source(%dma_start3A_336 : memref<131072xf32, #tpu.memory_space<hbm>>) target(%arg4 : memref<131072xf32, #tpu.memory_space<vmem_shared>>) target_semaphore(%run_scoped3A_0 : memref<!tpu.dma_semaphore, #tpu.memory_space<semaphore_mem>>)
      %dma_start3A_337 = arith.constant 1 : i32
      %dma_start3A_338 = arith.constant 0 : i32
      %dma_start3A_339 = tpu.memref_slice %arg1[%select_n3A_314, %select_n3A_330, %dma_start3A_337, %dma_start3A_338] : memref<16x4x2x131072xf32, #tpu.memory_space<hbm>> -> memref<1x1x1x131072xf32, #tpu.memory_space<hbm>>
      %dma_start3A_340 = tpu.memref_squeeze %dma_start3A_339 : memref<1x1x1x131072xf32, #tpu.memory_space<hbm>> -> memref<131072xf32, #tpu.memory_space<hbm>>
      tpu.enqueue_dma source(%dma_start3A_340 : memref<131072xf32, #tpu.memory_space<hbm>>) target(%arg5 : memref<131072xf32, #tpu.memory_space<vmem_shared>>) target_semaphore(%run_scoped3A_1 : memref<!tpu.dma_semaphore, #tpu.memory_space<semaphore_mem>>)
      %dma_wait3A_341 = arith.constant 0 : i32
      %dma_wait3A_342 = arith.constant 0 : i32
      %dma_wait3A_343 = tpu.memref_slice %arg1[%select_n3A_314, %select_n3A_330, %dma_wait3A_341, %dma_wait3A_342] : memref<16x4x2x131072xf32, #tpu.memory_space<hbm>> -> memref<1x1x1x131072xf32, #tpu.memory_space<hbm>>
      %dma_wait3A_344 = tpu.memref_squeeze %dma_wait3A_343 : memref<1x1x1x131072xf32, #tpu.memory_space<hbm>> -> memref<131072xf32, #tpu.memory_space<hbm>>
      tpu.wait_dma2 semaphore(%run_scoped3A_0 : memref<!tpu.dma_semaphore, #tpu.memory_space<semaphore_mem>>) src(%dma_wait3A_344 : memref<131072xf32, #tpu.memory_space<hbm>>) dst(%arg4 : memref<131072xf32, #tpu.memory_space<vmem_shared>>)
      %dma_start3A_345 = arith.constant 0 : i32
      %dma_start3A_346 = tpu.memref_slice %arg3[%select_n3A_314, %select_n3A_330, %get3A_332, %dma_start3A_345] : memref<16x4x2x131072xf32, #tpu.memory_space<hbm>> -> memref<1x1x1x131072xf32, #tpu.memory_space<hbm>>
      %dma_start3A_347 = tpu.memref_squeeze %dma_start3A_346 : memref<1x1x1x131072xf32, #tpu.memory_space<hbm>> -> memref<131072xf32, #tpu.memory_space<hbm>>
      tpu.enqueue_dma source(%arg4 : memref<131072xf32, #tpu.memory_space<vmem_shared>>) target(%dma_start3A_347 : memref<131072xf32, #tpu.memory_space<hbm>>) target_semaphore(%run_scoped3A_2 : memref<!tpu.dma_semaphore, #tpu.memory_space<semaphore_mem>>)
      %dma_wait3A_348 = arith.constant 1 : i32
      %dma_wait3A_349 = arith.constant 0 : i32
      %dma_wait3A_350 = tpu.memref_slice %arg1[%select_n3A_314, %select_n3A_330, %dma_wait3A_348, %dma_wait3A_349] : memref<16x4x2x131072xf32, #tpu.memory_space<hbm>> -> memref<1x1x1x131072xf32, #tpu.memory_space<hbm>>
      %dma_wait3A_351 = tpu.memref_squeeze %dma_wait3A_350 : memref<1x1x1x131072xf32, #tpu.memory_space<hbm>> -> memref<131072xf32, #tpu.memory_space<hbm>>
      tpu.wait_dma2 semaphore(%run_scoped3A_1 : memref<!tpu.dma_semaphore, #tpu.memory_space<semaphore_mem>>) src(%dma_wait3A_351 : memref<131072xf32, #tpu.memory_space<hbm>>) dst(%arg5 : memref<131072xf32, #tpu.memory_space<vmem_shared>>)
      %sub3A_352 = arith.constant 1 : i32
      %sub3A_353 = arith.subi %sub3A_352, %get3A_332 : i32
      %dma_start3A_354 = arith.constant 0 : i32
      %dma_start3A_355 = tpu.memref_slice %arg3[%select_n3A_314, %select_n3A_330, %sub3A_353, %dma_start3A_354] : memref<16x4x2x131072xf32, #tpu.memory_space<hbm>> -> memref<1x1x1x131072xf32, #tpu.memory_space<hbm>>
      %dma_start3A_356 = tpu.memref_squeeze %dma_start3A_355 : memref<1x1x1x131072xf32, #tpu.memory_space<hbm>> -> memref<131072xf32, #tpu.memory_space<hbm>>
      tpu.enqueue_dma source(%arg5 : memref<131072xf32, #tpu.memory_space<vmem_shared>>) target(%dma_start3A_356 : memref<131072xf32, #tpu.memory_space<hbm>>) target_semaphore(%run_scoped3A_3 : memref<!tpu.dma_semaphore, #tpu.memory_space<semaphore_mem>>)
      %dma_wait3A_357 = arith.constant 0 : i32
      %dma_wait3A_358 = tpu.memref_slice %arg3[%select_n3A_314, %select_n3A_330, %get3A_332, %dma_wait3A_357] : memref<16x4x2x131072xf32, #tpu.memory_space<hbm>> -> memref<1x1x1x131072xf32, #tpu.memory_space<hbm>>
      %dma_wait3A_359 = tpu.memref_squeeze %dma_wait3A_358 : memref<1x1x1x131072xf32, #tpu.memory_space<hbm>> -> memref<131072xf32, #tpu.memory_space<hbm>>
      tpu.wait_dma2 semaphore(%run_scoped3A_2 : memref<!tpu.dma_semaphore, #tpu.memory_space<semaphore_mem>>) src(%arg4 : memref<131072xf32, #tpu.memory_space<vmem_shared>>) dst(%dma_wait3A_359 : memref<131072xf32, #tpu.memory_space<hbm>>)
      %dma_wait3A_360 = arith.constant 0 : i32
      %dma_wait3A_361 = tpu.memref_slice %arg3[%select_n3A_314, %select_n3A_330, %sub3A_353, %dma_wait3A_360] : memref<16x4x2x131072xf32, #tpu.memory_space<hbm>> -> memref<1x1x1x131072xf32, #tpu.memory_space<hbm>>
      %dma_wait3A_362 = tpu.memref_squeeze %dma_wait3A_361 : memref<1x1x1x131072xf32, #tpu.memory_space<hbm>> -> memref<131072xf32, #tpu.memory_space<hbm>>
      tpu.wait_dma2 semaphore(%run_scoped3A_3 : memref<!tpu.dma_semaphore, #tpu.memory_space<semaphore_mem>>) src(%arg5 : memref<131072xf32, #tpu.memory_space<vmem_shared>>) dst(%dma_wait3A_362 : memref<131072xf32, #tpu.memory_space<hbm>>)
      %add3A_363 = arith.constant 5 : i32
      %add3A_364 = arith.addi %add3A_5, %add3A_363 : i32
      %jit3A_365 = arith.constant 4 : i32
      %div3A_366 = arith.divsi %add3A_364, %jit3A_365 : i32
      %sign3A_367 = arith.constant 0 : i32
      %sign3A_368 = arith.cmpi sgt, %add3A_364, %sign3A_367 : i32
      %sign3A_369 = arith.extui %sign3A_368 : i1 to i32
      %sign3A_370 = arith.constant 0 : i32
      %sign3A_371 = arith.cmpi slt, %add3A_364, %sign3A_370 : i32
      %sign3A_372 = arith.extui %sign3A_371 : i1 to i32
      %sign3A_373 = arith.subi %sign3A_369, %sign3A_372 : i32
      %sign3A_374 = arith.constant 0 : i32
      %sign3A_375 = arith.cmpi sgt, %jit3A_365, %sign3A_374 : i32
      %sign3A_376 = arith.extui %sign3A_375 : i1 to i32
      %sign3A_377 = arith.constant 0 : i32
      %sign3A_378 = arith.cmpi slt, %jit3A_365, %sign3A_377 : i32
      %sign3A_379 = arith.extui %sign3A_378 : i1 to i32
      %sign3A_380 = arith.subi %sign3A_376, %sign3A_379 : i32
      %ne3A_381 = arith.cmpi ne, %sign3A_373, %sign3A_380 : i32
      %rem3A_382 = arith.remsi %add3A_364, %jit3A_365 : i32
      %ne3A_383 = arith.constant 0 : i32
      %ne3A_384 = arith.cmpi ne, %rem3A_382, %ne3A_383 : i32
      %and3A_385 = arith.andi %ne3A_381, %ne3A_384 : i1
      %sub3A_386 = arith.constant 1 : i32
      %sub3A_387 = arith.subi %div3A_366, %sub3A_386 : i32
      %select_n3A_388 = arith.select %and3A_385, %sub3A_387, %div3A_366 : i32
      %jit3A_389 = arith.constant 4 : i32
      %eq3A_390 = arith.constant 0 : i32
      %eq3A_391 = arith.cmpi eq, %jit3A_389, %eq3A_390 : i32
      %jit3A_392 = arith.constant 1 : i32
      %select_n3A_393 = arith.select %eq3A_391, %jit3A_392, %jit3A_389 : i32
      %rem3A_394 = arith.remsi %add3A_364, %select_n3A_393 : i32
      %ne3A_395 = arith.constant 0 : i32
      %ne3A_396 = arith.cmpi ne, %rem3A_394, %ne3A_395 : i32
      %lt3A_397 = arith.constant 0 : i32
      %lt3A_398 = arith.cmpi slt, %rem3A_394, %lt3A_397 : i32
      %lt3A_399 = arith.constant 0 : i32
      %lt3A_400 = arith.cmpi slt, %select_n3A_393, %lt3A_399 : i32
      %ne3A_401 = arith.xori %lt3A_398, %lt3A_400 : i1
      %and3A_402 = arith.andi %ne3A_401, %ne3A_396 : i1
      %add3A_403 = arith.addi %rem3A_394, %select_n3A_393 : i32
      %select_n3A_404 = arith.select %and3A_402, %add3A_403, %rem3A_394 : i32
      %get3A_405 = arith.index_cast %add3A_364 : i32 to index
      %get3A_406 = memref.load %run_scoped3A[%get3A_405] : memref<64xi32, #tpu.memory_space<smem>>
      %dma_start3A_407 = arith.constant 0 : i32
      %dma_start3A_408 = arith.constant 0 : i32
      %dma_start3A_409 = tpu.memref_slice %arg1[%select_n3A_388, %select_n3A_404, %dma_start3A_407, %dma_start3A_408] : memref<16x4x2x131072xf32, #tpu.memory_space<hbm>> -> memref<1x1x1x131072xf32, #tpu.memory_space<hbm>>
      %dma_start3A_410 = tpu.memref_squeeze %dma_start3A_409 : memref<1x1x1x131072xf32, #tpu.memory_space<hbm>> -> memref<131072xf32, #tpu.memory_space<hbm>>
      tpu.enqueue_dma source(%dma_start3A_410 : memref<131072xf32, #tpu.memory_space<hbm>>) target(%arg4 : memref<131072xf32, #tpu.memory_space<vmem_shared>>) target_semaphore(%run_scoped3A_0 : memref<!tpu.dma_semaphore, #tpu.memory_space<semaphore_mem>>)
      %dma_start3A_411 = arith.constant 1 : i32
      %dma_start3A_412 = arith.constant 0 : i32
      %dma_start3A_413 = tpu.memref_slice %arg1[%select_n3A_388, %select_n3A_404, %dma_start3A_411, %dma_start3A_412] : memref<16x4x2x131072xf32, #tpu.memory_space<hbm>> -> memref<1x1x1x131072xf32, #tpu.memory_space<hbm>>
      %dma_start3A_414 = tpu.memref_squeeze %dma_start3A_413 : memref<1x1x1x131072xf32, #tpu.memory_space<hbm>> -> memref<131072xf32, #tpu.memory_space<hbm>>
      tpu.enqueue_dma source(%dma_start3A_414 : memref<131072xf32, #tpu.memory_space<hbm>>) target(%arg5 : memref<131072xf32, #tpu.memory_space<vmem_shared>>) target_semaphore(%run_scoped3A_1 : memref<!tpu.dma_semaphore, #tpu.memory_space<semaphore_mem>>)
      %dma_wait3A_415 = arith.constant 0 : i32
      %dma_wait3A_416 = arith.constant 0 : i32
      %dma_wait3A_417 = tpu.memref_slice %arg1[%select_n3A_388, %select_n3A_404, %dma_wait3A_415, %dma_wait3A_416] : memref<16x4x2x131072xf32, #tpu.memory_space<hbm>> -> memref<1x1x1x131072xf32, #tpu.memory_space<hbm>>
      %dma_wait3A_418 = tpu.memref_squeeze %dma_wait3A_417 : memref<1x1x1x131072xf32, #tpu.memory_space<hbm>> -> memref<131072xf32, #tpu.memory_space<hbm>>
      tpu.wait_dma2 semaphore(%run_scoped3A_0 : memref<!tpu.dma_semaphore, #tpu.memory_space<semaphore_mem>>) src(%dma_wait3A_418 : memref<131072xf32, #tpu.memory_space<hbm>>) dst(%arg4 : memref<131072xf32, #tpu.memory_space<vmem_shared>>)
      %dma_start3A_419 = arith.constant 0 : i32
      %dma_start3A_420 = tpu.memref_slice %arg3[%select_n3A_388, %select_n3A_404, %get3A_406, %dma_start3A_419] : memref<16x4x2x131072xf32, #tpu.memory_space<hbm>> -> memref<1x1x1x131072xf32, #tpu.memory_space<hbm>>
      %dma_start3A_421 = tpu.memref_squeeze %dma_start3A_420 : memref<1x1x1x131072xf32, #tpu.memory_space<hbm>> -> memref<131072xf32, #tpu.memory_space<hbm>>
      tpu.enqueue_dma source(%arg4 : memref<131072xf32, #tpu.memory_space<vmem_shared>>) target(%dma_start3A_421 : memref<131072xf32, #tpu.memory_space<hbm>>) target_semaphore(%run_scoped3A_2 : memref<!tpu.dma_semaphore, #tpu.memory_space<semaphore_mem>>)
      %dma_wait3A_422 = arith.constant 1 : i32
      %dma_wait3A_423 = arith.constant 0 : i32
      %dma_wait3A_424 = tpu.memref_slice %arg1[%select_n3A_388, %select_n3A_404, %dma_wait3A_422, %dma_wait3A_423] : memref<16x4x2x131072xf32, #tpu.memory_space<hbm>> -> memref<1x1x1x131072xf32, #tpu.memory_space<hbm>>
      %dma_wait3A_425 = tpu.memref_squeeze %dma_wait3A_424 : memref<1x1x1x131072xf32, #tpu.memory_space<hbm>> -> memref<131072xf32, #tpu.memory_space<hbm>>
      tpu.wait_dma2 semaphore(%run_scoped3A_1 : memref<!tpu.dma_semaphore, #tpu.memory_space<semaphore_mem>>) src(%dma_wait3A_425 : memref<131072xf32, #tpu.memory_space<hbm>>) dst(%arg5 : memref<131072xf32, #tpu.memory_space<vmem_shared>>)
      %sub3A_426 = arith.constant 1 : i32
      %sub3A_427 = arith.subi %sub3A_426, %get3A_406 : i32
      %dma_start3A_428 = arith.constant 0 : i32
      %dma_start3A_429 = tpu.memref_slice %arg3[%select_n3A_388, %select_n3A_404, %sub3A_427, %dma_start3A_428] : memref<16x4x2x131072xf32, #tpu.memory_space<hbm>> -> memref<1x1x1x131072xf32, #tpu.memory_space<hbm>>
      %dma_start3A_430 = tpu.memref_squeeze %dma_start3A_429 : memref<1x1x1x131072xf32, #tpu.memory_space<hbm>> -> memref<131072xf32, #tpu.memory_space<hbm>>
      tpu.enqueue_dma source(%arg5 : memref<131072xf32, #tpu.memory_space<vmem_shared>>) target(%dma_start3A_430 : memref<131072xf32, #tpu.memory_space<hbm>>) target_semaphore(%run_scoped3A_3 : memref<!tpu.dma_semaphore, #tpu.memory_space<semaphore_mem>>)
      %dma_wait3A_431 = arith.constant 0 : i32
      %dma_wait3A_432 = tpu.memref_slice %arg3[%select_n3A_388, %select_n3A_404, %get3A_406, %dma_wait3A_431] : memref<16x4x2x131072xf32, #tpu.memory_space<hbm>> -> memref<1x1x1x131072xf32, #tpu.memory_space<hbm>>
      %dma_wait3A_433 = tpu.memref_squeeze %dma_wait3A_432 : memref<1x1x1x131072xf32, #tpu.memory_space<hbm>> -> memref<131072xf32, #tpu.memory_space<hbm>>
      tpu.wait_dma2 semaphore(%run_scoped3A_2 : memref<!tpu.dma_semaphore, #tpu.memory_space<semaphore_mem>>) src(%arg4 : memref<131072xf32, #tpu.memory_space<vmem_shared>>) dst(%dma_wait3A_433 : memref<131072xf32, #tpu.memory_space<hbm>>)
      %dma_wait3A_434 = arith.constant 0 : i32
      %dma_wait3A_435 = tpu.memref_slice %arg3[%select_n3A_388, %select_n3A_404, %sub3A_427, %dma_wait3A_434] : memref<16x4x2x131072xf32, #tpu.memory_space<hbm>> -> memref<1x1x1x131072xf32, #tpu.memory_space<hbm>>
      %dma_wait3A_436 = tpu.memref_squeeze %dma_wait3A_435 : memref<1x1x1x131072xf32, #tpu.memory_space<hbm>> -> memref<131072xf32, #tpu.memory_space<hbm>>
      tpu.wait_dma2 semaphore(%run_scoped3A_3 : memref<!tpu.dma_semaphore, #tpu.memory_space<semaphore_mem>>) src(%arg5 : memref<131072xf32, #tpu.memory_space<vmem_shared>>) dst(%dma_wait3A_436 : memref<131072xf32, #tpu.memory_space<hbm>>)
      %add3A_437 = arith.constant 6 : i32
      %add3A_438 = arith.addi %add3A_5, %add3A_437 : i32
      %jit3A_439 = arith.constant 4 : i32
      %div3A_440 = arith.divsi %add3A_438, %jit3A_439 : i32
      %sign3A_441 = arith.constant 0 : i32
      %sign3A_442 = arith.cmpi sgt, %add3A_438, %sign3A_441 : i32
      %sign3A_443 = arith.extui %sign3A_442 : i1 to i32
      %sign3A_444 = arith.constant 0 : i32
      %sign3A_445 = arith.cmpi slt, %add3A_438, %sign3A_444 : i32
      %sign3A_446 = arith.extui %sign3A_445 : i1 to i32
      %sign3A_447 = arith.subi %sign3A_443, %sign3A_446 : i32
      %sign3A_448 = arith.constant 0 : i32
      %sign3A_449 = arith.cmpi sgt, %jit3A_439, %sign3A_448 : i32
      %sign3A_450 = arith.extui %sign3A_449 : i1 to i32
      %sign3A_451 = arith.constant 0 : i32
      %sign3A_452 = arith.cmpi slt, %jit3A_439, %sign3A_451 : i32
      %sign3A_453 = arith.extui %sign3A_452 : i1 to i32
      %sign3A_454 = arith.subi %sign3A_450, %sign3A_453 : i32
      %ne3A_455 = arith.cmpi ne, %sign3A_447, %sign3A_454 : i32
      %rem3A_456 = arith.remsi %add3A_438, %jit3A_439 : i32
      %ne3A_457 = arith.constant 0 : i32
      %ne3A_458 = arith.cmpi ne, %rem3A_456, %ne3A_457 : i32
      %and3A_459 = arith.andi %ne3A_455, %ne3A_458 : i1
      %sub3A_460 = arith.constant 1 : i32
      %sub3A_461 = arith.subi %div3A_440, %sub3A_460 : i32
      %select_n3A_462 = arith.select %and3A_459, %sub3A_461, %div3A_440 : i32
      %jit3A_463 = arith.constant 4 : i32
      %eq3A_464 = arith.constant 0 : i32
      %eq3A_465 = arith.cmpi eq, %jit3A_463, %eq3A_464 : i32
      %jit3A_466 = arith.constant 1 : i32
      %select_n3A_467 = arith.select %eq3A_465, %jit3A_466, %jit3A_463 : i32
      %rem3A_468 = arith.remsi %add3A_438, %select_n3A_467 : i32
      %ne3A_469 = arith.constant 0 : i32
      %ne3A_470 = arith.cmpi ne, %rem3A_468, %ne3A_469 : i32
      %lt3A_471 = arith.constant 0 : i32
      %lt3A_472 = arith.cmpi slt, %rem3A_468, %lt3A_471 : i32
      %lt3A_473 = arith.constant 0 : i32
      %lt3A_474 = arith.cmpi slt, %select_n3A_467, %lt3A_473 : i32
      %ne3A_475 = arith.xori %lt3A_472, %lt3A_474 : i1
      %and3A_476 = arith.andi %ne3A_475, %ne3A_470 : i1
      %add3A_477 = arith.addi %rem3A_468, %select_n3A_467 : i32
      %select_n3A_478 = arith.select %and3A_476, %add3A_477, %rem3A_468 : i32
      %get3A_479 = arith.index_cast %add3A_438 : i32 to index
      %get3A_480 = memref.load %run_scoped3A[%get3A_479] : memref<64xi32, #tpu.memory_space<smem>>
      %dma_start3A_481 = arith.constant 0 : i32
      %dma_start3A_482 = arith.constant 0 : i32
      %dma_start3A_483 = tpu.memref_slice %arg1[%select_n3A_462, %select_n3A_478, %dma_start3A_481, %dma_start3A_482] : memref<16x4x2x131072xf32, #tpu.memory_space<hbm>> -> memref<1x1x1x131072xf32, #tpu.memory_space<hbm>>
      %dma_start3A_484 = tpu.memref_squeeze %dma_start3A_483 : memref<1x1x1x131072xf32, #tpu.memory_space<hbm>> -> memref<131072xf32, #tpu.memory_space<hbm>>
      tpu.enqueue_dma source(%dma_start3A_484 : memref<131072xf32, #tpu.memory_space<hbm>>) target(%arg4 : memref<131072xf32, #tpu.memory_space<vmem_shared>>) target_semaphore(%run_scoped3A_0 : memref<!tpu.dma_semaphore, #tpu.memory_space<semaphore_mem>>)
      %dma_start3A_485 = arith.constant 1 : i32
      %dma_start3A_486 = arith.constant 0 : i32
      %dma_start3A_487 = tpu.memref_slice %arg1[%select_n3A_462, %select_n3A_478, %dma_start3A_485, %dma_start3A_486] : memref<16x4x2x131072xf32, #tpu.memory_space<hbm>> -> memref<1x1x1x131072xf32, #tpu.memory_space<hbm>>
      %dma_start3A_488 = tpu.memref_squeeze %dma_start3A_487 : memref<1x1x1x131072xf32, #tpu.memory_space<hbm>> -> memref<131072xf32, #tpu.memory_space<hbm>>
      tpu.enqueue_dma source(%dma_start3A_488 : memref<131072xf32, #tpu.memory_space<hbm>>) target(%arg5 : memref<131072xf32, #tpu.memory_space<vmem_shared>>) target_semaphore(%run_scoped3A_1 : memref<!tpu.dma_semaphore, #tpu.memory_space<semaphore_mem>>)
      %dma_wait3A_489 = arith.constant 0 : i32
      %dma_wait3A_490 = arith.constant 0 : i32
      %dma_wait3A_491 = tpu.memref_slice %arg1[%select_n3A_462, %select_n3A_478, %dma_wait3A_489, %dma_wait3A_490] : memref<16x4x2x131072xf32, #tpu.memory_space<hbm>> -> memref<1x1x1x131072xf32, #tpu.memory_space<hbm>>
      %dma_wait3A_492 = tpu.memref_squeeze %dma_wait3A_491 : memref<1x1x1x131072xf32, #tpu.memory_space<hbm>> -> memref<131072xf32, #tpu.memory_space<hbm>>
      tpu.wait_dma2 semaphore(%run_scoped3A_0 : memref<!tpu.dma_semaphore, #tpu.memory_space<semaphore_mem>>) src(%dma_wait3A_492 : memref<131072xf32, #tpu.memory_space<hbm>>) dst(%arg4 : memref<131072xf32, #tpu.memory_space<vmem_shared>>)
      %dma_start3A_493 = arith.constant 0 : i32
      %dma_start3A_494 = tpu.memref_slice %arg3[%select_n3A_462, %select_n3A_478, %get3A_480, %dma_start3A_493] : memref<16x4x2x131072xf32, #tpu.memory_space<hbm>> -> memref<1x1x1x131072xf32, #tpu.memory_space<hbm>>
      %dma_start3A_495 = tpu.memref_squeeze %dma_start3A_494 : memref<1x1x1x131072xf32, #tpu.memory_space<hbm>> -> memref<131072xf32, #tpu.memory_space<hbm>>
      tpu.enqueue_dma source(%arg4 : memref<131072xf32, #tpu.memory_space<vmem_shared>>) target(%dma_start3A_495 : memref<131072xf32, #tpu.memory_space<hbm>>) target_semaphore(%run_scoped3A_2 : memref<!tpu.dma_semaphore, #tpu.memory_space<semaphore_mem>>)
      %dma_wait3A_496 = arith.constant 1 : i32
      %dma_wait3A_497 = arith.constant 0 : i32
      %dma_wait3A_498 = tpu.memref_slice %arg1[%select_n3A_462, %select_n3A_478, %dma_wait3A_496, %dma_wait3A_497] : memref<16x4x2x131072xf32, #tpu.memory_space<hbm>> -> memref<1x1x1x131072xf32, #tpu.memory_space<hbm>>
      %dma_wait3A_499 = tpu.memref_squeeze %dma_wait3A_498 : memref<1x1x1x131072xf32, #tpu.memory_space<hbm>> -> memref<131072xf32, #tpu.memory_space<hbm>>
      tpu.wait_dma2 semaphore(%run_scoped3A_1 : memref<!tpu.dma_semaphore, #tpu.memory_space<semaphore_mem>>) src(%dma_wait3A_499 : memref<131072xf32, #tpu.memory_space<hbm>>) dst(%arg5 : memref<131072xf32, #tpu.memory_space<vmem_shared>>)
      %sub3A_500 = arith.constant 1 : i32
      %sub3A_501 = arith.subi %sub3A_500, %get3A_480 : i32
      %dma_start3A_502 = arith.constant 0 : i32
      %dma_start3A_503 = tpu.memref_slice %arg3[%select_n3A_462, %select_n3A_478, %sub3A_501, %dma_start3A_502] : memref<16x4x2x131072xf32, #tpu.memory_space<hbm>> -> memref<1x1x1x131072xf32, #tpu.memory_space<hbm>>
      %dma_start3A_504 = tpu.memref_squeeze %dma_start3A_503 : memref<1x1x1x131072xf32, #tpu.memory_space<hbm>> -> memref<131072xf32, #tpu.memory_space<hbm>>
      tpu.enqueue_dma source(%arg5 : memref<131072xf32, #tpu.memory_space<vmem_shared>>) target(%dma_start3A_504 : memref<131072xf32, #tpu.memory_space<hbm>>) target_semaphore(%run_scoped3A_3 : memref<!tpu.dma_semaphore, #tpu.memory_space<semaphore_mem>>)
      %dma_wait3A_505 = arith.constant 0 : i32
      %dma_wait3A_506 = tpu.memref_slice %arg3[%select_n3A_462, %select_n3A_478, %get3A_480, %dma_wait3A_505] : memref<16x4x2x131072xf32, #tpu.memory_space<hbm>> -> memref<1x1x1x131072xf32, #tpu.memory_space<hbm>>
      %dma_wait3A_507 = tpu.memref_squeeze %dma_wait3A_506 : memref<1x1x1x131072xf32, #tpu.memory_space<hbm>> -> memref<131072xf32, #tpu.memory_space<hbm>>
      tpu.wait_dma2 semaphore(%run_scoped3A_2 : memref<!tpu.dma_semaphore, #tpu.memory_space<semaphore_mem>>) src(%arg4 : memref<131072xf32, #tpu.memory_space<vmem_shared>>) dst(%dma_wait3A_507 : memref<131072xf32, #tpu.memory_space<hbm>>)
      %dma_wait3A_508 = arith.constant 0 : i32
      %dma_wait3A_509 = tpu.memref_slice %arg3[%select_n3A_462, %select_n3A_478, %sub3A_501, %dma_wait3A_508] : memref<16x4x2x131072xf32, #tpu.memory_space<hbm>> -> memref<1x1x1x131072xf32, #tpu.memory_space<hbm>>
      %dma_wait3A_510 = tpu.memref_squeeze %dma_wait3A_509 : memref<1x1x1x131072xf32, #tpu.memory_space<hbm>> -> memref<131072xf32, #tpu.memory_space<hbm>>
      tpu.wait_dma2 semaphore(%run_scoped3A_3 : memref<!tpu.dma_semaphore, #tpu.memory_space<semaphore_mem>>) src(%arg5 : memref<131072xf32, #tpu.memory_space<vmem_shared>>) dst(%dma_wait3A_510 : memref<131072xf32, #tpu.memory_space<hbm>>)
      %add3A_511 = arith.constant 7 : i32
      %add3A_512 = arith.addi %add3A_5, %add3A_511 : i32
      %jit3A_513 = arith.constant 4 : i32
      %div3A_514 = arith.divsi %add3A_512, %jit3A_513 : i32
      %sign3A_515 = arith.constant 0 : i32
      %sign3A_516 = arith.cmpi sgt, %add3A_512, %sign3A_515 : i32
      %sign3A_517 = arith.extui %sign3A_516 : i1 to i32
      %sign3A_518 = arith.constant 0 : i32
      %sign3A_519 = arith.cmpi slt, %add3A_512, %sign3A_518 : i32
      %sign3A_520 = arith.extui %sign3A_519 : i1 to i32
      %sign3A_521 = arith.subi %sign3A_517, %sign3A_520 : i32
      %sign3A_522 = arith.constant 0 : i32
      %sign3A_523 = arith.cmpi sgt, %jit3A_513, %sign3A_522 : i32
      %sign3A_524 = arith.extui %sign3A_523 : i1 to i32
      %sign3A_525 = arith.constant 0 : i32
      %sign3A_526 = arith.cmpi slt, %jit3A_513, %sign3A_525 : i32
      %sign3A_527 = arith.extui %sign3A_526 : i1 to i32
      %sign3A_528 = arith.subi %sign3A_524, %sign3A_527 : i32
      %ne3A_529 = arith.cmpi ne, %sign3A_521, %sign3A_528 : i32
      %rem3A_530 = arith.remsi %add3A_512, %jit3A_513 : i32
      %ne3A_531 = arith.constant 0 : i32
      %ne3A_532 = arith.cmpi ne, %rem3A_530, %ne3A_531 : i32
      %and3A_533 = arith.andi %ne3A_529, %ne3A_532 : i1
      %sub3A_534 = arith.constant 1 : i32
      %sub3A_535 = arith.subi %div3A_514, %sub3A_534 : i32
      %select_n3A_536 = arith.select %and3A_533, %sub3A_535, %div3A_514 : i32
      %jit3A_537 = arith.constant 4 : i32
      %eq3A_538 = arith.constant 0 : i32
      %eq3A_539 = arith.cmpi eq, %jit3A_537, %eq3A_538 : i32
      %jit3A_540 = arith.constant 1 : i32
      %select_n3A_541 = arith.select %eq3A_539, %jit3A_540, %jit3A_537 : i32
      %rem3A_542 = arith.remsi %add3A_512, %select_n3A_541 : i32
      %ne3A_543 = arith.constant 0 : i32
      %ne3A_544 = arith.cmpi ne, %rem3A_542, %ne3A_543 : i32
      %lt3A_545 = arith.constant 0 : i32
      %lt3A_546 = arith.cmpi slt, %rem3A_542, %lt3A_545 : i32
      %lt3A_547 = arith.constant 0 : i32
      %lt3A_548 = arith.cmpi slt, %select_n3A_541, %lt3A_547 : i32
      %ne3A_549 = arith.xori %lt3A_546, %lt3A_548 : i1
      %and3A_550 = arith.andi %ne3A_549, %ne3A_544 : i1
      %add3A_551 = arith.addi %rem3A_542, %select_n3A_541 : i32
      %select_n3A_552 = arith.select %and3A_550, %add3A_551, %rem3A_542 : i32
      %get3A_553 = arith.index_cast %add3A_512 : i32 to index
      %get3A_554 = memref.load %run_scoped3A[%get3A_553] : memref<64xi32, #tpu.memory_space<smem>>
      %dma_start3A_555 = arith.constant 0 : i32
      %dma_start3A_556 = arith.constant 0 : i32
      %dma_start3A_557 = tpu.memref_slice %arg1[%select_n3A_536, %select_n3A_552, %dma_start3A_555, %dma_start3A_556] : memref<16x4x2x131072xf32, #tpu.memory_space<hbm>> -> memref<1x1x1x131072xf32, #tpu.memory_space<hbm>>
      %dma_start3A_558 = tpu.memref_squeeze %dma_start3A_557 : memref<1x1x1x131072xf32, #tpu.memory_space<hbm>> -> memref<131072xf32, #tpu.memory_space<hbm>>
      tpu.enqueue_dma source(%dma_start3A_558 : memref<131072xf32, #tpu.memory_space<hbm>>) target(%arg4 : memref<131072xf32, #tpu.memory_space<vmem_shared>>) target_semaphore(%run_scoped3A_0 : memref<!tpu.dma_semaphore, #tpu.memory_space<semaphore_mem>>)
      %dma_start3A_559 = arith.constant 1 : i32
      %dma_start3A_560 = arith.constant 0 : i32
      %dma_start3A_561 = tpu.memref_slice %arg1[%select_n3A_536, %select_n3A_552, %dma_start3A_559, %dma_start3A_560] : memref<16x4x2x131072xf32, #tpu.memory_space<hbm>> -> memref<1x1x1x131072xf32, #tpu.memory_space<hbm>>
      %dma_start3A_562 = tpu.memref_squeeze %dma_start3A_561 : memref<1x1x1x131072xf32, #tpu.memory_space<hbm>> -> memref<131072xf32, #tpu.memory_space<hbm>>
      tpu.enqueue_dma source(%dma_start3A_562 : memref<131072xf32, #tpu.memory_space<hbm>>) target(%arg5 : memref<131072xf32, #tpu.memory_space<vmem_shared>>) target_semaphore(%run_scoped3A_1 : memref<!tpu.dma_semaphore, #tpu.memory_space<semaphore_mem>>)
      %dma_wait3A_563 = arith.constant 0 : i32
      %dma_wait3A_564 = arith.constant 0 : i32
      %dma_wait3A_565 = tpu.memref_slice %arg1[%select_n3A_536, %select_n3A_552, %dma_wait3A_563, %dma_wait3A_564] : memref<16x4x2x131072xf32, #tpu.memory_space<hbm>> -> memref<1x1x1x131072xf32, #tpu.memory_space<hbm>>
      %dma_wait3A_566 = tpu.memref_squeeze %dma_wait3A_565 : memref<1x1x1x131072xf32, #tpu.memory_space<hbm>> -> memref<131072xf32, #tpu.memory_space<hbm>>
      tpu.wait_dma2 semaphore(%run_scoped3A_0 : memref<!tpu.dma_semaphore, #tpu.memory_space<semaphore_mem>>) src(%dma_wait3A_566 : memref<131072xf32, #tpu.memory_space<hbm>>) dst(%arg4 : memref<131072xf32, #tpu.memory_space<vmem_shared>>)
      %dma_start3A_567 = arith.constant 0 : i32
      %dma_start3A_568 = tpu.memref_slice %arg3[%select_n3A_536, %select_n3A_552, %get3A_554, %dma_start3A_567] : memref<16x4x2x131072xf32, #tpu.memory_space<hbm>> -> memref<1x1x1x131072xf32, #tpu.memory_space<hbm>>
      %dma_start3A_569 = tpu.memref_squeeze %dma_start3A_568 : memref<1x1x1x131072xf32, #tpu.memory_space<hbm>> -> memref<131072xf32, #tpu.memory_space<hbm>>
      tpu.enqueue_dma source(%arg4 : memref<131072xf32, #tpu.memory_space<vmem_shared>>) target(%dma_start3A_569 : memref<131072xf32, #tpu.memory_space<hbm>>) target_semaphore(%run_scoped3A_2 : memref<!tpu.dma_semaphore, #tpu.memory_space<semaphore_mem>>)
      %dma_wait3A_570 = arith.constant 1 : i32
      %dma_wait3A_571 = arith.constant 0 : i32
      %dma_wait3A_572 = tpu.memref_slice %arg1[%select_n3A_536, %select_n3A_552, %dma_wait3A_570, %dma_wait3A_571] : memref<16x4x2x131072xf32, #tpu.memory_space<hbm>> -> memref<1x1x1x131072xf32, #tpu.memory_space<hbm>>
      %dma_wait3A_573 = tpu.memref_squeeze %dma_wait3A_572 : memref<1x1x1x131072xf32, #tpu.memory_space<hbm>> -> memref<131072xf32, #tpu.memory_space<hbm>>
      tpu.wait_dma2 semaphore(%run_scoped3A_1 : memref<!tpu.dma_semaphore, #tpu.memory_space<semaphore_mem>>) src(%dma_wait3A_573 : memref<131072xf32, #tpu.memory_space<hbm>>) dst(%arg5 : memref<131072xf32, #tpu.memory_space<vmem_shared>>)
      %sub3A_574 = arith.constant 1 : i32
      %sub3A_575 = arith.subi %sub3A_574, %get3A_554 : i32
      %dma_start3A_576 = arith.constant 0 : i32
      %dma_start3A_577 = tpu.memref_slice %arg3[%select_n3A_536, %select_n3A_552, %sub3A_575, %dma_start3A_576] : memref<16x4x2x131072xf32, #tpu.memory_space<hbm>> -> memref<1x1x1x131072xf32, #tpu.memory_space<hbm>>
      %dma_start3A_578 = tpu.memref_squeeze %dma_start3A_577 : memref<1x1x1x131072xf32, #tpu.memory_space<hbm>> -> memref<131072xf32, #tpu.memory_space<hbm>>
      tpu.enqueue_dma source(%arg5 : memref<131072xf32, #tpu.memory_space<vmem_shared>>) target(%dma_start3A_578 : memref<131072xf32, #tpu.memory_space<hbm>>) target_semaphore(%run_scoped3A_3 : memref<!tpu.dma_semaphore, #tpu.memory_space<semaphore_mem>>)
      %dma_wait3A_579 = arith.constant 0 : i32
      %dma_wait3A_580 = tpu.memref_slice %arg3[%select_n3A_536, %select_n3A_552, %get3A_554, %dma_wait3A_579] : memref<16x4x2x131072xf32, #tpu.memory_space<hbm>> -> memref<1x1x1x131072xf32, #tpu.memory_space<hbm>>
      %dma_wait3A_581 = tpu.memref_squeeze %dma_wait3A_580 : memref<1x1x1x131072xf32, #tpu.memory_space<hbm>> -> memref<131072xf32, #tpu.memory_space<hbm>>
      tpu.wait_dma2 semaphore(%run_scoped3A_2 : memref<!tpu.dma_semaphore, #tpu.memory_space<semaphore_mem>>) src(%arg4 : memref<131072xf32, #tpu.memory_space<vmem_shared>>) dst(%dma_wait3A_581 : memref<131072xf32, #tpu.memory_space<hbm>>)
      %dma_wait3A_582 = arith.constant 0 : i32
      %dma_wait3A_583 = tpu.memref_slice %arg3[%select_n3A_536, %select_n3A_552, %sub3A_575, %dma_wait3A_582] : memref<16x4x2x131072xf32, #tpu.memory_space<hbm>> -> memref<1x1x1x131072xf32, #tpu.memory_space<hbm>>
      %dma_wait3A_584 = tpu.memref_squeeze %dma_wait3A_583 : memref<1x1x1x131072xf32, #tpu.memory_space<hbm>> -> memref<131072xf32, #tpu.memory_space<hbm>>
      tpu.wait_dma2 semaphore(%run_scoped3A_3 : memref<!tpu.dma_semaphore, #tpu.memory_space<semaphore_mem>>) src(%arg5 : memref<131072xf32, #tpu.memory_space<vmem_shared>>) dst(%dma_wait3A_584 : memref<131072xf32, #tpu.memory_space<hbm>>)
      tpu.yield
    }) : () -> ()
    return
  }
}

</mosaic_0001>

<sc_bundles>
// kernel: _flip.3.cloned.1.call-start
scs
__scs_entry_jumppad:
0x0: {  	(pc) =	sbr.rel $0x88, $3  }
0x1: {  	(tag) =	ssettag $0x0;
	lr =	simm.s32 $0x1  }
0x2: {  	[smem:$0x3F9F] =	sst lr;
	_ =	strace $0xD0000000  }
0x3: {  	_ = 	snop  }
0x4: {  	_ = 	snop  }
0x5: {  	_ = 	snop  }
0x6: {  	_ = 	snop  }
0x7: {  	_ = 	snop  }
__scs_overlays_trampoline_lowered:
0x8: {  	[smem:$0x3FAE] =	sst s0  }
0x9: {  	[smem:$0x3FAF] =	sst s1  }
0xa: {  	[smem:$0x3FB0] =	sst s2  }
0xb: {  	[smem:$0x3FB1] =	sst s3  }
0xc: {  	[smem:$0x3FB2] =	sst s4  }
0xd: {  	[smem:$0x3FB3] =	sst s5  }
0xe: {  	[smem:$0x3FB4] =	sst s6  }
0xf: {  	[smem:$0x3FB5] =	sst s7  }
0x10: {  	[smem:$0x3FB6] =	sst s8  }
0x11: {  	[smem:$0x3FB7] =	sst s9;
	s0 =	simm.s32 @!p0 $0x0  }
0x12: {  	s1 =	sld [smem:$0x3F9D];
	s0 =	simm.s32 @p0 $0x1  }
0x13: {  	[smem:$0x3FB8] =	sst s0;
	s0 =	simm.s32 @!p1 $0x0  }
0x14: {  	s2 =	sld [smem:$0x3F9C];
	s0 =	simm.s32 @p1 $0x1  }
0x15: {  	[smem:$0x3FB9] =	sst s0;
	s0 =	simm.s32 @!p2 $0x0  }
0x16: {  	s3 =	sld [smem:$0x3FDB];
	s0 =	simm.s32 @p2 $0x1  }
0x17: {  	s4 =	simm.s32 $0x1BF5;
	[smem:$0x3FBB] =	sst s0  }
0x18: {  	s0 =	sld [smem:$0x3F9E];
	_ =	swait.ge [sflag:s4], $0x0  }
0x19: {  	s7 =	sld [smem:$0x3F9F]  }
0x1a: {  	s8 =	sadd.s32 $0xFFFFE003, lr  }
0x1b: {  	s9 =	sadd.s32 $0xFFFFFEF7, lr;
	s5 =	simm.s32 $0xFFFFFFFF;
	p2 =	slt.u32 s8, $0xFFFFF086  }
0x1c: {  	p1 =	slt.u32 s9, $0xF7A;
	s5 =	simm.s32 @!p2 $0x0  }
0x1d: {  	s5 =	simm.s32 @p1 $0x1;
	p0 =	seq.s32 s7, s2  }
0x1e: {  	s7 =	smul.u32 @!p0 $0xF7A, s2;
	p2 =	seq.s32 @!p0 s5, $0x0  }
0x1f: {  	s9 =	smul.u32 $0xF7A, s1;
	s8 =	simm.s32 @!p0 $0x1BF5;
	p2 =	por !p2, p0  }
0x20: {  	[sflag:s8] =	ssyncset.s32 @!p0 $0xFFFFF086;
	s6 =	sadd.s32 @!p0 s3, s7;
	s7 =	simm.s32 @!p0 $0x108  }
0x21: {  	s3 =	sadd.s32 s3, s9;
	s6 =	sadd.s32 @!p0 $0x88, s6;
	s7 =	simm.s32 @p2 $0x1082  }
0x22: {  	[simem:s7], [sflag:s8] =	dma.local @!p0 [hbm:s6], $0xF7A  }
0x23: {  	s9 =	sor.u32 $0xD0000000, s2;
	s6 =	simm.s32 $0x108;
	_ =	swait.ge @!p0 [sflag:s8], $0x0  }
0x24: {  	s3 =	sadd.s32 $0x88, s3;
	s6 =	simm.s32 @!p1 $0x1082;
	[sflag:s4] =	ssyncset.s32 $0xFFFFF086  }
0x25: {  	[simem:s6], [sflag:s4] =	dma.local [hbm:s3], $0xF7A  }
0x26: {  	[smem:$0x3F9F] =	sst s1;
	(tag) =	ssettag s2;
	_ =	strace s9  }
0x27: {  	s1 =	sld [smem:$0x3FAF]  }
0x28: {  	s2 =	sld [smem:$0x3FB0]  }
0x29: {  	s4 =	sld [smem:$0x3FB2]  }
0x2a: {  	p0 =	seq.s32 s5, $0x0;
	s5 =	sld [smem:$0x3FB3]  }
0x2b: {  	s6 =	sld [smem:$0x3FB4]  }
0x2c: {  	s7 =	sld [smem:$0x3FB5]  }
0x2d: {  	s3 =	simm.s32 $0x108;
	s8 =	sld [smem:$0x3FB6]  }
0x2e: {  	s3 =	simm.s32 @!p0 $0x1082;
	s9 =	sld [smem:$0x3FB7]  }
0x2f: {  	lr =	sadd.s32 s0, s3;
	s0 =	sld [smem:$0x3FAE]  }
0x30: {  	s3 =	sld [smem:$0x3FB1]  }
0x31: {  	[smem:$0x3FBA] =	sst s10  }
0x32: {  	s10 =	sld [smem:$0x3FB8];
	_ =	sdelay $0x3  }
0x33: {  	p0 =	seq.s32 s10, $0x1;
	s10 =	sld [smem:$0x3FBA];
	_ =	sdelay $0x3  }
0x34: {  	[smem:$0x3FBA] =	sst s10  }
0x35: {  	s10 =	sld [smem:$0x3FB9];
	_ =	sdelay $0x3  }
0x36: {  	p1 =	seq.s32 s10, $0x1;
	s10 =	sld [smem:$0x3FBA];
	_ =	sdelay $0x3  }
0x37: {  	[smem:$0x3FBA] =	sst s10  }
0x38: {  	s10 =	sld [smem:$0x3FBB]  }
0x39: {  	_ = 	snop;
	(pc) =	sbr.ind lr, $3  }
0x3a: {  	_ = 	snop  }
0x3b: {  	_ = 	snop  }
0x3c: {  	p2 =	seq.s32 s10, $0x1;
	s10 =	sld [smem:$0x3FBA]  }
0x3d: {  	_ =	shalt  }
0x3e: {  	_ =	shalt  }
0x3f: {  	_ =	shalt  }
0x40: {  	_ =	shalt  }
0x41: {  	_ =	shalt  }
0x42: {  	_ =	shalt  }
0x43: {  	_ =	shalt  }
0x44: {  	_ =	shalt  }
0x45: {  	_ =	shalt  }
0x46: {  	_ =	shalt  }
0x47: {  	_ =	shalt  }
0x48: {  	_ =	shalt  }
0x49: {  	_ =	shalt  }
0x4a: {  	_ =	shalt  }
0x4b: {  	_ =	shalt  }
0x4c: {  	_ =	shalt  }
0x4d: {  	_ =	shalt  }
0x4e: {  	_ =	shalt  }
0x4f: {  	_ =	shalt  }
0x50: {  	_ =	shalt  }
0x51: {  	_ =	shalt  }
0x52: {  	_ =	shalt  }
0x53: {  	_ =	shalt  }
0x54: {  	_ =	shalt  }
0x55: {  	_ =	shalt  }
0x56: {  	_ =	shalt  }
0x57: {  	_ =	shalt  }
0x58: {  	_ =	shalt  }
0x59: {  	_ =	shalt  }
0x5a: {  	_ =	shalt  }
0x5b: {  	_ =	shalt  }
0x5c: {  	_ =	shalt  }
0x5d: {  	_ =	shalt  }
0x5e: {  	_ =	shalt  }
0x5f: {  	_ =	shalt  }
0x60: {  	_ =	shalt  }
0x61: {  	_ =	shalt  }
0x62: {  	_ =	shalt  }
0x63: {  	_ =	shalt  }
0x64: {  	_ =	shalt  }
0x65: {  	_ =	shalt  }
0x66: {  	_ =	shalt  }
0x67: {  	_ =	shalt  }
0x68: {  	_ =	shalt  }
0x69: {  	_ =	shalt  }
0x6a: {  	_ =	shalt  }
0x6b: {  	_ =	shalt  }
0x6c: {  	_ =	shalt  }
0x6d: {  	_ =	shalt  }
0x6e: {  	_ =	shalt  }
0x6f: {  	_ =	shalt  }
0x70: {  	_ =	shalt  }
0x71: {  	_ =	shalt  }
0x72: {  	_ =	shalt  }
0x73: {  	_ =	shalt  }
0x74: {  	_ =	shalt  }
0x75: {  	_ =	shalt  }
0x76: {  	_ =	shalt  }
0x77: {  	_ =	shalt  }
0x78: {  	_ =	shalt  }
0x79: {  	_ =	shalt  }
0x7a: {  	_ =	shalt  }
0x7b: {  	_ =	shalt  }
0x7c: {  	_ =	shalt  }
0x7d: {  	_ =	shalt  }
0x7e: {  	_ =	shalt  }
0x7f: {  	_ =	shalt  }
0x80: {  	_ =	shalt  }
0x81: {  	_ =	shalt  }
0x82: {  	_ =	shalt  }
0x83: {  	_ =	shalt  }
0x84: {  	_ =	shalt  }
0x85: {  	_ =	shalt  }
0x86: {  	_ =	shalt  }
0x87: {  	_ =	shalt  }
.Lfunc_end0:
.L_simem_size_0:
called_computation_lowered:
.L_overlay_start_0:
0x88: {  	s1 =	sld [smem:$0x3FD9]  }
0x89: {  	s3 =	sld [smem:$0x3FFE];
	_ =	sdelay $0x1  }
0x8a: {  	s2 =	srdreg.scid  }
0x8b: {  	s0 =	sand.u32 $0x1, s2  }
0x8c: {  	s13 =	sshll.u32 s0, $0xA;
	s1 =	sadd.s32 s3, s1  }
0x8d: {  	s1 =	sadd.s32 s1, s13  }
0x8e: {  	[smem:$0x3FC6] =	sst s1  }
0x8f: {  	_ = 	snop  }
0x90: {  	s4 =	sld [smem:$0x3FC9]  }
0x91: {  	s1 =	simm.s32 $0x0;
	s6 =	sld [smem:$0x3FC8]  }
0x92: {  	[smem:$0xF] =	sst s1  }
0x93: {  	s3 =	sld [smem:$0x3FD0];
	(tm) =	ssettm $0x1  }
0x94: {  	s5 =	sld [smem:$0x3FFB];
	_ =	sdelay $0x3  }
0x95: {  	_ =	strace s5  }
0x96: {  	s5 =	sld [smem:$0x3FFC];
	_ =	sdelay $0x3  }
0x97: {  	_ =	strace s5  }
0x98: {  	s5 =	sld [smem:$0x3FFD];
	_ =	sdelay $0x3  }
0x99: {  	_ =	strace s5  }
0x9a: {  	_ =	strace $0x8FFFFFFF  }
0x9b: {  	s14 =	sld [smem:$0x3FDB];
	_ =	sdelay $0x2  }
0x9c: {  	s7 =	simm.s32 $_scs_section_size;
	s8 =	simm.s32 $_tile_overlayer_lowered  }
0x9d: {  	s15 =	simm.s32 $_size__tile_overlayer_lowered;
	s8 =	sshll.u32 s8, $0x1;
	s5 =	sadd.s32 s7, s14  }
0x9e: {  	s9 =	simm.s32 $0x1BFF;
	s7 =	sshll.u32 s15, $0x1;
	s8 =	sadd.s32 s8, s5  }
0x9f: {  	[timem:s1], [sflag:s9] =	dma.local [hbm:s8], s7  }
0xa0: {  	_ =	swait.ge [sflag:s9], s7  }
0xa1: {  	s7 =	ssub.s32 $0x0, s7;
	[sflag:s9] =	ssyncset.done $0x0  }
0xa2: {  	[sflag:s9] =	ssyncadd.s32 s7;
	_ =	sdelay $0x1  }
0xa3: {  	s16 =	simm.s32 $0x1B8B  }
0xa4: {  	_ =	swait.ge [sflag:s16], $0x1  }
0xa5: {  	[sflag:s16] =	ssyncset.done $0x0  }
0xa6: {  	s17 =	simm.s32 $0x1B8E;
	[sflag:s16] =	ssyncadd.s32 $0xFFFFFFFF  }
0xa7: {  	s18 =	simm.s32 $execute0_lowered;
	[smem:$0x3FD2] =	sst s17  }
0xa8: {  	s7 =	sshll.u32 s18, $0x1;
	_ =	strace $0x80000046;
	[dreg:$0x1] =	wrdreg $0xFFFFFFFF  }
0xa9: {  	s19 =	simm.s32 $_size_execute0_lowered;
	s5 =	sadd.s32 s5, s7;
	[dreg:$0x0] =	wrdreg $0x0  }
0xaa: {  	s7 =	sshll.u32 s19, $0x1;
	[dreg:$0x2] =	wrdreg s5  }
0xab: {  	[dreg:$0x3] =	wrdreg s7  }
0xac: {  	[dreg:$0x4] =	wrdreg $0xC0  }
0xad: {  	_ =	task [dreg:s1], $0x5FFFF  }
0xae: {  	[dreg:$0x1] =	wrdreg $0xFFFFFFFF  }
0xaf: {  	[dreg:$0x0] =	wrdreg $0x60  }
0xb0: {  	[dreg:$0x2] =	wrdreg s4  }
0xb1: {  	[dreg:$0x3] =	wrdreg s6  }
0xb2: {  	[dreg:$0x4] =	wrdreg s3  }
0xb3: {  	s20 =	simm.s32 $0xE;
	[dreg:$0x5] =	wrdreg $0x9  }
0xb4: {  	s12 =	sshll.u32 s0, $0x3;
	s5 =	simm.s32 $0x10;
	_ =	task.clear_ibuf [dreg:s1], $0x6FFFF  }
0xb5: {  	[smem:s5], [sflag:s20] =	dma.local [hbm:s6], $0x10  }
0xb6: {  	s11 =	sor.u32 $0x30, s12;
	_ =	swait.ge [sflag:s20], $0x10  }
0xb7: {  	s10 =	simm.s32 $0xA;
	s22 =	sshll.u32 s11, $0xF;
	[sflag:s20] =	ssyncset.done $0x0  }
0xb8: {  	s21 =	sor.u32 $0x40, s12;
	s23 =	sadd.s32 s22, s4;
	[sflag:s20] =	ssyncadd.s32 $0xFFFFFFF0  }
0xb9: {  	s14 =	sadd.s32 $0x10, s23;
	s8 =	simm.s32 $0x4000;
	s13 =	sld [smem:s21+$0x0]  }
0xba: {  	s9 =	simm.s32 $0xB;
	s7 =	simm.s32 $0x20;
	s6 =	simm.s32 $0x1  }
0xbb: {  	[spmem:s1@s5], [sflag:s10] =	dma.strided [hbm:s23@s7], $0x4000, s6, $0x10   }
0xbc: {  	[spmem:s8@s5], [sflag:s9] =	dma.strided [hbm:s14@s7], $0x4000, s6, $0x10   }
0xbd: {  	s15 =	sshll.u32 s11, $0x12;
	s24 =	sshll.u32 s13, $0x11  }
0xbe: {  	_ =	swait.ge [sflag:s10], $0x4000;
	s26 =	sshll.u32 s13, $0x7;
	s25 =	sand.u32 $0xFFFC0000, s24  }
0xbf: {  	[sflag:s10] =	ssyncset.done $0x0;
	s14 =	sand.u32 $0x80, s26;
	s11 =	sadd.s32 s15, s25  }
0xc0: {  	[sflag:s10] =	ssyncadd.s32 $0xFFFFC000;
	s13 =	ssub.s32 $0x1, s13;
	s11 =	sor.u32 s14, s11  }
0xc1: {  	s29 =	sshll.u32 s13, $0x11;
	s13 =	sshll.u32 s13, $0x7;
	s11 =	sshrl.u32 s11, $0x3  }
0xc2: {  	s14 =	sand.u32 $0xFFFC0000, s29;
	s28 =	sadd.s32 s3, s11;
	s11 =	simm.s32 $0xC  }
0xc3: {  	[hbm:s28@s7], [sflag:s11] =	dma.strided [spmem:s1@s5], $0x4000, s6, $0x10   }
0xc4: {  	s13 =	sand.u32 $0x80, s13;
	s14 =	sadd.s32 s15, s14;
	_ =	swait.ge [sflag:s9], $0x4000  }
0xc5: {  	s13 =	sor.u32 s13, s14;
	[sflag:s9] =	ssyncset.done $0x0  }
0xc6: {  	s13 =	sshrl.u32 s13, $0x3;
	[sflag:s9] =	ssyncadd.s32 $0xFFFFC000  }
0xc7: {  	s30 =	sadd.s32 s3, s13;
	s13 =	simm.s32 $0xD  }
0xc8: {  	[hbm:s30@s7], [sflag:s13] =	dma.strided [spmem:s8@s5], $0x4000, s6, $0x10   }
0xc9: {  	_ =	swait.ge [sflag:s11], $0x4000  }
0xca: {  	[sflag:s11] =	ssyncset.done $0x0  }
0xcb: {  	[sflag:s11] =	ssyncadd.s32 $0xFFFFC000;
	_ =	sdelay $0x2  }
0xcc: {  	_ =	swait.ge [sflag:s13], $0x4000  }
0xcd: {  	s31 =	sor.u32 $0x31, s12;
	[sflag:s13] =	ssyncset.done $0x0  }
0xce: {  	s16 =	sshll.u32 s31, $0xF;
	s17 =	sor.u32 $0x41, s12;
	[sflag:s13] =	ssyncadd.s32 $0xFFFFC000  }
0xcf: {  	s16 =	sadd.s32 s16, s4;
	s15 =	sld [smem:s17+$0x0]  }
0xd0: {  	[spmem:s1@s5], [sflag:s10] =	dma.strided [hbm:s16@s7], $0x4000, s6, $0x10   }
0xd1: {  	s16 =	sadd.s32 $0x10, s16  }
0xd2: {  	[spmem:s8@s5], [sflag:s9] =	dma.strided [hbm:s16@s7], $0x4000, s6, $0x10   }
0xd3: {  	s18 =	sshll.u32 s15, $0x11  }
0xd4: {  	s14 =	sshll.u32 s31, $0x12;
	s17 =	sshll.u32 s15, $0x7;
	s16 =	sand.u32 $0xFFFC0000, s18  }
0xd5: {  	s17 =	sand.u32 $0x80, s17;
	s16 =	sadd.s32 s14, s16  }
0xd6: {  	_ =	swait.ge [sflag:s10], $0x4000;
	s16 =	sor.u32 s17, s16  }
0xd7: {  	[sflag:s10] =	ssyncset.done $0x0;
	s15 =	ssub.s32 $0x1, s15;
	s16 =	sshrl.u32 s16, $0x3  }
0xd8: {  	[sflag:s10] =	ssyncadd.s32 $0xFFFFC000;
	s19 =	sshll.u32 s15, $0x11;
	s16 =	sadd.s32 s3, s16  }
0xd9: {  	[hbm:s16@s7], [sflag:s11] =	dma.strided [spmem:s1@s5], $0x4000, s6, $0x10   }
0xda: {  	s15 =	sshll.u32 s15, $0x7;
	s16 =	sand.u32 $0xFFFC0000, s19  }
0xdb: {  	s15 =	sand.u32 $0x80, s15;
	s14 =	sadd.s32 s14, s16;
	_ =	swait.ge [sflag:s9], $0x4000  }
0xdc: {  	s14 =	sor.u32 s15, s14;
	[sflag:s9] =	ssyncset.done $0x0  }
0xdd: {  	s14 =	sshrl.u32 s14, $0x3;
	[sflag:s9] =	ssyncadd.s32 $0xFFFFC000  }
0xde: {  	s14 =	sadd.s32 s3, s14  }
0xdf: {  	[hbm:s14@s7], [sflag:s13] =	dma.strided [spmem:s8@s5], $0x4000, s6, $0x10   }
0xe0: {  	_ =	swait.ge [sflag:s11], $0x4000  }
0xe1: {  	[sflag:s11] =	ssyncset.done $0x0  }
0xe2: {  	[sflag:s11] =	ssyncadd.s32 $0xFFFFC000;
	_ =	sdelay $0x2  }
0xe3: {  	_ =	swait.ge [sflag:s13], $0x4000  }
0xe4: {  	s20 =	sor.u32 $0x32, s12;
	[sflag:s13] =	ssyncset.done $0x0  }
0xe5: {  	s21 =	sor.u32 $0x42, s12;
	s22 =	sshll.u32 s20, $0xF;
	[sflag:s13] =	ssyncadd.s32 $0xFFFFC000  }
0xe6: {  	s16 =	sadd.s32 s22, s4;
	s15 =	sld [smem:s21+$0x0]  }
0xe7: {  	[spmem:s1@s5], [sflag:s10] =	dma.strided [hbm:s16@s7], $0x4000, s6, $0x10   }
0xe8: {  	s16 =	sadd.s32 $0x10, s16  }
0xe9: {  	[spmem:s8@s5], [sflag:s9] =	dma.strided [hbm:s16@s7], $0x4000, s6, $0x10   }
0xea: {  	s23 =	sshll.u32 s15, $0x11  }
0xeb: {  	s14 =	sshll.u32 s20, $0x12;
	s24 =	sshll.u32 s15, $0x7;
	s16 =	sand.u32 $0xFFFC0000, s23  }
0xec: {  	s17 =	sand.u32 $0x80, s24;
	s16 =	sadd.s32 s14, s16  }
0xed: {  	_ =	swait.ge [sflag:s10], $0x4000;
	s16 =	sor.u32 s17, s16  }
0xee: {  	[sflag:s10] =	ssyncset.done $0x0;
	s15 =	ssub.s32 $0x1, s15;
	s16 =	sshrl.u32 s16, $0x3  }
0xef: {  	[sflag:s10] =	ssyncadd.s32 $0xFFFFC000;
	s25 =	sshll.u32 s15, $0x11;
	s16 =	sadd.s32 s3, s16  }
0xf0: {  	[hbm:s16@s7], [sflag:s11] =	dma.strided [spmem:s1@s5], $0x4000, s6, $0x10   }
0xf1: {  	s15 =	sshll.u32 s15, $0x7;
	s16 =	sand.u32 $0xFFFC0000, s25  }
0xf2: {  	s15 =	sand.u32 $0x80, s15;
	s14 =	sadd.s32 s14, s16;
	_ =	swait.ge [sflag:s9], $0x4000  }
0xf3: {  	s14 =	sor.u32 s15, s14;
	[sflag:s9] =	ssyncset.done $0x0  }
0xf4: {  	s14 =	sshrl.u32 s14, $0x3;
	[sflag:s9] =	ssyncadd.s32 $0xFFFFC000  }
0xf5: {  	s14 =	sadd.s32 s3, s14  }
0xf6: {  	[hbm:s14@s7], [sflag:s13] =	dma.strided [spmem:s8@s5], $0x4000, s6, $0x10   }
0xf7: {  	_ =	swait.ge [sflag:s11], $0x4000  }
0xf8: {  	[sflag:s11] =	ssyncset.done $0x0  }
0xf9: {  	[sflag:s11] =	ssyncadd.s32 $0xFFFFC000;
	_ =	sdelay $0x2  }
0xfa: {  	_ =	swait.ge [sflag:s13], $0x4000  }
0xfb: {  	s26 =	sor.u32 $0x33, s12;
	[sflag:s13] =	ssyncset.done $0x0  }
0xfc: {  	s29 =	sshll.u32 s26, $0xF;
	s28 =	sor.u32 $0x43, s12;
	[sflag:s13] =	ssyncadd.s32 $0xFFFFC000  }
0xfd: {  	s16 =	sadd.s32 s29, s4;
	s15 =	sld [smem:s28+$0x0]  }
0xfe: {  	[spmem:s1@s5], [sflag:s10] =	dma.strided [hbm:s16@s7], $0x4000, s6, $0x10   }
0xff: {  	s16 =	sadd.s32 $0x10, s16  }
0x100: {  	[spmem:s8@s5], [sflag:s9] =	dma.strided [hbm:s16@s7], $0x4000, s6, $0x10   }
0x101: {  	s30 =	sshll.u32 s15, $0x11  }
0x102: {  	s14 =	sshll.u32 s26, $0x12;
	s31 =	sshll.u32 s15, $0x7;
	s16 =	sand.u32 $0xFFFC0000, s30  }
0x103: {  	s17 =	sand.u32 $0x80, s31;
	s16 =	sadd.s32 s14, s16  }
0x104: {  	_ =	swait.ge [sflag:s10], $0x4000;
	s16 =	sor.u32 s17, s16  }
0x105: {  	[sflag:s10] =	ssyncset.done $0x0;
	s15 =	ssub.s32 $0x1, s15;
	s16 =	sshrl.u32 s16, $0x3  }
0x106: {  	[sflag:s10] =	ssyncadd.s32 $0xFFFFC000;
	s17 =	sshll.u32 s15, $0x11;
	s16 =	sadd.s32 s3, s16  }
0x107: {  	[hbm:s16@s7], [sflag:s11] =	dma.strided [spmem:s1@s5], $0x4000, s6, $0x10   }
0x108: {  	s15 =	sshll.u32 s15, $0x7;
	s16 =	sand.u32 $0xFFFC0000, s17  }
0x109: {  	s15 =	sand.u32 $0x80, s15;
	s14 =	sadd.s32 s14, s16;
	_ =	swait.ge [sflag:s9], $0x4000  }
0x10a: {  	s14 =	sor.u32 s15, s14;
	[sflag:s9] =	ssyncset.done $0x0  }
0x10b: {  	s14 =	sshrl.u32 s14, $0x3;
	[sflag:s9] =	ssyncadd.s32 $0xFFFFC000  }
0x10c: {  	s14 =	sadd.s32 s3, s14  }
0x10d: {  	[hbm:s14@s7], [sflag:s13] =	dma.strided [spmem:s8@s5], $0x4000, s6, $0x10   }
0x10e: {  	_ =	swait.ge [sflag:s11], $0x4000  }
0x10f: {  	[sflag:s11] =	ssyncset.done $0x0  }
0x110: {  	[sflag:s11] =	ssyncadd.s32 $0xFFFFC000;
	_ =	sdelay $0x2  }
0x111: {  	_ =	swait.ge [sflag:s13], $0x4000  }
0x112: {  	s18 =	sor.u32 $0x34, s12;
	[sflag:s13] =	ssyncset.done $0x0  }
0x113: {  	s19 =	sor.u32 $0x44, s12;
	s20 =	sshll.u32 s18, $0xF;
	[sflag:s13] =	ssyncadd.s32 $0xFFFFC000  }
0x114: {  	s16 =	sadd.s32 s20, s4;
	s15 =	sld [smem:s19+$0x0]  }
0x115: {  	[spmem:s1@s5], [sflag:s10] =	dma.strided [hbm:s16@s7], $0x4000, s6, $0x10   }
0x116: {  	s16 =	sadd.s32 $0x10, s16  }
0x117: {  	[spmem:s8@s5], [sflag:s9] =	dma.strided [hbm:s16@s7], $0x4000, s6, $0x10   }
0x118: {  	s21 =	sshll.u32 s15, $0x11  }
0x119: {  	s14 =	sshll.u32 s18, $0x12;
	s22 =	sshll.u32 s15, $0x7;
	s16 =	sand.u32 $0xFFFC0000, s21  }
0x11a: {  	s17 =	sand.u32 $0x80, s22;
	s16 =	sadd.s32 s14, s16  }
0x11b: {  	_ =	swait.ge [sflag:s10], $0x4000;
	s16 =	sor.u32 s17, s16  }
0x11c: {  	[sflag:s10] =	ssyncset.done $0x0;
	s15 =	ssub.s32 $0x1, s15;
	s16 =	sshrl.u32 s16, $0x3  }
0x11d: {  	[sflag:s10] =	ssyncadd.s32 $0xFFFFC000;
	s23 =	sshll.u32 s15, $0x11;
	s16 =	sadd.s32 s3, s16  }
0x11e: {  	[hbm:s16@s7], [sflag:s11] =	dma.strided [spmem:s1@s5], $0x4000, s6, $0x10   }
0x11f: {  	s15 =	sshll.u32 s15, $0x7;
	s16 =	sand.u32 $0xFFFC0000, s23  }
0x120: {  	s15 =	sand.u32 $0x80, s15;
	s14 =	sadd.s32 s14, s16;
	_ =	swait.ge [sflag:s9], $0x4000  }
0x121: {  	s14 =	sor.u32 s15, s14;
	[sflag:s9] =	ssyncset.done $0x0  }
0x122: {  	s14 =	sshrl.u32 s14, $0x3;
	[sflag:s9] =	ssyncadd.s32 $0xFFFFC000  }
0x123: {  	s14 =	sadd.s32 s3, s14  }
0x124: {  	[hbm:s14@s7], [sflag:s13] =	dma.strided [spmem:s8@s5], $0x4000, s6, $0x10   }
0x125: {  	_ =	swait.ge [sflag:s11], $0x4000  }
0x126: {  	[sflag:s11] =	ssyncset.done $0x0  }
0x127: {  	[sflag:s11] =	ssyncadd.s32 $0xFFFFC000;
	_ =	sdelay $0x2  }
0x128: {  	_ =	swait.ge [sflag:s13], $0x4000  }
0x129: {  	s24 =	sor.u32 $0x35, s12;
	[sflag:s13] =	ssyncset.done $0x0  }
0x12a: {  	s25 =	sor.u32 $0x45, s12;
	s26 =	sshll.u32 s24, $0xF;
	[sflag:s13] =	ssyncadd.s32 $0xFFFFC000  }
0x12b: {  	s16 =	sadd.s32 s26, s4;
	s15 =	sld [smem:s25+$0x0]  }
0x12c: {  	[spmem:s1@s5], [sflag:s10] =	dma.strided [hbm:s16@s7], $0x4000, s6, $0x10   }
0x12d: {  	s16 =	sadd.s32 $0x10, s16  }
0x12e: {  	[spmem:s8@s5], [sflag:s9] =	dma.strided [hbm:s16@s7], $0x4000, s6, $0x10   }
0x12f: {  	s28 =	sshll.u32 s15, $0x11  }
0x130: {  	s14 =	sshll.u32 s24, $0x12;
	s29 =	sshll.u32 s15, $0x7;
	s16 =	sand.u32 $0xFFFC0000, s28  }
0x131: {  	s17 =	sand.u32 $0x80, s29;
	s16 =	sadd.s32 s14, s16  }
0x132: {  	_ =	swait.ge [sflag:s10], $0x4000;
	s16 =	sor.u32 s17, s16  }
0x133: {  	[sflag:s10] =	ssyncset.done $0x0;
	s15 =	ssub.s32 $0x1, s15;
	s16 =	sshrl.u32 s16, $0x3  }
0x134: {  	[sflag:s10] =	ssyncadd.s32 $0xFFFFC000;
	s30 =	sshll.u32 s15, $0x11;
	s16 =	sadd.s32 s3, s16  }
0x135: {  	[hbm:s16@s7], [sflag:s11] =	dma.strided [spmem:s1@s5], $0x4000, s6, $0x10   }
0x136: {  	s15 =	sshll.u32 s15, $0x7;
	s16 =	sand.u32 $0xFFFC0000, s30  }
0x137: {  	s15 =	sand.u32 $0x80, s15;
	s14 =	sadd.s32 s14, s16;
	_ =	swait.ge [sflag:s9], $0x4000  }
0x138: {  	s14 =	sor.u32 s15, s14;
	[sflag:s9] =	ssyncset.done $0x0  }
0x139: {  	s14 =	sshrl.u32 s14, $0x3;
	[sflag:s9] =	ssyncadd.s32 $0xFFFFC000  }
0x13a: {  	s14 =	sadd.s32 s3, s14  }
0x13b: {  	[hbm:s14@s7], [sflag:s13] =	dma.strided [spmem:s8@s5], $0x4000, s6, $0x10   }
0x13c: {  	_ =	swait.ge [sflag:s11], $0x4000  }
0x13d: {  	[sflag:s11] =	ssyncset.done $0x0  }
0x13e: {  	[sflag:s11] =	ssyncadd.s32 $0xFFFFC000;
	_ =	sdelay $0x2  }
0x13f: {  	_ =	swait.ge [sflag:s13], $0x4000  }
0x140: {  	s31 =	sor.u32 $0x36, s12;
	[sflag:s13] =	ssyncset.done $0x0  }
0x141: {  	s18 =	sshll.u32 s31, $0xF;
	s17 =	sor.u32 $0x46, s12;
	[sflag:s13] =	ssyncadd.s32 $0xFFFFC000  }
0x142: {  	s16 =	sadd.s32 s18, s4;
	s15 =	sld [smem:s17+$0x0]  }
0x143: {  	[spmem:s1@s5], [sflag:s10] =	dma.strided [hbm:s16@s7], $0x4000, s6, $0x10   }
0x144: {  	s16 =	sadd.s32 $0x10, s16  }
0x145: {  	[spmem:s8@s5], [sflag:s9] =	dma.strided [hbm:s16@s7], $0x4000, s6, $0x10   }
0x146: {  	s19 =	sshll.u32 s15, $0x11  }
0x147: {  	s14 =	sshll.u32 s31, $0x12;
	s20 =	sshll.u32 s15, $0x7;
	s16 =	sand.u32 $0xFFFC0000, s19  }
0x148: {  	s17 =	sand.u32 $0x80, s20;
	s16 =	sadd.s32 s14, s16  }
0x149: {  	_ =	swait.ge [sflag:s10], $0x4000;
	s16 =	sor.u32 s17, s16  }
0x14a: {  	[sflag:s10] =	ssyncset.done $0x0;
	s15 =	ssub.s32 $0x1, s15;
	s16 =	sshrl.u32 s16, $0x3  }
0x14b: {  	[sflag:s10] =	ssyncadd.s32 $0xFFFFC000;
	s21 =	sshll.u32 s15, $0x11;
	s16 =	sadd.s32 s3, s16  }
0x14c: {  	[hbm:s16@s7], [sflag:s11] =	dma.strided [spmem:s1@s5], $0x4000, s6, $0x10   }
0x14d: {  	s15 =	sshll.u32 s15, $0x7;
	s16 =	sand.u32 $0xFFFC0000, s21  }
0x14e: {  	s15 =	sand.u32 $0x80, s15;
	s14 =	sadd.s32 s14, s16;
	_ =	swait.ge [sflag:s9], $0x4000  }
0x14f: {  	s14 =	sor.u32 s15, s14;
	[sflag:s9] =	ssyncset.done $0x0  }
0x150: {  	s14 =	sshrl.u32 s14, $0x3;
	[sflag:s9] =	ssyncadd.s32 $0xFFFFC000  }
0x151: {  	s14 =	sadd.s32 s3, s14  }
0x152: {  	[hbm:s14@s7], [sflag:s13] =	dma.strided [spmem:s8@s5], $0x4000, s6, $0x10   }
0x153: {  	_ =	swait.ge [sflag:s11], $0x4000  }
0x154: {  	[sflag:s11] =	ssyncset.done $0x0  }
0x155: {  	[sflag:s11] =	ssyncadd.s32 $0xFFFFC000;
	_ =	sdelay $0x2  }
0x156: {  	_ =	swait.ge [sflag:s13], $0x4000  }
0x157: {  	s22 =	sor.u32 $0x37, s12;
	[sflag:s13] =	ssyncset.done $0x0  }
0x158: {  	s23 =	sshll.u32 s22, $0xF;
	s12 =	sor.u32 $0x47, s12;
	[sflag:s13] =	ssyncadd.s32 $0xFFFFC000  }
0x159: {  	s4 =	sadd.s32 s23, s4;
	s12 =	sld [smem:s12+$0x0]  }
0x15a: {  	[spmem:s1@s5], [sflag:s10] =	dma.strided [hbm:s4@s7], $0x4000, s6, $0x10   }
0x15b: {  	s4 =	sadd.s32 $0x10, s4  }
0x15c: {  	[spmem:s8@s5], [sflag:s9] =	dma.strided [hbm:s4@s7], $0x4000, s6, $0x10   }
0x15d: {  	s24 =	sshll.u32 s12, $0x11  }
0x15e: {  	s14 =	sshll.u32 s22, $0x12;
	s25 =	sshll.u32 s12, $0x7;
	s4 =	sand.u32 $0xFFFC0000, s24  }
0x15f: {  	s15 =	sand.u32 $0x80, s25;
	s4 =	sadd.s32 s14, s4  }
0x160: {  	_ =	swait.ge [sflag:s10], $0x4000;
	s4 =	sor.u32 s15, s4  }
0x161: {  	[sflag:s10] =	ssyncset.done $0x0;
	s26 =	ssub.s32 $0x1, s12;
	s4 =	sshrl.u32 s4, $0x3  }
0x162: {  	[sflag:s10] =	ssyncadd.s32 $0xFFFFC000;
	s28 =	sshll.u32 s26, $0x11;
	s4 =	sadd.s32 s3, s4  }
0x163: {  	[hbm:s4@s7], [sflag:s11] =	dma.strided [spmem:s1@s5], $0x4000, s6, $0x10   }
0x164: {  	s10 =	sand.u32 $0xFFFC0000, s28;
	s4 =	sshll.u32 s26, $0x7  }
0x165: {  	s10 =	sadd.s32 s14, s10;
	s4 =	sand.u32 $0x80, s4;
	_ =	swait.ge [sflag:s9], $0x4000  }
0x166: {  	s4 =	sor.u32 s4, s10;
	[sflag:s9] =	ssyncset.done $0x0  }
0x167: {  	s4 =	sshrl.u32 s4, $0x3;
	[sflag:s9] =	ssyncadd.s32 $0xFFFFC000  }
0x168: {  	s3 =	sadd.s32 s3, s4  }
0x169: {  	[hbm:s3@s7], [sflag:s13] =	dma.strided [spmem:s8@s5], $0x4000, s6, $0x10   }
0x16a: {  	_ =	swait.ge [sflag:s11], $0x4000  }
0x16b: {  	[sflag:s11] =	ssyncset.done $0x0  }
0x16c: {  	[sflag:s11] =	ssyncadd.s32 $0xFFFFC000;
	_ =	sdelay $0x2  }
0x16d: {  	_ =	swait.ge [sflag:s13], $0x4000  }
0x16e: {  	[sflag:s13] =	ssyncset.done $0x0  }
0x16f: {  	[sflag:s13] =	ssyncadd.s32 $0xFFFFC000  }
0x170: {  	_ =	strace $0x90000046  }
0x171: {  	s29 =	simm.s32 $0x9;
	_ =	strace $0x80000048  }
0x172: {  	_ =	swait.ge [sflag:s29], $0x1  }
0x173: {  	[sflag:s29] =	ssyncadd.s32 $0xFFFFFFFF  }
0x174: {  	_ =	strace $0x90000048  }
0x175: {  	_ =	sfence  }
0x176: {  	s30 =	sld [smem:$0x0];
	_ =	sdelay $0x2  }
0x177: {  	s31 =	sshll.u32 s2, $0xD;
	s2 =	sshrl.u32 s2, $0x2  }
0x178: {  	s4 =	sand.u32 $0x4000, s31;
	s2 =	sadd.s32 s2, s30  }
0x179: {  	s0 =	sor.u32 s4, s0;
	s2 =	sshll.u32 s2, $0x11  }
0x17a: {  	s0 =	sor.u32 s2, s0  }
0x17b: {  	s0 =	sadd.s32 $0x8F2B, s0  }
0x17c: {  	[sflag:s0] =	ssyncadd.remote.s32 $0x1  }
0x17d: {  	_ =	sfence.sel $0xFFFF  }
0x17e: {  	[dreg:$0x0] =	wrdreg $0xFFFFFFFF;
	(pc) =	sbr.abs _section_cstart, $3  }
0x17f: {  	[dreg:$0x1] =	wrdreg $0xFFFFFFFF  }
0x180: {  	_ =	task.clear_ibuf [dreg:s1], $0x2FFFF;
	_ =	strace $0x9FFFFFFF  }
0x181: {  	(tm) =	ssettm $0x7FFFFFFF  }
tec
execute0_lowered:
.L_overlay_start_1:
0x0: {  	(tag) =	ssettag $0x1  }
0x1: {  	s1 =	rddreg [dreg:$0x0]  }
0x2: {  	s2 =	srdreg.scid;
	s3 =	rddreg [dreg:$0x1]  }
0x3: {  	s0 =	stileid.u32;
	[dreg:$0x4] =	wrdreg s3  }
0x4: {  	s4 =	sand.u32 $0x1, s2;
	s24 =	sshll.u32 s0, $0x1;
	s2 =	rddreg [dreg:$0x2]  }
0x5: {  	s0 =	simm.s32 $0x0;
	[dreg:$0x19] =	wrdreg s4;
	s4 =	sor.u32 s4, s24  }
0x6: {  	s14 =	sadd.s32 $0x2000, s1;
	s31 =	sadd.s32 $0x4000, s1;
	s6 =	smul.u32 $0x3, s4  }
0x7: {  	[smem:$0x7FF] =	sst s0;
	s24 =	simm.s32 $0x4000;
	s5 =	smul.u32 $0x60000, s4  }
0x8: {  	s18 =	sadd.s32 $0x6000, s1;
	_ =	strace $0x80000047;
	[dreg:$0x14] =	wrdreg s24  }
0x9: {  	s7 =	sshll.u32 s6, $0x11;
	s4 =	sand.u32 $0x1, s6;
	s5 =	sand.u32 $0xF00000, s5  }
0xa: {  	s10 =	sadd.s32 $0x1, s6;
	s11 =	sadd.s32 $0x2, s6;
	s7 =	sand.u32 $0xC0000, s7  }
0xb: {  	s15 =	sshrl.u32 s11, $0x1;
	s3 =	sor.u32 s5, s7;
	s5 =	sshrl.u32 s6, $0x1  }
0xc: {  	s12 =	sshll.u32 s4, $0x7;
	s6 =	sand.u32 $0x1, s10;
	s30 =	ssub.s32 s15, s5  }
0xd: {  	s7 =	sor.u32 s12, s3;
	s16 =	sshll.u32 s6, $0x1;
	[dreg:$0x1a] =	wrdreg s30  }
0xe: {  	s13 =	sshrl.u32 s7, $0x3;
	[dreg:$0x8] =	wrdreg s16;
	s15 =	ssub.s32 $0x1, s30  }
0xf: {  	s8 =	sshrl.u32 s10, $0x1;
	s9 =	sadd.s32 s1, s13;
	[dreg:$0x9] =	wrdreg s15  }
0x10: {  	s7 =	ssub.s32 s8, s5;
	s25 =	sadd.s32 s13, s14;
	[dreg:$0x5] =	wrdreg s9  }
0x11: {  	s11 =	sshll.u32 s11, $0x11;
	s26 =	ssub.s32 $0x1, s7;
	[dreg:$0x6] =	wrdreg s25  }
0x12: {  	s8 =	sand.u32 $0x1FC0000, s11;
	s17 =	sadd.s32 s13, s31;
	[dreg:$0x7] =	wrdreg s26  }
0x13: {  	s13 =	sadd.s32 s13, s18;
	s12 =	sor.u32 s12, s8;
	[dreg:$0xa] =	wrdreg s17  }
0x14: {  	s10 =	sshll.u32 s10, $0x11;
	[dreg:$0xb] =	wrdreg s13;
	s12 =	sshrl.u32 s12, $0x3  }
0x15: {  	s9 =	sand.u32 $0x1FC0000, s10;
	s26 =	rddreg [dreg:$0x4];
	s23 =	sadd.s32 s12, s14  }
0x16: {  	s10 =	sshll.u32 s6, $0x7;
	s25 =	sadd.s32 s12, s31;
	[dreg:$0x11] =	wrdreg s23  }
0x17: {  	s16 =	sor.u32 s10, s9;
	s30 =	sadd.s32 s12, s18;
	[dreg:$0x12] =	wrdreg s25  }
0x18: {  	s16 =	sshrl.u32 s16, $0x3;
	[dreg:$0x13] =	wrdreg s30  }
0x19: {  	s19 =	sadd.s32 s1, s16;
	s21 =	sadd.s32 s16, s31;
	s31 =	rddreg [dreg:$0x5]  }
0x1a: {  	s20 =	sadd.s32 s16, s14;
	[dreg:$0xc] =	wrdreg s19  }
0x1b: {  	[dreg:$0xd] =	wrdreg s20  }
0x1c: {  	s1 =	sadd.s32 s1, s12;
	[dreg:$0xe] =	wrdreg s21  }
0x1d: {  	[dreg:$0x10] =	wrdreg s1  }
0x1e: {  	s13 =	simm.s32 $0x100;
	s22 =	sadd.s32 s16, s18;
	s1 =	rddreg [dreg:$0x14]  }
0x1f: {  	[tilespmem:s1], [sflag:$0x7] =	stream.linear.gather [hbm4b:s26+s0], $0x40, $0x38;
	[tilespmem:$0x1C080] =	vst v63  }
0x20: {  	s12 =	simm.s32 $0x80;
	s14 =	simm.s32 $0x4080;
	[dreg:$0xf] =	wrdreg s22  }
0x21: {  	[tilespmem:s14], [sflag:$0x1] =	stream.strided.gather [hbm4b:s31+s12], $0x8000, s13, s12, $0x38;
	[tilespmem:$0x1C080] =	vst v63  }
0x22: {  	s15 =	simm.s32 $0xC080;
	s16 =	simm.s32 $0x7;
	s0 =	rddreg [dreg:$0x6]  }
0x23: {  	[tilespmem:s15], [sflag:$0x2] =	stream.strided.gather [hbm4b:s0+s12], $0x8000, s13, s12, $0x38;
	[tilespmem:$0x1C080] =	vst v63  }
0x24: {  	_ =	swait.ge [sflag:s16], $0x40  }
0x25: {  	[sflag:s16] =	ssyncset.done $0x0  }
0x26: {  	[sflag:s16] =	ssyncadd.s32 $0xFFFFFFC0  }
0x27: {  	v0 =	vld [tilespmem:s5+$0x4000];
	_ =	sdelay $0x4  }
0x28: {  	(v2sf) =	vpush v0, $0x0;
	_ =	sdelay $0x5  }
0x29: {  	(v2sf) =	vpush v0, $0x1;
	_ =	sdelay $0x8  }
0x2a: {  	s17 =	sshll.u32 s4, $0x1;
	s30 =	spop (v2sf)  }
0x2b: {  	[dreg:$0x15] =	wrdreg s5;
	s5 =	smul.u32 s17, s30  }
0x2c: {  	s19 =	sadd.s32 s4, s30  }
0x2d: {  	[dreg:$0x16] =	wrdreg s3;
	s20 =	ssub.s32 s19, s5  }
0x2e: {  	s18 =	simm.s32 $0x1;
	s11 =	rddreg [dreg:$0x9];
	s20 =	sshll.u32 s20, $0x11  }
0x2f: {  	s31 =	rddreg [dreg:$0x8];
	s19 =	sshll.u32 s19, $0x7;
	s20 =	sand.u32 $0xFFFC0000, s20  }
0x30: {  	s5 =	spop (v2sf);
	s19 =	sand.u32 $0x80, s19;
	s20 =	sadd.s32 s3, s20  }
0x31: {  	s10 =	rddreg [dreg:$0x7];
	_ =	swait.ge [sflag:s18], $0x8000;
	s19 =	sor.u32 s19, s20  }
0x32: {  	[sflag:s18] =	ssyncset.done $0x0;
	s26 =	sshrl.u32 s19, $0x3  }
0x33: {  	[sflag:s18] =	ssyncadd.s32 $0xFFFF8000;
	s19 =	sadd.s32 s2, s26  }
0x34: {  	[hbm4b:s19+s12] =	stream.strided.scatter [tilespmem:s14], [sflag:$0x4], $0x8000, s13, s12, $0x38;
	[tilespmem:$0x1C080] =	vst v63  }
0x35: {  	s25 =	rddreg [dreg:$0xa];
	s20 =	simm.s32 $0x2;
	s19 =	simm.s32 $0x14080  }
0x36: {  	[tilespmem:s19], [sflag:$0x3] =	stream.strided.gather [hbm4b:s25+s12], $0x8000, s13, s12, $0x38;
	[tilespmem:$0x1C080] =	vst v63  }
0x37: {  	_ =	swait.ge [sflag:s20], $0x8000  }
0x38: {  	s21 =	sadd.s32 $0x2000, s2;
	[sflag:s20] =	ssyncset.done $0x0  }
0x39: {  	s22 =	sadd.s32 s26, s21;
	[sflag:s20] =	ssyncadd.s32 $0xFFFF8000  }
0x3a: {  	[hbm4b:s22+s12] =	stream.strided.scatter [tilespmem:s15], [sflag:$0x5], $0x8000, s13, s12, $0x38;
	[tilespmem:$0x1C080] =	vst v63  }
0x3b: {  	s22 =	simm.s32 $0x4  }
0x3c: {  	_ =	swait.ge [sflag:s22], $0x8000  }
0x3d: {  	[sflag:s22] =	ssyncset.done $0x0  }
0x3e: {  	s23 =	rddreg [dreg:$0xb];
	[sflag:s22] =	ssyncadd.s32 $0xFFFF8000  }
0x3f: {  	[tilespmem:s14], [sflag:$0x1] =	stream.strided.gather [hbm4b:s23+s12], $0x8000, s13, s12, $0x38;
	[tilespmem:$0x1C080] =	vst v63  }
0x40: {  	s23 =	simm.s32 $0x3  }
0x41: {  	_ =	swait.ge [sflag:s23], $0x8000  }
0x42: {  	s25 =	sadd.s32 $0x4000, s2;
	[sflag:s23] =	ssyncset.done $0x0  }
0x43: {  	s24 =	sadd.s32 s26, s25;
	[sflag:s23] =	ssyncadd.s32 $0xFFFF8000  }
0x44: {  	[hbm4b:s24+s12] =	stream.strided.scatter [tilespmem:s19], [sflag:$0x6], $0x8000, s13, s12, $0x38;
	[tilespmem:$0x1C080] =	vst v63  }
0x45: {  	s24 =	simm.s32 $0x5  }
0x46: {  	_ =	swait.ge [sflag:s24], $0x8000  }
0x47: {  	[sflag:s24] =	ssyncset.done $0x0  }
0x48: {  	s28 =	rddreg [dreg:$0xc];
	[sflag:s24] =	ssyncadd.s32 $0xFFFF8000  }
0x49: {  	[tilespmem:s15], [sflag:$0x2] =	stream.strided.gather [hbm4b:s28+s12], $0x8000, s13, s12, $0x38;
	[tilespmem:$0x1C080] =	vst v63  }
0x4a: {  	_ =	swait.ge [sflag:s18], $0x8000  }
0x4b: {  	s29 =	smul.u32 s10, s30;
	s28 =	sadd.s32 $0x6000, s2;
	[sflag:s18] =	ssyncset.done $0x0  }
0x4c: {  	s1 =	smul.u32 s7, s5;
	s26 =	sadd.s32 s26, s28;
	[sflag:s18] =	ssyncadd.s32 $0xFFFF8000  }
0x4d: {  	[hbm4b:s26+s12] =	stream.strided.scatter [tilespmem:s14], [sflag:$0x4], $0x8000, s13, s12, $0x38;
	[tilespmem:$0x1C080] =	vst v63  }
0x4e: {  	s0 =	sadd.s32 s1, s29;
	s26 =	simm.s32 $0x6  }
0x4f: {  	_ =	swait.ge [sflag:s26], $0x8000;
	[dreg:$0x17] =	wrdreg s7;
	s7 =	smul.u32 s0, s31  }
0x50: {  	s0 =	sadd.s32 s6, s0;
	[sflag:s26] =	ssyncset.done $0x0  }
0x51: {  	s3 =	rddreg [dreg:$0xd];
	[sflag:s26] =	ssyncadd.s32 $0xFFFF8000;
	s1 =	ssub.s32 s0, s7  }
0x52: {  	[tilespmem:s19], [sflag:$0x3] =	stream.strided.gather [hbm4b:s3+s12], $0x8000, s13, s12, $0x38;
	[tilespmem:$0x1C080] =	vst v63  }
0x53: {  	s1 =	sshll.u32 s1, $0x11  }
0x54: {  	s0 =	sshll.u32 s0, $0x7;
	s1 =	sand.u32 $0xFFFC0000, s1  }
0x55: {  	[dreg:$0x18] =	wrdreg s6;
	s0 =	sand.u32 $0x80, s0;
	s1 =	sadd.s32 s9, s1  }
0x56: {  	_ =	swait.ge [sflag:s20], $0x8000;
	s0 =	sor.u32 s0, s1  }
0x57: {  	[sflag:s20] =	ssyncset.done $0x0;
	s0 =	sshrl.u32 s0, $0x3  }
0x58: {  	s10 =	smov.u32 s9;
	[sflag:s20] =	ssyncadd.s32 $0xFFFF8000;
	s9 =	sadd.s32 s2, s0  }
0x59: {  	[hbm4b:s9+s12] =	stream.strided.scatter [tilespmem:s15], [sflag:$0x5], $0x8000, s13, s12, $0x38;
	[tilespmem:$0x1C080] =	vst v63  }
0x5a: {  	_ =	swait.ge [sflag:s22], $0x8000  }
0x5b: {  	[sflag:s22] =	ssyncset.done $0x0  }
0x5c: {  	s31 =	rddreg [dreg:$0xe];
	[sflag:s22] =	ssyncadd.s32 $0xFFFF8000  }
0x5d: {  	[tilespmem:s14], [sflag:$0x1] =	stream.strided.gather [hbm4b:s31+s12], $0x8000, s13, s12, $0x38;
	[tilespmem:$0x1C080] =	vst v63  }
0x5e: {  	_ =	swait.ge [sflag:s23], $0x8000  }
0x5f: {  	[sflag:s23] =	ssyncset.done $0x0  }
0x60: {  	s3 =	sadd.s32 s0, s21;
	[sflag:s23] =	ssyncadd.s32 $0xFFFF8000  }
0x61: {  	[hbm4b:s3+s12] =	stream.strided.scatter [tilespmem:s19], [sflag:$0x6], $0x8000, s13, s12, $0x38;
	[tilespmem:$0x1C080] =	vst v63  }
0x62: {  	_ =	swait.ge [sflag:s24], $0x8000  }
0x63: {  	[sflag:s24] =	ssyncset.done $0x0  }
0x64: {  	s6 =	rddreg [dreg:$0xf];
	[sflag:s24] =	ssyncadd.s32 $0xFFFF8000  }
0x65: {  	[tilespmem:s15], [sflag:$0x2] =	stream.strided.gather [hbm4b:s6+s12], $0x8000, s13, s12, $0x38;
	[tilespmem:$0x1C080] =	vst v63  }
0x66: {  	_ =	swait.ge [sflag:s18], $0x8000  }
0x67: {  	[sflag:s18] =	ssyncset.done $0x0  }
0x68: {  	s7 =	sadd.s32 s0, s25;
	[sflag:s18] =	ssyncadd.s32 $0xFFFF8000  }
0x69: {  	[hbm4b:s7+s12] =	stream.strided.scatter [tilespmem:s14], [sflag:$0x4], $0x8000, s13, s12, $0x38;
	[tilespmem:$0x1C080] =	vst v63  }
0x6a: {  	_ =	swait.ge [sflag:s26], $0x8000  }
0x6b: {  	[sflag:s26] =	ssyncset.done $0x0  }
0x6c: {  	s9 =	rddreg [dreg:$0x10];
	[sflag:s26] =	ssyncadd.s32 $0xFFFF8000  }
0x6d: {  	[tilespmem:s19], [sflag:$0x3] =	stream.strided.gather [hbm4b:s9+s12], $0x8000, s13, s12, $0x38;
	[tilespmem:$0x1C080] =	vst v63  }
0x6e: {  	_ =	swait.ge [sflag:s20], $0x8000  }
0x6f: {  	[sflag:s20] =	ssyncset.done $0x0  }
0x70: {  	s0 =	sadd.s32 s0, s28;
	[sflag:s20] =	ssyncadd.s32 $0xFFFF8000  }
0x71: {  	[hbm4b:s0+s12] =	stream.strided.scatter [tilespmem:s15], [sflag:$0x5], $0x8000, s13, s12, $0x38;
	[tilespmem:$0x1C080] =	vst v63  }
0x72: {  	_ =	swait.ge [sflag:s22], $0x8000  }
0x73: {  	s30 =	smul.u32 s11, s30;
	s31 =	rddreg [dreg:$0x1a];
	[sflag:s22] =	ssyncset.done $0x0  }
0x74: {  	s29 =	rddreg [dreg:$0x11];
	s1 =	smul.u32 s31, s5;
	[sflag:s22] =	ssyncadd.s32 $0xFFFF8000  }
0x75: {  	[tilespmem:s14], [sflag:$0x1] =	stream.strided.gather [hbm4b:s29+s12], $0x8000, s13, s12, $0x38;
	[tilespmem:$0x1C080] =	vst v63  }
0x76: {  	s0 =	sadd.s32 s1, s30  }
0x77: {  	s1 =	smul.u32 s17, s0  }
0x78: {  	s0 =	sadd.s32 s4, s0  }
0x79: {  	s1 =	ssub.s32 s0, s1  }
0x7a: {  	s1 =	sshll.u32 s1, $0x11  }
0x7b: {  	s0 =	sshll.u32 s0, $0x7;
	s1 =	sand.u32 $0xFFFC0000, s1  }
0x7c: {  	s0 =	sand.u32 $0x80, s0;
	s1 =	sadd.s32 s8, s1  }
0x7d: {  	_ =	swait.ge [sflag:s23], $0x8000;
	s0 =	sor.u32 s0, s1  }
0x7e: {  	[sflag:s23] =	ssyncset.done $0x0;
	s0 =	sshrl.u32 s0, $0x3  }
0x7f: {  	[sflag:s23] =	ssyncadd.s32 $0xFFFF8000;
	s3 =	sadd.s32 s2, s0  }
0x80: {  	[hbm4b:s3+s12] =	stream.strided.scatter [tilespmem:s19], [sflag:$0x6], $0x8000, s13, s12, $0x38;
	[tilespmem:$0x1C080] =	vst v63  }
0x81: {  	_ =	swait.ge [sflag:s24], $0x8000  }
0x82: {  	[sflag:s24] =	ssyncset.done $0x0  }
0x83: {  	s5 =	rddreg [dreg:$0x12];
	[sflag:s24] =	ssyncadd.s32 $0xFFFF8000  }
0x84: {  	[tilespmem:s15], [sflag:$0x2] =	stream.strided.gather [hbm4b:s5+s12], $0x8000, s13, s12, $0x38;
	[tilespmem:$0x1C080] =	vst v63  }
0x85: {  	_ =	swait.ge [sflag:s18], $0x8000  }
0x86: {  	[sflag:s18] =	ssyncset.done $0x0  }
0x87: {  	s6 =	sadd.s32 s0, s21;
	[sflag:s18] =	ssyncadd.s32 $0xFFFF8000  }
0x88: {  	[hbm4b:s6+s12] =	stream.strided.scatter [tilespmem:s14], [sflag:$0x4], $0x8000, s13, s12, $0x38;
	[tilespmem:$0x1C080] =	vst v63  }
0x89: {  	_ =	swait.ge [sflag:s26], $0x8000  }
0x8a: {  	[sflag:s26] =	ssyncset.done $0x0  }
0x8b: {  	s7 =	rddreg [dreg:$0x13];
	[sflag:s26] =	ssyncadd.s32 $0xFFFF8000  }
0x8c: {  	[tilespmem:s19], [sflag:$0x3] =	stream.strided.gather [hbm4b:s7+s12], $0x8000, s13, s12, $0x38;
	[tilespmem:$0x1C080] =	vst v63  }
0x8d: {  	_ =	swait.ge [sflag:s20], $0x8000  }
0x8e: {  	[sflag:s20] =	ssyncset.done $0x0;
	s30 =	rddreg [dreg:$0x19]  }
0x8f: {  	s11 =	sadd.s32 s0, s25;
	[sflag:s20] =	ssyncadd.s32 $0xFFFF8000;
	s1 =	ssub.s32 $0x2, s30  }
0x90: {  	[hbm4b:s11+s12] =	stream.strided.scatter [tilespmem:s15], [sflag:$0x5], $0x8000, s13, s12, $0x38;
	[tilespmem:$0x1C080] =	vst v63  }
0x91: {  	s29 =	sshrl.u32 s1, $0x1  }
0x92: {  	s1 =	ssub.s32 s1, s29  }
0x93: {  	s9 =	smov.u32 s31;
	s31 =	smax.u32 s1, $0x1  }
0x94: {  	p0 =	sne.s32 s31, $0x1  }
.Ltmp0:
0x95: {  	_ =	swait.ge [sflag:s23], $0x8000;
	(pc) =	sbr.rel @!p0 .LBB2_3-.Ltmp0, $4  }
0x96: {  	[sflag:s23] =	ssyncset.done $0x0  }
0x97: {  	s0 =	sadd.s32 s0, s28;
	[sflag:s23] =	ssyncadd.s32 $0xFFFF8000  }
0x98: {  	[hbm4b:s0+s12] =	stream.strided.scatter [tilespmem:s19], [sflag:$0x6], $0x8000, s13, s12, $0x38;
	[tilespmem:$0x1C080] =	vst v63  }
0x99: {  	s29 =	sadd.s32 $0xFFFFFFFF, s31;
	_ =	swait.ge [sflag:s22], $0x8000  }
0x9a: {  	s11 =	smov.u32 s8  }
.LBB2_2:
0x9b: {  	[sflag:s22] =	ssyncset.done $0x0  }
0x9c: {  	[sflag:s22] =	ssyncadd.s32 $0xFFFF8000  }
0x9d: {  	_ =	swait.ge [sflag:s24], $0x8000  }
0x9e: {  	[sflag:s24] =	ssyncset.done $0x0  }
0x9f: {  	[sflag:s24] =	ssyncadd.s32 $0xFFFF8000  }
0xa0: {  	_ =	swait.ge [sflag:s26], $0x8000  }
0xa1: {  	s0 =	rddreg [dreg:$0x14];
	[sflag:s26] =	ssyncset.done $0x0  }
0xa2: {  	s3 =	simm.s32 $0x0;
	s1 =	rddreg [dreg:$0x4];
	[sflag:s26] =	ssyncadd.s32 $0xFFFF8000  }
0xa3: {  	[tilespmem:s0], [sflag:$0x7] =	stream.linear.gather [hbm4b:s1+s3], $0x40, $0x38;
	[tilespmem:$0x1C080] =	vst v63  }
0xa4: {  	s31 =	rddreg [dreg:$0x5]  }
0xa5: {  	[tilespmem:s14], [sflag:$0x1] =	stream.strided.gather [hbm4b:s31+s12], $0x8000, s13, s12, $0x38;
	[tilespmem:$0x1C080] =	vst v63  }
0xa6: {  	s30 =	rddreg [dreg:$0x6]  }
0xa7: {  	[tilespmem:s15], [sflag:$0x2] =	stream.strided.gather [hbm4b:s30+s12], $0x8000, s13, s12, $0x38;
	[tilespmem:$0x1C080] =	vst v63  }
0xa8: {  	_ =	swait.ge [sflag:s16], $0x40  }
0xa9: {  	[sflag:s16] =	ssyncset.done $0x0  }
0xaa: {  	s7 =	rddreg [dreg:$0x15];
	[sflag:s16] =	ssyncadd.s32 $0xFFFFFFC0  }
0xab: {  	v0 =	vld [tilespmem:s7+$0x4000];
	_ =	sdelay $0x4  }
0xac: {  	(v2sf) =	vpush v0, $0x0;
	_ =	sdelay $0x2  }
0xad: {  	(v2sf) =	vpush v0, $0x1;
	_ =	sdelay $0xb  }
0xae: {  	s0 =	spop (v2sf)  }
0xaf: {  	s8 =	smul.u32 s17, s0  }
0xb0: {  	s5 =	sadd.s32 s4, s0  }
0xb1: {  	s6 =	rddreg [dreg:$0x17];
	s30 =	spop (v2sf);
	s1 =	ssub.s32 s5, s8  }
0xb2: {  	s7 =	rddreg [dreg:$0x7];
	s3 =	smul.u32 s6, s30;
	s1 =	sshll.u32 s1, $0x11  }
0xb3: {  	s31 =	sshll.u32 s5, $0x7;
	s8 =	rddreg [dreg:$0x16];
	s1 =	sand.u32 $0xFFFC0000, s1  }
0xb4: {  	s6 =	rddreg [dreg:$0x8];
	s31 =	sand.u32 $0x80, s31;
	s1 =	sadd.s32 s8, s1  }
0xb5: {  	s5 =	rddreg [dreg:$0x9];
	_ =	swait.ge [sflag:s18], $0x8000;
	s1 =	sor.u32 s31, s1  }
0xb6: {  	[sflag:s18] =	ssyncset.done $0x0;
	s31 =	sshrl.u32 s1, $0x3  }
0xb7: {  	[sflag:s18] =	ssyncadd.s32 $0xFFFF8000;
	s1 =	sadd.s32 s2, s31  }
0xb8: {  	[hbm4b:s1+s12] =	stream.strided.scatter [tilespmem:s14], [sflag:$0x4], $0x8000, s13, s12, $0x38;
	[tilespmem:$0x1C080] =	vst v63  }
0xb9: {  	s8 =	rddreg [dreg:$0xa]  }
0xba: {  	[tilespmem:s19], [sflag:$0x3] =	stream.strided.gather [hbm4b:s8+s12], $0x8000, s13, s12, $0x38;
	[tilespmem:$0x1C080] =	vst v63  }
0xbb: {  	s30 =	smul.u32 s9, s30;
	_ =	swait.ge [sflag:s20], $0x8000  }
0xbc: {  	s5 =	smul.u32 s5, s0;
	[sflag:s20] =	ssyncset.done $0x0  }
0xbd: {  	s0 =	smul.u32 s7, s0;
	s8 =	sadd.s32 s31, s21;
	[sflag:s20] =	ssyncadd.s32 $0xFFFF8000  }
0xbe: {  	[hbm4b:s8+s12] =	stream.strided.scatter [tilespmem:s15], [sflag:$0x5], $0x8000, s13, s12, $0x38;
	[tilespmem:$0x1C080] =	vst v63  }
0xbf: {  	s0 =	sadd.s32 s3, s0;
	s7 =	rddreg [dreg:$0x18];
	_ =	swait.ge [sflag:s22], $0x8000  }
0xc0: {  	s1 =	sadd.s32 s30, s5;
	s5 =	sadd.s32 s7, s0;
	[sflag:s22] =	ssyncset.done $0x0  }
0xc1: {  	s0 =	smul.u32 s0, s6;
	s6 =	rddreg [dreg:$0xb];
	[sflag:s22] =	ssyncadd.s32 $0xFFFF8000  }
0xc2: {  	[tilespmem:s14], [sflag:$0x1] =	stream.strided.gather [hbm4b:s6+s12], $0x8000, s13, s12, $0x38;
	[tilespmem:$0x1C080] =	vst v63  }
0xc3: {  	_ =	swait.ge [sflag:s23], $0x8000  }
0xc4: {  	s30 =	sshll.u32 s5, $0x7;
	[sflag:s23] =	ssyncset.done $0x0  }
0xc5: {  	s8 =	sand.u32 $0x80, s30;
	s30 =	sadd.s32 s31, s25;
	[sflag:s23] =	ssyncadd.s32 $0xFFFF8000  }
0xc6: {  	[hbm4b:s30+s12] =	stream.strided.scatter [tilespmem:s19], [sflag:$0x6], $0x8000, s13, s12, $0x38;
	[tilespmem:$0x1C080] =	vst v63  }
0xc7: {  	s3 =	smul.u32 s17, s1;
	_ =	swait.ge [sflag:s24], $0x8000  }
0xc8: {  	s1 =	sadd.s32 s4, s1;
	[sflag:s24] =	ssyncset.done $0x0  }
0xc9: {  	s3 =	ssub.s32 s1, s3;
	s6 =	rddreg [dreg:$0xc];
	[sflag:s24] =	ssyncadd.s32 $0xFFFF8000  }
0xca: {  	[tilespmem:s15], [sflag:$0x2] =	stream.strided.gather [hbm4b:s6+s12], $0x8000, s13, s12, $0x38;
	[tilespmem:$0x1C080] =	vst v63  }
0xcb: {  	s1 =	sshll.u32 s1, $0x7;
	s3 =	sshll.u32 s3, $0x11;
	_ =	swait.ge [sflag:s18], $0x8000  }
0xcc: {  	s1 =	sand.u32 $0x80, s1;
	s0 =	ssub.s32 s5, s0;
	[sflag:s18] =	ssyncset.done $0x0  }
0xcd: {  	s7 =	sadd.s32 s31, s28;
	s0 =	sshll.u32 s0, $0x11;
	[sflag:s18] =	ssyncadd.s32 $0xFFFF8000  }
0xce: {  	[hbm4b:s7+s12] =	stream.strided.scatter [tilespmem:s14], [sflag:$0x4], $0x8000, s13, s12, $0x38;
	[tilespmem:$0x1C080] =	vst v63  }
0xcf: {  	s3 =	sand.u32 $0xFFFC0000, s3;
	s0 =	sand.u32 $0xFFFC0000, s0;
	_ =	swait.ge [sflag:s26], $0x8000  }
0xd0: {  	s3 =	sadd.s32 s11, s3;
	s0 =	sadd.s32 s10, s0;
	[sflag:s26] =	ssyncset.done $0x0  }
0xd1: {  	s0 =	sor.u32 s8, s0;
	s8 =	rddreg [dreg:$0xd];
	[sflag:s26] =	ssyncadd.s32 $0xFFFF8000  }
0xd2: {  	[tilespmem:s19], [sflag:$0x3] =	stream.strided.gather [hbm4b:s8+s12], $0x8000, s13, s12, $0x38;
	[tilespmem:$0x1C080] =	vst v63  }
0xd3: {  	s1 =	sor.u32 s1, s3;
	_ =	swait.ge [sflag:s20], $0x8000  }
0xd4: {  	s30 =	sshrl.u32 s1, $0x3;
	s1 =	sshrl.u32 s0, $0x3;
	[sflag:s20] =	ssyncset.done $0x0  }
0xd5: {  	s31 =	sadd.s32 s2, s1;
	[sflag:s20] =	ssyncadd.s32 $0xFFFF8000  }
0xd6: {  	[hbm4b:s31+s12] =	stream.strided.scatter [tilespmem:s15], [sflag:$0x5], $0x8000, s13, s12, $0x38;
	[tilespmem:$0x1C080] =	vst v63  }
0xd7: {  	_ =	swait.ge [sflag:s22], $0x8000  }
0xd8: {  	[sflag:s22] =	ssyncset.done $0x0  }
0xd9: {  	s3 =	rddreg [dreg:$0xe];
	[sflag:s22] =	ssyncadd.s32 $0xFFFF8000  }
0xda: {  	[tilespmem:s14], [sflag:$0x1] =	stream.strided.gather [hbm4b:s3+s12], $0x8000, s13, s12, $0x38;
	[tilespmem:$0x1C080] =	vst v63  }
0xdb: {  	_ =	swait.ge [sflag:s23], $0x8000  }
0xdc: {  	[sflag:s23] =	ssyncset.done $0x0  }
0xdd: {  	s5 =	sadd.s32 s1, s21;
	[sflag:s23] =	ssyncadd.s32 $0xFFFF8000  }
0xde: {  	[hbm4b:s5+s12] =	stream.strided.scatter [tilespmem:s19], [sflag:$0x6], $0x8000, s13, s12, $0x38;
	[tilespmem:$0x1C080] =	vst v63  }
0xdf: {  	_ =	swait.ge [sflag:s24], $0x8000  }
0xe0: {  	[sflag:s24] =	ssyncset.done $0x0  }
0xe1: {  	s6 =	rddreg [dreg:$0xf];
	[sflag:s24] =	ssyncadd.s32 $0xFFFF8000  }
0xe2: {  	[tilespmem:s15], [sflag:$0x2] =	stream.strided.gather [hbm4b:s6+s12], $0x8000, s13, s12, $0x38;
	[tilespmem:$0x1C080] =	vst v63  }
0xe3: {  	_ =	swait.ge [sflag:s18], $0x8000  }
0xe4: {  	[sflag:s18] =	ssyncset.done $0x0  }
0xe5: {  	s7 =	sadd.s32 s1, s25;
	[sflag:s18] =	ssyncadd.s32 $0xFFFF8000  }
0xe6: {  	[hbm4b:s7+s12] =	stream.strided.scatter [tilespmem:s14], [sflag:$0x4], $0x8000, s13, s12, $0x38;
	[tilespmem:$0x1C080] =	vst v63  }
0xe7: {  	_ =	swait.ge [sflag:s26], $0x8000  }
0xe8: {  	[sflag:s26] =	ssyncset.done $0x0  }
0xe9: {  	s8 =	rddreg [dreg:$0x10];
	[sflag:s26] =	ssyncadd.s32 $0xFFFF8000  }
0xea: {  	[tilespmem:s19], [sflag:$0x3] =	stream.strided.gather [hbm4b:s8+s12], $0x8000, s13, s12, $0x38;
	[tilespmem:$0x1C080] =	vst v63  }
0xeb: {  	_ =	swait.ge [sflag:s20], $0x8000  }
0xec: {  	[sflag:s20] =	ssyncset.done $0x0  }
0xed: {  	s31 =	sadd.s32 s1, s28;
	[sflag:s20] =	ssyncadd.s32 $0xFFFF8000  }
0xee: {  	[hbm4b:s31+s12] =	stream.strided.scatter [tilespmem:s15], [sflag:$0x5], $0x8000, s13, s12, $0x38;
	[tilespmem:$0x1C080] =	vst v63  }
0xef: {  	_ =	swait.ge [sflag:s22], $0x8000  }
0xf0: {  	[sflag:s22] =	ssyncset.done $0x0  }
0xf1: {  	s1 =	rddreg [dreg:$0x11];
	[sflag:s22] =	ssyncadd.s32 $0xFFFF8000  }
0xf2: {  	[tilespmem:s14], [sflag:$0x1] =	stream.strided.gather [hbm4b:s1+s12], $0x8000, s13, s12, $0x38;
	[tilespmem:$0x1C080] =	vst v63  }
0xf3: {  	_ =	swait.ge [sflag:s23], $0x8000  }
0xf4: {  	[sflag:s23] =	ssyncset.done $0x0  }
0xf5: {  	s3 =	sadd.s32 s2, s30;
	[sflag:s23] =	ssyncadd.s32 $0xFFFF8000  }
0xf6: {  	[hbm4b:s3+s12] =	stream.strided.scatter [tilespmem:s19], [sflag:$0x6], $0x8000, s13, s12, $0x38;
	[tilespmem:$0x1C080] =	vst v63  }
0xf7: {  	_ =	swait.ge [sflag:s24], $0x8000  }
0xf8: {  	[sflag:s24] =	ssyncset.done $0x0  }
0xf9: {  	s5 =	rddreg [dreg:$0x12];
	[sflag:s24] =	ssyncadd.s32 $0xFFFF8000  }
0xfa: {  	[tilespmem:s15], [sflag:$0x2] =	stream.strided.gather [hbm4b:s5+s12], $0x8000, s13, s12, $0x38;
	[tilespmem:$0x1C080] =	vst v63  }
0xfb: {  	_ =	swait.ge [sflag:s18], $0x8000  }
0xfc: {  	[sflag:s18] =	ssyncset.done $0x0  }
0xfd: {  	s6 =	sadd.s32 s30, s21;
	[sflag:s18] =	ssyncadd.s32 $0xFFFF8000  }
0xfe: {  	[hbm4b:s6+s12] =	stream.strided.scatter [tilespmem:s14], [sflag:$0x4], $0x8000, s13, s12, $0x38;
	[tilespmem:$0x1C080] =	vst v63  }
0xff: {  	_ =	swait.ge [sflag:s26], $0x8000  }
0x100: {  	[sflag:s26] =	ssyncset.done $0x0  }
0x101: {  	s7 =	rddreg [dreg:$0x13];
	[sflag:s26] =	ssyncadd.s32 $0xFFFF8000  }
0x102: {  	[tilespmem:s19], [sflag:$0x3] =	stream.strided.gather [hbm4b:s7+s12], $0x8000, s13, s12, $0x38;
	[tilespmem:$0x1C080] =	vst v63  }
0x103: {  	_ =	swait.ge [sflag:s20], $0x8000  }
0x104: {  	[sflag:s20] =	ssyncset.done $0x0  }
0x105: {  	p0 =	sne.s32 s29, $0x1;
	s8 =	sadd.s32 s30, s25;
	[sflag:s20] =	ssyncadd.s32 $0xFFFF8000  }
0x106: {  	[hbm4b:s8+s12] =	stream.strided.scatter [tilespmem:s15], [sflag:$0x5], $0x8000, s13, s12, $0x38;
	[tilespmem:$0x1C080] =	vst v63  }
.Ltmp1:
0x107: {  	_ =	swait.ge [sflag:s23], $0x8000;
	(pc) =	sbr.rel @p0 .LBB2_2-.Ltmp1, $4  }
0x108: {  	[sflag:s23] =	ssyncset.done $0x0  }
0x109: {  	s31 =	sadd.s32 s30, s28;
	[sflag:s23] =	ssyncadd.s32 $0xFFFF8000  }
0x10a: {  	[hbm4b:s31+s12] =	stream.strided.scatter [tilespmem:s19], [sflag:$0x6], $0x8000, s13, s12, $0x38;
	[tilespmem:$0x1C080] =	vst v63  }
0x10b: {  	s29 =	sadd.s32 $0xFFFFFFFF, s29;
	_ =	swait.ge [sflag:s22], $0x8000  }
.LBB2_3:
0x10c: {  	[sflag:s22] =	ssyncset.done $0x0  }
0x10d: {  	[sflag:s22] =	ssyncadd.s32 $0xFFFF8000  }
0x10e: {  	_ =	swait.ge [sflag:s24], $0x8000  }
0x10f: {  	[sflag:s24] =	ssyncset.done $0x0  }
0x110: {  	[sflag:s24] =	ssyncadd.s32 $0xFFFF8000  }
0x111: {  	_ =	swait.ge [sflag:s26], $0x8000  }
0x112: {  	[sflag:s26] =	ssyncset.done $0x0  }
0x113: {  	[sflag:s26] =	ssyncadd.s32 $0xFFFF8000  }
0x114: {  	_ =	sfence.sel $0x180000  }
0x115: {  	[bflag:$0x0] =	sbarrier.arrive $0xFFFF  }
0x116: {  	_ =	strace $0x90000047  }
0x117: {  	s0 =	stileid.u32;
	[bflag:$0x2] =	sbarrier.arrive $0xFFFF  }
0x118: {  	p0 =	sne.s32 s0, $0x0;
	s0 =	rddreg [dreg:$0x3]  }
0x119: {  	s0 =	sadd.s32 @!p0 $0x100000, s0  }
0x11a: {  	[sflag:s0] =	ssyncadd.tile.s32 @!p0 $0x1;
	_ =	shalt  }
.Lfunc_end2:
_tile_overlayer_lowered:
.L_overlay_start_2:
0x11b: {  	(tag) =	ssettag $0x2  }
0x11c: {  	s0 =	rddreg [dreg:$0x0];
	s2 =	stileid.u32  }
0x11d: {  	s1 =	rddreg [dreg:$0x1];
	p0 =	sne.s32 s2, $0x0  }
0x11e: {  	s3 =	rddreg [dreg:$0x2];
	[bflag:$0x3] =	sbarrier.arrive $0xFFFF;
	s2 =	simm.s32 @!p0 $0x1C01  }
0x11f: {  	[timem:s3], [sflag:s2] =	dma.local @!p0 [hbm:s0], s1  }
0x120: {  	s0 =	simm.s32 @!p0 $0x1  }
0x121: {  	_ =	swait.ge @!p0 [sflag:s0], s1  }
0x122: {  	s1 =	ssub.s32 @!p0 $0x0, s1;
	[sflag:s0] =	ssyncset.done @!p0 $0x0  }
0x123: {  	[sflag:s0] =	ssyncadd.s32 @!p0 s1  }
0x124: {  	[bflag:$0x3] =	sbarrier.arrive $0xFFFF  }
0x125: {  	_ =	shalt  }

</sc_bundles>
